<compile_context>
chip_gen: v7x
topology: tpu7x:2x2x1
jax: 0.10.2.dev20260603
libtpu: 0.0.44.dev20260713+nightly
codegen_flags: <defaults>
</compile_context>

<pallas_src>
import functools

import jax
import jax.numpy as jnp
from jax import lax
from jax.experimental import pallas as pl
from jax.experimental.pallas import tpu as pltpu
from jax.experimental.pallas import tpu_sc as plsc

_NC = 2
_NS = 16
_C = 128
_CW = 8
_K = 6
_DA = 3


@functools.lru_cache(maxsize=None)
def _make_agg(N, D, blocks, with_counts):
    H = D // 2
    nbm = blocks // _NS
    nlo = blocks - nbm * _NS
    assert nbm % _K == 0 and nbm > _K and 0 <= nlo <= _NS
    assert N % 80 == 0
    wb_rows = N // 10

    mesh = plsc.VectorSubcoreMesh(
        core_axis_name="c", subcore_axis_name="s",
        num_cores=_NC, num_subcores=_NS)

    out_type = [jax.ShapeDtypeStruct((N, D), jnp.bfloat16)]
    scratch = [
        pltpu.VMEM((nbm + 1, 2, _C), jnp.int32),
        pltpu.VMEM((_K, _C, H), jnp.bfloat16),
        pltpu.VMEM_SHARED((N, H), jnp.bfloat16),
    ] + [pltpu.SemaphoreType.DMA] * (2 * _K)
    if with_counts:
        out_type.append(jax.ShapeDtypeStruct((N, _CW), jnp.float32))
        scratch += [
            pltpu.VMEM((_C, _CW), jnp.float32),
            pltpu.VMEM_SHARED((N, _CW), jnp.float32),
            pltpu.SemaphoreType.DMA,
        ]

    @functools.partial(
        pl.kernel,
        out_type=tuple(out_type),
        mesh=mesh,
        scratch_types=scratch,
        compiler_params=pltpu.CompilerParams(use_tc_tiling_on_sc=False),
    )
    def agg(x2_hbm, e_hbm, zd_hbm, *rest):
        if with_counts:
            (zc_hbm, ones_hbm, outs_hbm, outc_hbm,
             ei, ring, acc, *sems) = rest
            ones, cacc, csem = sems[-3:]
            sems = sems[:-3]
        else:
            (outs_hbm, ei, ring, acc, *sems) = rest
        gsem = sems[:_K]
        ssem = sems[_K:2 * _K]
        c = lax.axis_index("c")
        s = lax.axis_index("s")
        has_tail = s < nlo

        @pl.when(s == 0)
        def _():
            pltpu.sync_copy(zd_hbm, acc)
            if with_counts:
                @pl.when(c == 0)
                def _():
                    pltpu.sync_copy(zc_hbm, cacc)

        plsc.subcore_barrier()

        if with_counts:
            pltpu.sync_copy(ones_hbm, ones)

        pltpu.sync_copy(e_hbm.at[pl.ds(s * nbm, nbm)],
                        ei.at[pl.ds(0, nbm)])

        @pl.when(has_tail)
        def _():
            pltpu.sync_copy(e_hbm.at[pl.ds(_NS * nbm + s, 1)],
                            ei.at[pl.ds(nbm, 1)])

        @pl.loop(0, nbm + 1)
        def _(j):
            for k in range(_C // 16):
                sl = pl.ds(k * 16, 16)
                v = ei[j, 0, sl]
                ei[j, 0, sl] = v + v

        tbl = x2_hbm.at[pl.ds(c, 2 * N - 1)]

        def fire_gather(m, b):
            pltpu.async_copy(tbl.at[ei.at[m, 0]], ring.at[b], gsem[b])

        def wait_gather(m, b):
            pltpu.make_async_copy(tbl.at[ei.at[m, 0]], ring.at[b],
                                  gsem[b]).wait()

        def fire_scatter(m, b):
            pltpu.async_copy(ring.at[b], acc.at[ei.at[m, 1]], ssem[b],
                             add=True)

        def wait_scatter(m, b):
            pltpu.make_async_copy(ring.at[b], acc.at[ei.at[m, 1]],
                                  ssem[b]).wait()

        def count_edges(m):
            if with_counts:
                @pl.when(c == 0)
                def _():
                    pltpu.async_copy(ones, cacc.at[ei.at[m, 1]], csem,
                                     add=True).wait()

        for m in range(_DA):
            fire_gather(m, m)

        @pl.loop(0, nbm, step=_K)
        def _(j):
            for o in range(_K):
                jj = j + o
                wait_gather(jj, o)
                fire_scatter(jj, o)
                count_edges(jj)
                ob = (o + _DA) % _K
                @pl.when(jj >= _K - _DA)
                def _():
                    wait_scatter(jj - (_K - _DA), ob)

                @pl.when(jj + _DA < nbm)
                def _():
                    fire_gather(jj + _DA, ob)

        for m in range(nbm - (_K - _DA), nbm):
            wait_scatter(m, m % _K)

        @pl.when(has_tail)
        def _():
            fire_gather(nbm, 0)
            wait_gather(nbm, 0)
            fire_scatter(nbm, 0)
            count_edges(nbm)
            wait_scatter(nbm, 0)

        plsc.subcore_barrier()

        @pl.when(s < 10)
        def _():
            r0 = s * wb_rows
            pltpu.sync_copy(acc.at[pl.ds(r0, wb_rows)],
                            outs_hbm.at[pl.ds(r0, wb_rows),
                                        pl.ds(c * H, H)])
            if with_counts:
                @pl.when(c == 0)
                def _():
                    pltpu.sync_copy(cacc.at[pl.ds(r0, wb_rows)],
                                    outc_hbm.at[pl.ds(r0, wb_rows)])

    return agg


@functools.lru_cache(maxsize=None)
def _make_dense(N, D, R=1000):
    assert N % R == 0

    def body(x_ref, s_ref, c_ref, w_ref, b_ref, o_ref):
        cnt = c_ref[:, 0:1]
        inv = jnp.where(cnt > 0.0, 1.0 / jnp.maximum(cnt, 1.0), 0.0)
        h = x_ref[...] + s_ref[...].astype(jnp.float32) * inv
        y = lax.dot_general(h, w_ref[...], (((1,), (1,)), ((), ())),
                            preferred_element_type=jnp.float32)
        o_ref[...] = jnp.maximum(y + b_ref[...], 0.0)

    return pl.pallas_call(
        body,
        grid=(N // R,),
        in_specs=[
            pl.BlockSpec((R, D), lambda i: (i, 0)),
            pl.BlockSpec((R, D), lambda i: (i, 0)),
            pl.BlockSpec((R, _CW), lambda i: (i, 0)),
            pl.BlockSpec((D, D), lambda i: (0, 0)),
            pl.BlockSpec((1, D), lambda i: (0, 0)),
        ],
        out_specs=pl.BlockSpec((R, D), lambda i: (i, 0)),
        out_shape=jax.ShapeDtypeStruct((N, D), jnp.float32),
    )


def kernel(x, edge_index, W1, b1, W2, b2):
    N, D = x.shape
    E = edge_index.shape[1]
    blocks = E // _C
    assert blocks * _C == E

    ei = edge_index.astype(jnp.int32).reshape(2, blocks, _C).transpose(1, 0, 2)

    zd = jnp.zeros((N, D // 2), jnp.bfloat16)
    zc = jnp.zeros((N, _CW), jnp.float32)
    ones = jnp.ones((_C, _CW), jnp.float32)

    agg_c = _make_agg(N, D, blocks, True)
    agg = _make_agg(N, D, blocks, False)
    dense = _make_dense(N, D)
    b1r = b1.reshape(1, D)
    b2r = b2.reshape(1, D)

    xb = x.astype(jnp.bfloat16)
    s1, c1 = agg_c(xb.reshape(2 * N, D // 2), ei, zd, zc, ones)
    h = dense(x, s1, c1, W1, b1r)
    hb = h.astype(jnp.bfloat16)
    (s2,) = agg(hb.reshape(2 * N, D // 2), ei, zd)
    z = dense(h, s2, c1, W2, b2r)
    return z

# --- scband reference (transcript-rebuilt; emitter-appended) ---
"""Pipeline reference for scband-mpencoder-44719199485974 (READ-ONLY COPY).

The authoritative reference and input builder live on the scoring server;
editing this copy changes nothing except your own understanding.
"""

import jax, jax.numpy as jnp
import numpy as np

N = 10000
E = 320000
IN_DIM = 128
HIDDEN_DIM = 128
OUT_DIM = 128


def setup_inputs(seed: int = 0) -> dict:
    key = jax.random.key(seed)
    k_x, k_e, k_w1, k_b1, k_w2, k_b2 = jax.random.split(key, 6)
    x = jax.random.normal(k_x, (N, IN_DIM), dtype=jnp.float32)
    edge_index = jax.random.randint(k_e, (2, E), 0, N, dtype=jnp.int64)
    # Linear params (PyTorch layout: W [out, in], b [out]), kaiming-uniform-ish init
    bound1 = 1.0 / np.sqrt(IN_DIM)
    W1 = jax.random.uniform(k_w1, (HIDDEN_DIM, IN_DIM), minval=-bound1, maxval=bound1, dtype=jnp.float32)
    b1 = jax.random.uniform(k_b1, (HIDDEN_DIM,), minval=-bound1, maxval=bound1, dtype=jnp.float32)
    bound2 = 1.0 / np.sqrt(HIDDEN_DIM)
    W2 = jax.random.uniform(k_w2, (OUT_DIM, HIDDEN_DIM), minval=-bound2, maxval=bound2, dtype=jnp.float32)
    b2 = jax.random.uniform(k_b2, (OUT_DIM,), minval=-bound2, maxval=bound2, dtype=jnp.float32)
    return {"x": x, "edge_index": edge_index, "W1": W1, "b1": b1, "W2": W2, "b2": b2}


def _mean_agg_layer(x, edge_index, W, b):
    # neighbors of node i = sources of edges whose dst == i
    src = edge_index[0]
    dst = edge_index[1]
    gathered = jnp.take(x, src, axis=0)                       # gather  [E, d]
    summed = jax.ops.segment_sum(gathered, dst, num_segments=x.shape[0])
    cnt = jax.ops.segment_sum(jnp.ones((edge_index.shape[1],), dtype=x.dtype), dst,
                              num_segments=x.shape[0])
    # nodes with no neighbors keep neigh_mean = 0 (matches torch reference)
    neigh_mean = jnp.where(cnt[:, None] > 0, summed / jnp.maximum(cnt, 1.0)[:, None], 0.0)
    h = x + neigh_mean
    return jax.nn.relu(h @ W.T + b)


def reference(x, edge_index, W1, b1, W2, b2):
    h = _mean_agg_layer(x, edge_index, W1, b1)
    z = _mean_agg_layer(h, edge_index, W2, b2)
    return z

if __name__ == "__main__":
    import jax
    _d = setup_inputs()
    print(jax.jit(kernel)(*tuple(_d.values())))

</pallas_src>

<mosaic_0001>
#map = affine_map<(d0, d1) -> (0, 0)>
#map1 = affine_map<(d0, d1) -> (0, 0, 0)>
module attributes {stable_mosaic.version = 14 : i64} {
  func.func @agg(%arg0: i32, %arg1: i32, %arg2: memref<20000x64xbf16, #tpu.memory_space<hbm>>, %arg3: memref<2500x2x128xi32, #tpu.memory_space<hbm>>, %arg4: memref<10000x64xbf16, #tpu.memory_space<hbm>>, %arg5: memref<10000x8xf32, #tpu.memory_space<hbm>>, %arg6: memref<128x8xf32, #tpu.memory_space<hbm>>, %arg7: memref<10000x128xbf16, #tpu.memory_space<hbm>>, %arg8: memref<10000x8xf32, #tpu.memory_space<hbm>>, %arg9: memref<157x2x128xi32, #tpu.memory_space<vmem>>, %arg10: memref<6x128x64xbf16, #tpu.memory_space<vmem>>, %arg11: memref<10000x64xbf16, #tpu.memory_space<vmem_shared>>, %arg12: memref<!tpu.dma_semaphore, #tpu.memory_space<semaphore_mem>>, %arg13: memref<!tpu.dma_semaphore, #tpu.memory_space<semaphore_mem>>, %arg14: memref<!tpu.dma_semaphore, #tpu.memory_space<semaphore_mem>>, %arg15: memref<!tpu.dma_semaphore, #tpu.memory_space<semaphore_mem>>, %arg16: memref<!tpu.dma_semaphore, #tpu.memory_space<semaphore_mem>>, %arg17: memref<!tpu.dma_semaphore, #tpu.memory_space<semaphore_mem>>, %arg18: memref<!tpu.dma_semaphore, #tpu.memory_space<semaphore_mem>>, %arg19: memref<!tpu.dma_semaphore, #tpu.memory_space<semaphore_mem>>, %arg20: memref<!tpu.dma_semaphore, #tpu.memory_space<semaphore_mem>>, %arg21: memref<!tpu.dma_semaphore, #tpu.memory_space<semaphore_mem>>, %arg22: memref<!tpu.dma_semaphore, #tpu.memory_space<semaphore_mem>>, %arg23: memref<!tpu.dma_semaphore, #tpu.memory_space<semaphore_mem>>, %arg24: memref<128x8xf32, #tpu.memory_space<vmem>>, %arg25: memref<10000x8xf32, #tpu.memory_space<vmem_shared>>, %arg26: memref<!tpu.dma_semaphore, #tpu.memory_space<semaphore_mem>>) attributes {dimension_semantics = [#tpu.dimension_semantics<core_parallel>, #tpu.dimension_semantics<subcore_parallel>], iteration_bounds = array<i64: 2, 16>, scalar_prefetch = 0 : i64, scratch_operands = 18 : i64, tpu.core_type = #tpu.core_type<sc_vector_subcore>, window_params = [{transform_indices = #map}, {transform_indices = #map1}, {transform_indices = #map}, {transform_indices = #map}, {transform_indices = #map}, {transform_indices = #map}, {transform_indices = #map}]} {
    %lt3A = arith.constant 4 : i32
    %lt3A_0 = arith.cmpi slt, %arg1, %lt3A : i32
    %eq3A = arith.constant 0 : i32
    %eq3A_1 = arith.cmpi eq, %arg1, %eq3A : i32
    %convert_element_type3A = arith.extui %eq3A_1 : i1 to i32
    %cond3A = arith.constant 0 : i32
    %cond3A_2 = arith.cmpi ne, %convert_element_type3A, %cond3A : i32
    scf.if %cond3A_2 {
      "tpu.region"() ({
        %run_scoped3A = tpu.sem_alloc : memref<!tpu.dma_semaphore, #tpu.memory_space<semaphore_mem>>
        tpu.enqueue_dma source(%arg4 : memref<10000x64xbf16, #tpu.memory_space<hbm>>) target(%arg11 : memref<10000x64xbf16, #tpu.memory_space<vmem_shared>>) target_semaphore(%run_scoped3A : memref<!tpu.dma_semaphore, #tpu.memory_space<semaphore_mem>>)
        tpu.wait_dma2 semaphore(%run_scoped3A : memref<!tpu.dma_semaphore, #tpu.memory_space<semaphore_mem>>) src(%arg4 : memref<10000x64xbf16, #tpu.memory_space<hbm>>) dst(%arg11 : memref<10000x64xbf16, #tpu.memory_space<vmem_shared>>)
        tpu.yield
      }) : () -> ()
      %eq3A_107 = arith.constant 0 : i32
      %eq3A_108 = arith.cmpi eq, %arg0, %eq3A_107 : i32
      %convert_element_type3A_109 = arith.extui %eq3A_108 : i1 to i32
      %cond3A_110 = arith.constant 0 : i32
      %cond3A_111 = arith.cmpi ne, %convert_element_type3A_109, %cond3A_110 : i32
      scf.if %cond3A_111 {
        "tpu.region"() ({
          %run_scoped3A = tpu.sem_alloc : memref<!tpu.dma_semaphore, #tpu.memory_space<semaphore_mem>>
          tpu.enqueue_dma source(%arg5 : memref<10000x8xf32, #tpu.memory_space<hbm>>) target(%arg25 : memref<10000x8xf32, #tpu.memory_space<vmem_shared>>) target_semaphore(%run_scoped3A : memref<!tpu.dma_semaphore, #tpu.memory_space<semaphore_mem>>)
          tpu.wait_dma2 semaphore(%run_scoped3A : memref<!tpu.dma_semaphore, #tpu.memory_space<semaphore_mem>>) src(%arg5 : memref<10000x8xf32, #tpu.memory_space<hbm>>) dst(%arg25 : memref<10000x8xf32, #tpu.memory_space<vmem_shared>>)
          tpu.yield
        }) : () -> ()
      } else {
      }
    } else {
    }
    %barrier3A = arith.constant 0 : index
    tpu.barrier barrier_id(%barrier3A)
    "tpu.region"() ({
      %run_scoped3A = tpu.sem_alloc : memref<!tpu.dma_semaphore, #tpu.memory_space<semaphore_mem>>
      tpu.enqueue_dma source(%arg6 : memref<128x8xf32, #tpu.memory_space<hbm>>) target(%arg24 : memref<128x8xf32, #tpu.memory_space<vmem>>) target_semaphore(%run_scoped3A : memref<!tpu.dma_semaphore, #tpu.memory_space<semaphore_mem>>)
      tpu.wait_dma2 semaphore(%run_scoped3A : memref<!tpu.dma_semaphore, #tpu.memory_space<semaphore_mem>>) src(%arg6 : memref<128x8xf32, #tpu.memory_space<hbm>>) dst(%arg24 : memref<128x8xf32, #tpu.memory_space<vmem>>)
      tpu.yield
    }) : () -> ()
    %mul3A = arith.constant 156 : i32
    %mul3A_3 = arith.muli %arg1, %mul3A : i32
    "tpu.region"() ({
      %run_scoped3A = tpu.sem_alloc : memref<!tpu.dma_semaphore, #tpu.memory_space<semaphore_mem>>
      %dma_start3A_107 = arith.constant 0 : i32
      %dma_start3A_108 = arith.constant 0 : i32
      %dma_start3A_109 = arith.constant 0 : i32
      %dma_start3A_110 = tpu.memref_slice %arg9[%dma_start3A_107, %dma_start3A_108, %dma_start3A_109] : memref<157x2x128xi32, #tpu.memory_space<vmem>> -> memref<156x2x128xi32, #tpu.memory_space<vmem>>
      %dma_start3A_111 = arith.constant 0 : i32
      %dma_start3A_112 = arith.constant 0 : i32
      %dma_start3A_113 = tpu.memref_slice %arg3[%mul3A_3, %dma_start3A_111, %dma_start3A_112] : memref<2500x2x128xi32, #tpu.memory_space<hbm>> -> memref<156x2x128xi32, #tpu.memory_space<hbm>>
      %dma_start3A_114 = arith.constant 0 : i32
      %dma_start3A_115 = arith.constant 0 : i32
      %dma_start3A_116 = arith.constant 0 : i32
      %dma_start3A_117 = tpu.memref_slice %arg9[%dma_start3A_114, %dma_start3A_115, %dma_start3A_116] : memref<157x2x128xi32, #tpu.memory_space<vmem>> -> memref<156x2x128xi32, #tpu.memory_space<vmem>>
      %dma_start3A_118 = arith.constant 0 : i32
      %dma_start3A_119 = arith.constant 0 : i32
      %dma_start3A_120 = tpu.memref_slice %arg3[%mul3A_3, %dma_start3A_118, %dma_start3A_119] : memref<2500x2x128xi32, #tpu.memory_space<hbm>> -> memref<156x2x128xi32, #tpu.memory_space<hbm>>
      tpu.enqueue_dma source(%dma_start3A_120 : memref<156x2x128xi32, #tpu.memory_space<hbm>>) target(%dma_start3A_117 : memref<156x2x128xi32, #tpu.memory_space<vmem>>) target_semaphore(%run_scoped3A : memref<!tpu.dma_semaphore, #tpu.memory_space<semaphore_mem>>)
      %dma_wait3A_121 = arith.constant 0 : i32
      %dma_wait3A_122 = arith.constant 0 : i32
      %dma_wait3A_123 = arith.constant 0 : i32
      %dma_wait3A_124 = tpu.memref_slice %arg9[%dma_wait3A_121, %dma_wait3A_122, %dma_wait3A_123] : memref<157x2x128xi32, #tpu.memory_space<vmem>> -> memref<156x2x128xi32, #tpu.memory_space<vmem>>
      %dma_wait3A_125 = arith.constant 0 : i32
      %dma_wait3A_126 = arith.constant 0 : i32
      %dma_wait3A_127 = tpu.memref_slice %arg3[%mul3A_3, %dma_wait3A_125, %dma_wait3A_126] : memref<2500x2x128xi32, #tpu.memory_space<hbm>> -> memref<156x2x128xi32, #tpu.memory_space<hbm>>
      %dma_wait3A_128 = arith.constant 0 : i32
      %dma_wait3A_129 = arith.constant 0 : i32
      %dma_wait3A_130 = arith.constant 0 : i32
      %dma_wait3A_131 = tpu.memref_slice %arg9[%dma_wait3A_128, %dma_wait3A_129, %dma_wait3A_130] : memref<157x2x128xi32, #tpu.memory_space<vmem>> -> memref<156x2x128xi32, #tpu.memory_space<vmem>>
      %dma_wait3A_132 = arith.constant 0 : i32
      %dma_wait3A_133 = arith.constant 0 : i32
      %dma_wait3A_134 = tpu.memref_slice %arg3[%mul3A_3, %dma_wait3A_132, %dma_wait3A_133] : memref<2500x2x128xi32, #tpu.memory_space<hbm>> -> memref<156x2x128xi32, #tpu.memory_space<hbm>>
      tpu.wait_dma2 semaphore(%run_scoped3A : memref<!tpu.dma_semaphore, #tpu.memory_space<semaphore_mem>>) src(%dma_wait3A_134 : memref<156x2x128xi32, #tpu.memory_space<hbm>>) dst(%dma_wait3A_131 : memref<156x2x128xi32, #tpu.memory_space<vmem>>)
      tpu.yield
    }) : () -> ()
    %convert_element_type3A_4 = arith.extui %lt3A_0 : i1 to i32
    %cond3A_5 = arith.constant 0 : i32
    %cond3A_6 = arith.cmpi ne, %convert_element_type3A_4, %cond3A_5 : i32
    scf.if %cond3A_6 {
      %add3A = arith.constant 2496 : i32
      %add3A_107 = arith.addi %add3A, %arg1 : i32
      "tpu.region"() ({
        %run_scoped3A = tpu.sem_alloc : memref<!tpu.dma_semaphore, #tpu.memory_space<semaphore_mem>>
        %dma_start3A_108 = arith.constant 156 : i32
        %dma_start3A_109 = arith.constant 0 : i32
        %dma_start3A_110 = arith.constant 0 : i32
        %dma_start3A_111 = tpu.memref_slice %arg9[%dma_start3A_108, %dma_start3A_109, %dma_start3A_110] : memref<157x2x128xi32, #tpu.memory_space<vmem>> -> memref<1x2x128xi32, #tpu.memory_space<vmem>>
        %dma_start3A_112 = arith.constant 0 : i32
        %dma_start3A_113 = arith.constant 0 : i32
        %dma_start3A_114 = tpu.memref_slice %arg3[%add3A_107, %dma_start3A_112, %dma_start3A_113] : memref<2500x2x128xi32, #tpu.memory_space<hbm>> -> memref<1x2x128xi32, #tpu.memory_space<hbm>>
        %dma_start3A_115 = arith.constant 156 : i32
        %dma_start3A_116 = arith.constant 0 : i32
        %dma_start3A_117 = arith.constant 0 : i32
        %dma_start3A_118 = tpu.memref_slice %arg9[%dma_start3A_115, %dma_start3A_116, %dma_start3A_117] : memref<157x2x128xi32, #tpu.memory_space<vmem>> -> memref<1x2x128xi32, #tpu.memory_space<vmem>>
        %dma_start3A_119 = arith.constant 0 : i32
        %dma_start3A_120 = arith.constant 0 : i32
        %dma_start3A_121 = tpu.memref_slice %arg3[%add3A_107, %dma_start3A_119, %dma_start3A_120] : memref<2500x2x128xi32, #tpu.memory_space<hbm>> -> memref<1x2x128xi32, #tpu.memory_space<hbm>>
        tpu.enqueue_dma source(%dma_start3A_121 : memref<1x2x128xi32, #tpu.memory_space<hbm>>) target(%dma_start3A_118 : memref<1x2x128xi32, #tpu.memory_space<vmem>>) target_semaphore(%run_scoped3A : memref<!tpu.dma_semaphore, #tpu.memory_space<semaphore_mem>>)
        %dma_wait3A_122 = arith.constant 156 : i32
        %dma_wait3A_123 = arith.constant 0 : i32
        %dma_wait3A_124 = arith.constant 0 : i32
        %dma_wait3A_125 = tpu.memref_slice %arg9[%dma_wait3A_122, %dma_wait3A_123, %dma_wait3A_124] : memref<157x2x128xi32, #tpu.memory_space<vmem>> -> memref<1x2x128xi32, #tpu.memory_space<vmem>>
        %dma_wait3A_126 = arith.constant 0 : i32
        %dma_wait3A_127 = arith.constant 0 : i32
        %dma_wait3A_128 = tpu.memref_slice %arg3[%add3A_107, %dma_wait3A_126, %dma_wait3A_127] : memref<2500x2x128xi32, #tpu.memory_space<hbm>> -> memref<1x2x128xi32, #tpu.memory_space<hbm>>
        %dma_wait3A_129 = arith.constant 156 : i32
        %dma_wait3A_130 = arith.constant 0 : i32
        %dma_wait3A_131 = arith.constant 0 : i32
        %dma_wait3A_132 = tpu.memref_slice %arg9[%dma_wait3A_129, %dma_wait3A_130, %dma_wait3A_131] : memref<157x2x128xi32, #tpu.memory_space<vmem>> -> memref<1x2x128xi32, #tpu.memory_space<vmem>>
        %dma_wait3A_133 = arith.constant 0 : i32
        %dma_wait3A_134 = arith.constant 0 : i32
        %dma_wait3A_135 = tpu.memref_slice %arg3[%add3A_107, %dma_wait3A_133, %dma_wait3A_134] : memref<2500x2x128xi32, #tpu.memory_space<hbm>> -> memref<1x2x128xi32, #tpu.memory_space<hbm>>
        tpu.wait_dma2 semaphore(%run_scoped3A : memref<!tpu.dma_semaphore, #tpu.memory_space<semaphore_mem>>) src(%dma_wait3A_135 : memref<1x2x128xi32, #tpu.memory_space<hbm>>) dst(%dma_wait3A_132 : memref<1x2x128xi32, #tpu.memory_space<vmem>>)
        tpu.yield
      }) : () -> ()
    } else {
    }
    %scan3A = arith.constant 0 : i32
    %scan3A_7 = arith.constant 157 : i32
    %scan3A_8 = arith.addi %scan3A, %scan3A_7 : i32
    %scan3A_9 = arith.constant 1 : i32
    scf.for %scan3A_107 = %scan3A to %scan3A_8 step %scan3A_9  : i32 {
      %mul3A_108 = arith.constant 1 : i32
      %mul3A_109 = arith.muli %scan3A_107, %mul3A_108 : i32
      %add3A = arith.constant 0 : i32
      %add3A_110 = arith.addi %add3A, %mul3A_109 : i32
      %get3A = arith.constant 0 : i32
      %get3A_111 = arith.index_cast %add3A_110 : i32 to index
      %get3A_112 = arith.index_cast %get3A : i32 to index
      %get3A_113 = arith.constant 0 : index
      %get3A_114 = tpu.vector_load %arg9[%get3A_111, %get3A_112, %get3A_113] {strides = array<i32>} : memref<157x2x128xi32, #tpu.memory_space<vmem>>, vector<1x1x16xi32>,
      %get3A_115 = vector.shape_cast %get3A_114 : vector<1x1x16xi32> to vector<16xi32>
      %add3A_116 = arith.addi %get3A_115, %get3A_115 : vector<16xi32>
      %swap3A = arith.constant 0 : i32
      %swap3A_117 = arith.index_cast %add3A_110 : i32 to index
      %swap3A_118 = arith.index_cast %swap3A : i32 to index
      %swap3A_119 = arith.constant 0 : index
      %swap3A_120 = tpu.vector_load %arg9[%swap3A_117, %swap3A_118, %swap3A_119] {strides = array<i32>} : memref<157x2x128xi32, #tpu.memory_space<vmem>>, vector<1x1x16xi32>,
      %swap3A_121 = vector.shape_cast %swap3A_120 : vector<1x1x16xi32> to vector<16xi32>
      %swap3A_122 = vector.shape_cast %add3A_116 : vector<16xi32> to vector<1x1x16xi32>
      tpu.vector_store %arg9[%swap3A_117, %swap3A_118, %swap3A_119], %swap3A_122 {strides = array<i32>} : memref<157x2x128xi32, #tpu.memory_space<vmem>>, vector<1x1x16xi32>,
      %get3A_123 = arith.constant 0 : i32
      %get3A_124 = arith.index_cast %add3A_110 : i32 to index
      %get3A_125 = arith.index_cast %get3A_123 : i32 to index
      %get3A_126 = arith.constant 16 : index
      %get3A_127 = tpu.vector_load %arg9[%get3A_124, %get3A_125, %get3A_126] {strides = array<i32>} : memref<157x2x128xi32, #tpu.memory_space<vmem>>, vector<1x1x16xi32>,
      %get3A_128 = vector.shape_cast %get3A_127 : vector<1x1x16xi32> to vector<16xi32>
      %add3A_129 = arith.addi %get3A_128, %get3A_128 : vector<16xi32>
      %swap3A_130 = arith.constant 0 : i32
      %swap3A_131 = arith.index_cast %add3A_110 : i32 to index
      %swap3A_132 = arith.index_cast %swap3A_130 : i32 to index
      %swap3A_133 = arith.constant 16 : index
      %swap3A_134 = tpu.vector_load %arg9[%swap3A_131, %swap3A_132, %swap3A_133] {strides = array<i32>} : memref<157x2x128xi32, #tpu.memory_space<vmem>>, vector<1x1x16xi32>,
      %swap3A_135 = vector.shape_cast %swap3A_134 : vector<1x1x16xi32> to vector<16xi32>
      %swap3A_136 = vector.shape_cast %add3A_129 : vector<16xi32> to vector<1x1x16xi32>
      tpu.vector_store %arg9[%swap3A_131, %swap3A_132, %swap3A_133], %swap3A_136 {strides = array<i32>} : memref<157x2x128xi32, #tpu.memory_space<vmem>>, vector<1x1x16xi32>,
      %get3A_137 = arith.constant 0 : i32
      %get3A_138 = arith.index_cast %add3A_110 : i32 to index
      %get3A_139 = arith.index_cast %get3A_137 : i32 to index
      %get3A_140 = arith.constant 32 : index
      %get3A_141 = tpu.vector_load %arg9[%get3A_138, %get3A_139, %get3A_140] {strides = array<i32>} : memref<157x2x128xi32, #tpu.memory_space<vmem>>, vector<1x1x16xi32>,
      %get3A_142 = vector.shape_cast %get3A_141 : vector<1x1x16xi32> to vector<16xi32>
      %add3A_143 = arith.addi %get3A_142, %get3A_142 : vector<16xi32>
      %swap3A_144 = arith.constant 0 : i32
      %swap3A_145 = arith.index_cast %add3A_110 : i32 to index
      %swap3A_146 = arith.index_cast %swap3A_144 : i32 to index
      %swap3A_147 = arith.constant 32 : index
      %swap3A_148 = tpu.vector_load %arg9[%swap3A_145, %swap3A_146, %swap3A_147] {strides = array<i32>} : memref<157x2x128xi32, #tpu.memory_space<vmem>>, vector<1x1x16xi32>,
      %swap3A_149 = vector.shape_cast %swap3A_148 : vector<1x1x16xi32> to vector<16xi32>
      %swap3A_150 = vector.shape_cast %add3A_143 : vector<16xi32> to vector<1x1x16xi32>
      tpu.vector_store %arg9[%swap3A_145, %swap3A_146, %swap3A_147], %swap3A_150 {strides = array<i32>} : memref<157x2x128xi32, #tpu.memory_space<vmem>>, vector<1x1x16xi32>,
      %get3A_151 = arith.constant 0 : i32
      %get3A_152 = arith.index_cast %add3A_110 : i32 to index
      %get3A_153 = arith.index_cast %get3A_151 : i32 to index
      %get3A_154 = arith.constant 48 : index
      %get3A_155 = tpu.vector_load %arg9[%get3A_152, %get3A_153, %get3A_154] {strides = array<i32>} : memref<157x2x128xi32, #tpu.memory_space<vmem>>, vector<1x1x16xi32>,
      %get3A_156 = vector.shape_cast %get3A_155 : vector<1x1x16xi32> to vector<16xi32>
      %add3A_157 = arith.addi %get3A_156, %get3A_156 : vector<16xi32>
      %swap3A_158 = arith.constant 0 : i32
      %swap3A_159 = arith.index_cast %add3A_110 : i32 to index
      %swap3A_160 = arith.index_cast %swap3A_158 : i32 to index
      %swap3A_161 = arith.constant 48 : index
      %swap3A_162 = tpu.vector_load %arg9[%swap3A_159, %swap3A_160, %swap3A_161] {strides = array<i32>} : memref<157x2x128xi32, #tpu.memory_space<vmem>>, vector<1x1x16xi32>,
      %swap3A_163 = vector.shape_cast %swap3A_162 : vector<1x1x16xi32> to vector<16xi32>
      %swap3A_164 = vector.shape_cast %add3A_157 : vector<16xi32> to vector<1x1x16xi32>
      tpu.vector_store %arg9[%swap3A_159, %swap3A_160, %swap3A_161], %swap3A_164 {strides = array<i32>} : memref<157x2x128xi32, #tpu.memory_space<vmem>>, vector<1x1x16xi32>,
      %get3A_165 = arith.constant 0 : i32
      %get3A_166 = arith.index_cast %add3A_110 : i32 to index
      %get3A_167 = arith.index_cast %get3A_165 : i32 to index
      %get3A_168 = arith.constant 64 : index
      %get3A_169 = tpu.vector_load %arg9[%get3A_166, %get3A_167, %get3A_168] {strides = array<i32>} : memref<157x2x128xi32, #tpu.memory_space<vmem>>, vector<1x1x16xi32>,
      %get3A_170 = vector.shape_cast %get3A_169 : vector<1x1x16xi32> to vector<16xi32>
      %add3A_171 = arith.addi %get3A_170, %get3A_170 : vector<16xi32>
      %swap3A_172 = arith.constant 0 : i32
      %swap3A_173 = arith.index_cast %add3A_110 : i32 to index
      %swap3A_174 = arith.index_cast %swap3A_172 : i32 to index
      %swap3A_175 = arith.constant 64 : index
      %swap3A_176 = tpu.vector_load %arg9[%swap3A_173, %swap3A_174, %swap3A_175] {strides = array<i32>} : memref<157x2x128xi32, #tpu.memory_space<vmem>>, vector<1x1x16xi32>,
      %swap3A_177 = vector.shape_cast %swap3A_176 : vector<1x1x16xi32> to vector<16xi32>
      %swap3A_178 = vector.shape_cast %add3A_171 : vector<16xi32> to vector<1x1x16xi32>
      tpu.vector_store %arg9[%swap3A_173, %swap3A_174, %swap3A_175], %swap3A_178 {strides = array<i32>} : memref<157x2x128xi32, #tpu.memory_space<vmem>>, vector<1x1x16xi32>,
      %get3A_179 = arith.constant 0 : i32
      %get3A_180 = arith.index_cast %add3A_110 : i32 to index
      %get3A_181 = arith.index_cast %get3A_179 : i32 to index
      %get3A_182 = arith.constant 80 : index
      %get3A_183 = tpu.vector_load %arg9[%get3A_180, %get3A_181, %get3A_182] {strides = array<i32>} : memref<157x2x128xi32, #tpu.memory_space<vmem>>, vector<1x1x16xi32>,
      %get3A_184 = vector.shape_cast %get3A_183 : vector<1x1x16xi32> to vector<16xi32>
      %add3A_185 = arith.addi %get3A_184, %get3A_184 : vector<16xi32>
      %swap3A_186 = arith.constant 0 : i32
      %swap3A_187 = arith.index_cast %add3A_110 : i32 to index
      %swap3A_188 = arith.index_cast %swap3A_186 : i32 to index
      %swap3A_189 = arith.constant 80 : index
      %swap3A_190 = tpu.vector_load %arg9[%swap3A_187, %swap3A_188, %swap3A_189] {strides = array<i32>} : memref<157x2x128xi32, #tpu.memory_space<vmem>>, vector<1x1x16xi32>,
      %swap3A_191 = vector.shape_cast %swap3A_190 : vector<1x1x16xi32> to vector<16xi32>
      %swap3A_192 = vector.shape_cast %add3A_185 : vector<16xi32> to vector<1x1x16xi32>
      tpu.vector_store %arg9[%swap3A_187, %swap3A_188, %swap3A_189], %swap3A_192 {strides = array<i32>} : memref<157x2x128xi32, #tpu.memory_space<vmem>>, vector<1x1x16xi32>,
      %get3A_193 = arith.constant 0 : i32
      %get3A_194 = arith.index_cast %add3A_110 : i32 to index
      %get3A_195 = arith.index_cast %get3A_193 : i32 to index
      %get3A_196 = arith.constant 96 : index
      %get3A_197 = tpu.vector_load %arg9[%get3A_194, %get3A_195, %get3A_196] {strides = array<i32>} : memref<157x2x128xi32, #tpu.memory_space<vmem>>, vector<1x1x16xi32>,
      %get3A_198 = vector.shape_cast %get3A_197 : vector<1x1x16xi32> to vector<16xi32>
      %add3A_199 = arith.addi %get3A_198, %get3A_198 : vector<16xi32>
      %swap3A_200 = arith.constant 0 : i32
      %swap3A_201 = arith.index_cast %add3A_110 : i32 to index
      %swap3A_202 = arith.index_cast %swap3A_200 : i32 to index
      %swap3A_203 = arith.constant 96 : index
      %swap3A_204 = tpu.vector_load %arg9[%swap3A_201, %swap3A_202, %swap3A_203] {strides = array<i32>} : memref<157x2x128xi32, #tpu.memory_space<vmem>>, vector<1x1x16xi32>,
      %swap3A_205 = vector.shape_cast %swap3A_204 : vector<1x1x16xi32> to vector<16xi32>
      %swap3A_206 = vector.shape_cast %add3A_199 : vector<16xi32> to vector<1x1x16xi32>
      tpu.vector_store %arg9[%swap3A_201, %swap3A_202, %swap3A_203], %swap3A_206 {strides = array<i32>} : memref<157x2x128xi32, #tpu.memory_space<vmem>>, vector<1x1x16xi32>,
      %get3A_207 = arith.constant 0 : i32
      %get3A_208 = arith.index_cast %add3A_110 : i32 to index
      %get3A_209 = arith.index_cast %get3A_207 : i32 to index
      %get3A_210 = arith.constant 112 : index
      %get3A_211 = tpu.vector_load %arg9[%get3A_208, %get3A_209, %get3A_210] {strides = array<i32>} : memref<157x2x128xi32, #tpu.memory_space<vmem>>, vector<1x1x16xi32>,
      %get3A_212 = vector.shape_cast %get3A_211 : vector<1x1x16xi32> to vector<16xi32>
      %add3A_213 = arith.addi %get3A_212, %get3A_212 : vector<16xi32>
      %swap3A_214 = arith.constant 0 : i32
      %swap3A_215 = arith.index_cast %add3A_110 : i32 to index
      %swap3A_216 = arith.index_cast %swap3A_214 : i32 to index
      %swap3A_217 = arith.constant 112 : index
      %swap3A_218 = tpu.vector_load %arg9[%swap3A_215, %swap3A_216, %swap3A_217] {strides = array<i32>} : memref<157x2x128xi32, #tpu.memory_space<vmem>>, vector<1x1x16xi32>,
      %swap3A_219 = vector.shape_cast %swap3A_218 : vector<1x1x16xi32> to vector<16xi32>
      %swap3A_220 = vector.shape_cast %add3A_213 : vector<16xi32> to vector<1x1x16xi32>
      tpu.vector_store %arg9[%swap3A_215, %swap3A_216, %swap3A_217], %swap3A_220 {strides = array<i32>} : memref<157x2x128xi32, #tpu.memory_space<vmem>>, vector<1x1x16xi32>,
    }
    %scan3A_10 = arith.constant 157 : i32
    %dma_start3A = arith.constant 0 : i32
    %dma_start3A_11 = arith.constant 0 : i32
    %dma_start3A_12 = arith.constant 0 : i32
    %dma_start3A_13 = arith.constant 0 : i32
    %dma_start3A_14 = arith.constant 0 : i32
    %dma_start3A_15 = tpu.memref_slice %arg10[%dma_start3A_12, %dma_start3A_13, %dma_start3A_14] : memref<6x128x64xbf16, #tpu.memory_space<vmem>> -> memref<1x128x64xbf16, #tpu.memory_space<vmem>>
    %dma_start3A_16 = tpu.memref_squeeze %dma_start3A_15 : memref<1x128x64xbf16, #tpu.memory_space<vmem>> -> memref<128x64xbf16, #tpu.memory_space<vmem>>
    %dma_start3A_17 = arith.constant 0 : i32
    %dma_start3A_18 = tpu.memref_slice %arg9[%dma_start3A, %dma_start3A_11, %dma_start3A_17] : memref<157x2x128xi32, #tpu.memory_space<vmem>> -> memref<1x1x128xi32, #tpu.memory_space<vmem>>
    %dma_start3A_19 = tpu.memref_squeeze %dma_start3A_18 : memref<1x1x128xi32, #tpu.memory_space<vmem>> -> memref<128xi32, #tpu.memory_space<vmem>>
    %dma_start3A_20 = arith.constant 0 : i32
    %dma_start3A_21 = tpu.memref_slice %arg2[%arg0, %dma_start3A_20] : memref<20000x64xbf16, #tpu.memory_space<hbm>> -> memref<19999x64xbf16, #tpu.memory_space<hbm>>
    %dma_start3A_22 = arith.constant 0 : i32
    %dma_start3A_23 = arith.constant 0 : i32
    %dma_start3A_24 = tpu.memref_slice %dma_start3A_21[%dma_start3A_22, %dma_start3A_23] : memref<19999x64xbf16, #tpu.memory_space<hbm>> -> memref<19999x64xbf16, #tpu.memory_space<hbm>>
    tpu.enqueue_indirect_dma source(%dma_start3A_24 : memref<19999x64xbf16, #tpu.memory_space<hbm>>) target(%dma_start3A_16 : memref<128x64xbf16, #tpu.memory_space<vmem>>) offsets(%dma_start3A_19 : memref<128xi32, #tpu.memory_space<vmem>>) semaphore(%arg12 : memref<!tpu.dma_semaphore, #tpu.memory_space<semaphore_mem>>)
    %dma_start3A_25 = arith.constant 1 : i32
    %dma_start3A_26 = arith.constant 0 : i32
    %dma_start3A_27 = arith.constant 1 : i32
    %dma_start3A_28 = arith.constant 0 : i32
    %dma_start3A_29 = arith.constant 0 : i32
    %dma_start3A_30 = tpu.memref_slice %arg10[%dma_start3A_27, %dma_start3A_28, %dma_start3A_29] : memref<6x128x64xbf16, #tpu.memory_space<vmem>> -> memref<1x128x64xbf16, #tpu.memory_space<vmem>>
    %dma_start3A_31 = tpu.memref_squeeze %dma_start3A_30 : memref<1x128x64xbf16, #tpu.memory_space<vmem>> -> memref<128x64xbf16, #tpu.memory_space<vmem>>
    %dma_start3A_32 = arith.constant 0 : i32
    %dma_start3A_33 = tpu.memref_slice %arg9[%dma_start3A_25, %dma_start3A_26, %dma_start3A_32] : memref<157x2x128xi32, #tpu.memory_space<vmem>> -> memref<1x1x128xi32, #tpu.memory_space<vmem>>
    %dma_start3A_34 = tpu.memref_squeeze %dma_start3A_33 : memref<1x1x128xi32, #tpu.memory_space<vmem>> -> memref<128xi32, #tpu.memory_space<vmem>>
    %dma_start3A_35 = arith.constant 0 : i32
    %dma_start3A_36 = tpu.memref_slice %arg2[%arg0, %dma_start3A_35] : memref<20000x64xbf16, #tpu.memory_space<hbm>> -> memref<19999x64xbf16, #tpu.memory_space<hbm>>
    %dma_start3A_37 = arith.constant 0 : i32
    %dma_start3A_38 = arith.constant 0 : i32
    %dma_start3A_39 = tpu.memref_slice %dma_start3A_36[%dma_start3A_37, %dma_start3A_38] : memref<19999x64xbf16, #tpu.memory_space<hbm>> -> memref<19999x64xbf16, #tpu.memory_space<hbm>>
    tpu.enqueue_indirect_dma source(%dma_start3A_39 : memref<19999x64xbf16, #tpu.memory_space<hbm>>) target(%dma_start3A_31 : memref<128x64xbf16, #tpu.memory_space<vmem>>) offsets(%dma_start3A_34 : memref<128xi32, #tpu.memory_space<vmem>>) semaphore(%arg13 : memref<!tpu.dma_semaphore, #tpu.memory_space<semaphore_mem>>)
    %dma_start3A_40 = arith.constant 2 : i32
    %dma_start3A_41 = arith.constant 0 : i32
    %dma_start3A_42 = arith.constant 2 : i32
    %dma_start3A_43 = arith.constant 0 : i32
    %dma_start3A_44 = arith.constant 0 : i32
    %dma_start3A_45 = tpu.memref_slice %arg10[%dma_start3A_42, %dma_start3A_43, %dma_start3A_44] : memref<6x128x64xbf16, #tpu.memory_space<vmem>> -> memref<1x128x64xbf16, #tpu.memory_space<vmem>>
    %dma_start3A_46 = tpu.memref_squeeze %dma_start3A_45 : memref<1x128x64xbf16, #tpu.memory_space<vmem>> -> memref<128x64xbf16, #tpu.memory_space<vmem>>
    %dma_start3A_47 = arith.constant 0 : i32
    %dma_start3A_48 = tpu.memref_slice %arg9[%dma_start3A_40, %dma_start3A_41, %dma_start3A_47] : memref<157x2x128xi32, #tpu.memory_space<vmem>> -> memref<1x1x128xi32, #tpu.memory_space<vmem>>
    %dma_start3A_49 = tpu.memref_squeeze %dma_start3A_48 : memref<1x1x128xi32, #tpu.memory_space<vmem>> -> memref<128xi32, #tpu.memory_space<vmem>>
    %dma_start3A_50 = arith.constant 0 : i32
    %dma_start3A_51 = tpu.memref_slice %arg2[%arg0, %dma_start3A_50] : memref<20000x64xbf16, #tpu.memory_space<hbm>> -> memref<19999x64xbf16, #tpu.memory_space<hbm>>
    %dma_start3A_52 = arith.constant 0 : i32
    %dma_start3A_53 = arith.constant 0 : i32
    %dma_start3A_54 = tpu.memref_slice %dma_start3A_51[%dma_start3A_52, %dma_start3A_53] : memref<19999x64xbf16, #tpu.memory_space<hbm>> -> memref<19999x64xbf16, #tpu.memory_space<hbm>>
    tpu.enqueue_indirect_dma source(%dma_start3A_54 : memref<19999x64xbf16, #tpu.memory_space<hbm>>) target(%dma_start3A_46 : memref<128x64xbf16, #tpu.memory_space<vmem>>) offsets(%dma_start3A_49 : memref<128xi32, #tpu.memory_space<vmem>>) semaphore(%arg14 : memref<!tpu.dma_semaphore, #tpu.memory_space<semaphore_mem>>)
    %scan3A_55 = arith.constant 0 : i32
    %scan3A_56 = arith.constant 26 : i32
    %scan3A_57 = arith.addi %scan3A_55, %scan3A_56 : i32
    %scan3A_58 = arith.constant 1 : i32
    scf.for %scan3A_107 = %scan3A_55 to %scan3A_57 step %scan3A_58  : i32 {
      %mul3A_108 = arith.constant 6 : i32
      %mul3A_109 = arith.muli %scan3A_107, %mul3A_108 : i32
      %add3A = arith.constant 0 : i32
      %add3A_110 = arith.addi %add3A, %mul3A_109 : i32
      %add3A_111 = arith.constant 0 : i32
      %add3A_112 = arith.addi %add3A_110, %add3A_111 : i32
      %dma_wait3A_113 = arith.constant 0 : i32
      %dma_wait3A_114 = arith.constant 0 : i32
      %dma_wait3A_115 = arith.constant 0 : i32
      %dma_wait3A_116 = arith.constant 0 : i32
      %dma_wait3A_117 = tpu.memref_slice %arg10[%dma_wait3A_114, %dma_wait3A_115, %dma_wait3A_116] : memref<6x128x64xbf16, #tpu.memory_space<vmem>> -> memref<1x128x64xbf16, #tpu.memory_space<vmem>>
      %dma_wait3A_118 = tpu.memref_squeeze %dma_wait3A_117 : memref<1x128x64xbf16, #tpu.memory_space<vmem>> -> memref<128x64xbf16, #tpu.memory_space<vmem>>
      %dma_wait3A_119 = arith.constant 0 : i32
      %dma_wait3A_120 = tpu.memref_slice %arg9[%add3A_112, %dma_wait3A_113, %dma_wait3A_119] : memref<157x2x128xi32, #tpu.memory_space<vmem>> -> memref<1x1x128xi32, #tpu.memory_space<vmem>>
      %dma_wait3A_121 = tpu.memref_squeeze %dma_wait3A_120 : memref<1x1x128xi32, #tpu.memory_space<vmem>> -> memref<128xi32, #tpu.memory_space<vmem>>
      %dma_wait3A_122 = arith.constant 0 : i32
      %dma_wait3A_123 = tpu.memref_slice %arg2[%arg0, %dma_wait3A_122] : memref<20000x64xbf16, #tpu.memory_space<hbm>> -> memref<19999x64xbf16, #tpu.memory_space<hbm>>
      %dma_wait3A_124 = arith.constant 0 : i32
      %dma_wait3A_125 = arith.constant 0 : i32
      %dma_wait3A_126 = tpu.memref_slice %dma_wait3A_123[%dma_wait3A_124, %dma_wait3A_125] : memref<19999x64xbf16, #tpu.memory_space<hbm>> -> memref<19999x64xbf16, #tpu.memory_space<hbm>>
      tpu.wait_indirect_dma semaphore(%arg12 : memref<!tpu.dma_semaphore, #tpu.memory_space<semaphore_mem>>) src(%dma_wait3A_126 : memref<19999x64xbf16, #tpu.memory_space<hbm>>) dst(%dma_wait3A_118 : memref<128x64xbf16, #tpu.memory_space<vmem>>)
      %dma_start3A_127 = arith.constant 0 : i32
      %dma_start3A_128 = arith.constant 1 : i32
      %dma_start3A_129 = arith.constant 0 : i32
      %dma_start3A_130 = arith.constant 0 : i32
      %dma_start3A_131 = tpu.memref_slice %arg10[%dma_start3A_127, %dma_start3A_129, %dma_start3A_130] : memref<6x128x64xbf16, #tpu.memory_space<vmem>> -> memref<1x128x64xbf16, #tpu.memory_space<vmem>>
      %dma_start3A_132 = tpu.memref_squeeze %dma_start3A_131 : memref<1x128x64xbf16, #tpu.memory_space<vmem>> -> memref<128x64xbf16, #tpu.memory_space<vmem>>
      %dma_start3A_133 = arith.constant 0 : i32
      %dma_start3A_134 = tpu.memref_slice %arg9[%add3A_112, %dma_start3A_128, %dma_start3A_133] : memref<157x2x128xi32, #tpu.memory_space<vmem>> -> memref<1x1x128xi32, #tpu.memory_space<vmem>>
      %dma_start3A_135 = tpu.memref_squeeze %dma_start3A_134 : memref<1x1x128xi32, #tpu.memory_space<vmem>> -> memref<128xi32, #tpu.memory_space<vmem>>
      %dma_start3A_136 = arith.constant 0 : i32
      %dma_start3A_137 = arith.constant 0 : i32
      %dma_start3A_138 = tpu.memref_slice %arg11[%dma_start3A_136, %dma_start3A_137] : memref<10000x64xbf16, #tpu.memory_space<vmem_shared>> -> memref<10000x64xbf16, #tpu.memory_space<vmem_shared>>
      tpu.enqueue_indirect_dma source(%dma_start3A_132 : memref<128x64xbf16, #tpu.memory_space<vmem>>) target(%dma_start3A_138 : memref<10000x64xbf16, #tpu.memory_space<vmem_shared>>) offsets(%dma_start3A_135 : memref<128xi32, #tpu.memory_space<vmem>>) semaphore(%arg18 : memref<!tpu.dma_semaphore, #tpu.memory_space<semaphore_mem>>) {add = true}
      %eq3A_139 = arith.constant 0 : i32
      %eq3A_140 = arith.cmpi eq, %arg0, %eq3A_139 : i32
      %convert_element_type3A_141 = arith.extui %eq3A_140 : i1 to i32
      %cond3A_142 = arith.constant 0 : i32
      %cond3A_143 = arith.cmpi ne, %convert_element_type3A_141, %cond3A_142 : i32
      scf.if %cond3A_143 {
        %dma_start3A_380 = arith.constant 1 : i32
        %dma_start3A_381 = arith.constant 0 : i32
        %dma_start3A_382 = tpu.memref_slice %arg9[%add3A_112, %dma_start3A_380, %dma_start3A_381] : memref<157x2x128xi32, #tpu.memory_space<vmem>> -> memref<1x1x128xi32, #tpu.memory_space<vmem>>
        %dma_start3A_383 = tpu.memref_squeeze %dma_start3A_382 : memref<1x1x128xi32, #tpu.memory_space<vmem>> -> memref<128xi32, #tpu.memory_space<vmem>>
        %dma_start3A_384 = arith.constant 0 : i32
        %dma_start3A_385 = arith.constant 0 : i32
        %dma_start3A_386 = tpu.memref_slice %arg25[%dma_start3A_384, %dma_start3A_385] : memref<10000x8xf32, #tpu.memory_space<vmem_shared>> -> memref<10000x8xf32, #tpu.memory_space<vmem_shared>>
        tpu.enqueue_indirect_dma source(%arg24 : memref<128x8xf32, #tpu.memory_space<vmem>>) target(%dma_start3A_386 : memref<10000x8xf32, #tpu.memory_space<vmem_shared>>) offsets(%dma_start3A_383 : memref<128xi32, #tpu.memory_space<vmem>>) semaphore(%arg26 : memref<!tpu.dma_semaphore, #tpu.memory_space<semaphore_mem>>) {add = true}
        %dma_wait3A_387 = arith.constant 1 : i32
        %dma_wait3A_388 = arith.constant 0 : i32
        %dma_wait3A_389 = tpu.memref_slice %arg9[%add3A_112, %dma_wait3A_387, %dma_wait3A_388] : memref<157x2x128xi32, #tpu.memory_space<vmem>> -> memref<1x1x128xi32, #tpu.memory_space<vmem>>
        %dma_wait3A_390 = tpu.memref_squeeze %dma_wait3A_389 : memref<1x1x128xi32, #tpu.memory_space<vmem>> -> memref<128xi32, #tpu.memory_space<vmem>>
        %dma_wait3A_391 = arith.constant 0 : i32
        %dma_wait3A_392 = arith.constant 0 : i32
        %dma_wait3A_393 = tpu.memref_slice %arg25[%dma_wait3A_391, %dma_wait3A_392] : memref<10000x8xf32, #tpu.memory_space<vmem_shared>> -> memref<10000x8xf32, #tpu.memory_space<vmem_shared>>
        tpu.wait_indirect_dma semaphore(%arg26 : memref<!tpu.dma_semaphore, #tpu.memory_space<semaphore_mem>>) src(%arg24 : memref<128x8xf32, #tpu.memory_space<vmem>>) dst(%dma_wait3A_393 : memref<10000x8xf32, #tpu.memory_space<vmem_shared>>)
      } else {
      }
      %ge3A = arith.constant 3 : i32
      %ge3A_144 = arith.cmpi sge, %add3A_112, %ge3A : i32
      %convert_element_type3A_145 = arith.extui %ge3A_144 : i1 to i32
      %cond3A_146 = arith.constant 0 : i32
      %cond3A_147 = arith.cmpi ne, %convert_element_type3A_145, %cond3A_146 : i32
      scf.if %cond3A_147 {
        %sub3A = arith.constant 3 : i32
        %sub3A_380 = arith.subi %add3A_112, %sub3A : i32
        %dma_wait3A_381 = arith.constant 3 : i32
        %dma_wait3A_382 = arith.constant 1 : i32
        %dma_wait3A_383 = arith.constant 0 : i32
        %dma_wait3A_384 = arith.constant 0 : i32
        %dma_wait3A_385 = tpu.memref_slice %arg10[%dma_wait3A_381, %dma_wait3A_383, %dma_wait3A_384] : memref<6x128x64xbf16, #tpu.memory_space<vmem>> -> memref<1x128x64xbf16, #tpu.memory_space<vmem>>
        %dma_wait3A_386 = tpu.memref_squeeze %dma_wait3A_385 : memref<1x128x64xbf16, #tpu.memory_space<vmem>> -> memref<128x64xbf16, #tpu.memory_space<vmem>>
        %dma_wait3A_387 = arith.constant 0 : i32
        %dma_wait3A_388 = tpu.memref_slice %arg9[%sub3A_380, %dma_wait3A_382, %dma_wait3A_387] : memref<157x2x128xi32, #tpu.memory_space<vmem>> -> memref<1x1x128xi32, #tpu.memory_space<vmem>>
        %dma_wait3A_389 = tpu.memref_squeeze %dma_wait3A_388 : memref<1x1x128xi32, #tpu.memory_space<vmem>> -> memref<128xi32, #tpu.memory_space<vmem>>
        %dma_wait3A_390 = arith.constant 0 : i32
        %dma_wait3A_391 = arith.constant 0 : i32
        %dma_wait3A_392 = tpu.memref_slice %arg11[%dma_wait3A_390, %dma_wait3A_391] : memref<10000x64xbf16, #tpu.memory_space<vmem_shared>> -> memref<10000x64xbf16, #tpu.memory_space<vmem_shared>>
        tpu.wait_indirect_dma semaphore(%arg21 : memref<!tpu.dma_semaphore, #tpu.memory_space<semaphore_mem>>) src(%dma_wait3A_386 : memref<128x64xbf16, #tpu.memory_space<vmem>>) dst(%dma_wait3A_392 : memref<10000x64xbf16, #tpu.memory_space<vmem_shared>>)
      } else {
      }
      %add3A_148 = arith.constant 3 : i32
      %add3A_149 = arith.addi %add3A_112, %add3A_148 : i32
      %lt3A_150 = arith.constant 156 : i32
      %lt3A_151 = arith.cmpi slt, %add3A_149, %lt3A_150 : i32
      %convert_element_type3A_152 = arith.extui %lt3A_151 : i1 to i32
      %cond3A_153 = arith.constant 0 : i32
      %cond3A_154 = arith.cmpi ne, %convert_element_type3A_152, %cond3A_153 : i32
      scf.if %cond3A_154 {
        %add3A_380 = arith.constant 3 : i32
        %add3A_381 = arith.addi %add3A_112, %add3A_380 : i32
        %dma_start3A_382 = arith.constant 0 : i32
        %dma_start3A_383 = arith.constant 3 : i32
        %dma_start3A_384 = arith.constant 0 : i32
        %dma_start3A_385 = arith.constant 0 : i32
        %dma_start3A_386 = tpu.memref_slice %arg10[%dma_start3A_383, %dma_start3A_384, %dma_start3A_385] : memref<6x128x64xbf16, #tpu.memory_space<vmem>> -> memref<1x128x64xbf16, #tpu.memory_space<vmem>>
        %dma_start3A_387 = tpu.memref_squeeze %dma_start3A_386 : memref<1x128x64xbf16, #tpu.memory_space<vmem>> -> memref<128x64xbf16, #tpu.memory_space<vmem>>
        %dma_start3A_388 = arith.constant 0 : i32
        %dma_start3A_389 = tpu.memref_slice %arg9[%add3A_381, %dma_start3A_382, %dma_start3A_388] : memref<157x2x128xi32, #tpu.memory_space<vmem>> -> memref<1x1x128xi32, #tpu.memory_space<vmem>>
        %dma_start3A_390 = tpu.memref_squeeze %dma_start3A_389 : memref<1x1x128xi32, #tpu.memory_space<vmem>> -> memref<128xi32, #tpu.memory_space<vmem>>
        %dma_start3A_391 = arith.constant 0 : i32
        %dma_start3A_392 = tpu.memref_slice %arg2[%arg0, %dma_start3A_391] : memref<20000x64xbf16, #tpu.memory_space<hbm>> -> memref<19999x64xbf16, #tpu.memory_space<hbm>>
        %dma_start3A_393 = arith.constant 0 : i32
        %dma_start3A_394 = arith.constant 0 : i32
        %dma_start3A_395 = tpu.memref_slice %dma_start3A_392[%dma_start3A_393, %dma_start3A_394] : memref<19999x64xbf16, #tpu.memory_space<hbm>> -> memref<19999x64xbf16, #tpu.memory_space<hbm>>
        tpu.enqueue_indirect_dma source(%dma_start3A_395 : memref<19999x64xbf16, #tpu.memory_space<hbm>>) target(%dma_start3A_387 : memref<128x64xbf16, #tpu.memory_space<vmem>>) offsets(%dma_start3A_390 : memref<128xi32, #tpu.memory_space<vmem>>) semaphore(%arg15 : memref<!tpu.dma_semaphore, #tpu.memory_space<semaphore_mem>>)
      } else {
      }
      %add3A_155 = arith.constant 1 : i32
      %add3A_156 = arith.addi %add3A_110, %add3A_155 : i32
      %dma_wait3A_157 = arith.constant 0 : i32
      %dma_wait3A_158 = arith.constant 1 : i32
      %dma_wait3A_159 = arith.constant 0 : i32
      %dma_wait3A_160 = arith.constant 0 : i32
      %dma_wait3A_161 = tpu.memref_slice %arg10[%dma_wait3A_158, %dma_wait3A_159, %dma_wait3A_160] : memref<6x128x64xbf16, #tpu.memory_space<vmem>> -> memref<1x128x64xbf16, #tpu.memory_space<vmem>>
      %dma_wait3A_162 = tpu.memref_squeeze %dma_wait3A_161 : memref<1x128x64xbf16, #tpu.memory_space<vmem>> -> memref<128x64xbf16, #tpu.memory_space<vmem>>
      %dma_wait3A_163 = arith.constant 0 : i32
      %dma_wait3A_164 = tpu.memref_slice %arg9[%add3A_156, %dma_wait3A_157, %dma_wait3A_163] : memref<157x2x128xi32, #tpu.memory_space<vmem>> -> memref<1x1x128xi32, #tpu.memory_space<vmem>>
      %dma_wait3A_165 = tpu.memref_squeeze %dma_wait3A_164 : memref<1x1x128xi32, #tpu.memory_space<vmem>> -> memref<128xi32, #tpu.memory_space<vmem>>
      %dma_wait3A_166 = arith.constant 0 : i32
      %dma_wait3A_167 = tpu.memref_slice %arg2[%arg0, %dma_wait3A_166] : memref<20000x64xbf16, #tpu.memory_space<hbm>> -> memref<19999x64xbf16, #tpu.memory_space<hbm>>
      %dma_wait3A_168 = arith.constant 0 : i32
      %dma_wait3A_169 = arith.constant 0 : i32
      %dma_wait3A_170 = tpu.memref_slice %dma_wait3A_167[%dma_wait3A_168, %dma_wait3A_169] : memref<19999x64xbf16, #tpu.memory_space<hbm>> -> memref<19999x64xbf16, #tpu.memory_space<hbm>>
      tpu.wait_indirect_dma semaphore(%arg13 : memref<!tpu.dma_semaphore, #tpu.memory_space<semaphore_mem>>) src(%dma_wait3A_170 : memref<19999x64xbf16, #tpu.memory_space<hbm>>) dst(%dma_wait3A_162 : memref<128x64xbf16, #tpu.memory_space<vmem>>)
      %dma_start3A_171 = arith.constant 1 : i32
      %dma_start3A_172 = arith.constant 1 : i32
      %dma_start3A_173 = arith.constant 0 : i32
      %dma_start3A_174 = arith.constant 0 : i32
      %dma_start3A_175 = tpu.memref_slice %arg10[%dma_start3A_171, %dma_start3A_173, %dma_start3A_174] : memref<6x128x64xbf16, #tpu.memory_space<vmem>> -> memref<1x128x64xbf16, #tpu.memory_space<vmem>>
      %dma_start3A_176 = tpu.memref_squeeze %dma_start3A_175 : memref<1x128x64xbf16, #tpu.memory_space<vmem>> -> memref<128x64xbf16, #tpu.memory_space<vmem>>
      %dma_start3A_177 = arith.constant 0 : i32
      %dma_start3A_178 = tpu.memref_slice %arg9[%add3A_156, %dma_start3A_172, %dma_start3A_177] : memref<157x2x128xi32, #tpu.memory_space<vmem>> -> memref<1x1x128xi32, #tpu.memory_space<vmem>>
      %dma_start3A_179 = tpu.memref_squeeze %dma_start3A_178 : memref<1x1x128xi32, #tpu.memory_space<vmem>> -> memref<128xi32, #tpu.memory_space<vmem>>
      %dma_start3A_180 = arith.constant 0 : i32
      %dma_start3A_181 = arith.constant 0 : i32
      %dma_start3A_182 = tpu.memref_slice %arg11[%dma_start3A_180, %dma_start3A_181] : memref<10000x64xbf16, #tpu.memory_space<vmem_shared>> -> memref<10000x64xbf16, #tpu.memory_space<vmem_shared>>
      tpu.enqueue_indirect_dma source(%dma_start3A_176 : memref<128x64xbf16, #tpu.memory_space<vmem>>) target(%dma_start3A_182 : memref<10000x64xbf16, #tpu.memory_space<vmem_shared>>) offsets(%dma_start3A_179 : memref<128xi32, #tpu.memory_space<vmem>>) semaphore(%arg19 : memref<!tpu.dma_semaphore, #tpu.memory_space<semaphore_mem>>) {add = true}
      %eq3A_183 = arith.constant 0 : i32
      %eq3A_184 = arith.cmpi eq, %arg0, %eq3A_183 : i32
      %convert_element_type3A_185 = arith.extui %eq3A_184 : i1 to i32
      %cond3A_186 = arith.constant 0 : i32
      %cond3A_187 = arith.cmpi ne, %convert_element_type3A_185, %cond3A_186 : i32
      scf.if %cond3A_187 {
        %dma_start3A_380 = arith.constant 1 : i32
        %dma_start3A_381 = arith.constant 0 : i32
        %dma_start3A_382 = tpu.memref_slice %arg9[%add3A_156, %dma_start3A_380, %dma_start3A_381] : memref<157x2x128xi32, #tpu.memory_space<vmem>> -> memref<1x1x128xi32, #tpu.memory_space<vmem>>
        %dma_start3A_383 = tpu.memref_squeeze %dma_start3A_382 : memref<1x1x128xi32, #tpu.memory_space<vmem>> -> memref<128xi32, #tpu.memory_space<vmem>>
        %dma_start3A_384 = arith.constant 0 : i32
        %dma_start3A_385 = arith.constant 0 : i32
        %dma_start3A_386 = tpu.memref_slice %arg25[%dma_start3A_384, %dma_start3A_385] : memref<10000x8xf32, #tpu.memory_space<vmem_shared>> -> memref<10000x8xf32, #tpu.memory_space<vmem_shared>>
        tpu.enqueue_indirect_dma source(%arg24 : memref<128x8xf32, #tpu.memory_space<vmem>>) target(%dma_start3A_386 : memref<10000x8xf32, #tpu.memory_space<vmem_shared>>) offsets(%dma_start3A_383 : memref<128xi32, #tpu.memory_space<vmem>>) semaphore(%arg26 : memref<!tpu.dma_semaphore, #tpu.memory_space<semaphore_mem>>) {add = true}
        %dma_wait3A_387 = arith.constant 1 : i32
        %dma_wait3A_388 = arith.constant 0 : i32
        %dma_wait3A_389 = tpu.memref_slice %arg9[%add3A_156, %dma_wait3A_387, %dma_wait3A_388] : memref<157x2x128xi32, #tpu.memory_space<vmem>> -> memref<1x1x128xi32, #tpu.memory_space<vmem>>
        %dma_wait3A_390 = tpu.memref_squeeze %dma_wait3A_389 : memref<1x1x128xi32, #tpu.memory_space<vmem>> -> memref<128xi32, #tpu.memory_space<vmem>>
        %dma_wait3A_391 = arith.constant 0 : i32
        %dma_wait3A_392 = arith.constant 0 : i32
        %dma_wait3A_393 = tpu.memref_slice %arg25[%dma_wait3A_391, %dma_wait3A_392] : memref<10000x8xf32, #tpu.memory_space<vmem_shared>> -> memref<10000x8xf32, #tpu.memory_space<vmem_shared>>
        tpu.wait_indirect_dma semaphore(%arg26 : memref<!tpu.dma_semaphore, #tpu.memory_space<semaphore_mem>>) src(%arg24 : memref<128x8xf32, #tpu.memory_space<vmem>>) dst(%dma_wait3A_393 : memref<10000x8xf32, #tpu.memory_space<vmem_shared>>)
      } else {
      }
      %ge3A_188 = arith.constant 3 : i32
      %ge3A_189 = arith.cmpi sge, %add3A_156, %ge3A_188 : i32
      %convert_element_type3A_190 = arith.extui %ge3A_189 : i1 to i32
      %cond3A_191 = arith.constant 0 : i32
      %cond3A_192 = arith.cmpi ne, %convert_element_type3A_190, %cond3A_191 : i32
      scf.if %cond3A_192 {
        %sub3A = arith.constant 3 : i32
        %sub3A_380 = arith.subi %add3A_156, %sub3A : i32
        %dma_wait3A_381 = arith.constant 4 : i32
        %dma_wait3A_382 = arith.constant 1 : i32
        %dma_wait3A_383 = arith.constant 0 : i32
        %dma_wait3A_384 = arith.constant 0 : i32
        %dma_wait3A_385 = tpu.memref_slice %arg10[%dma_wait3A_381, %dma_wait3A_383, %dma_wait3A_384] : memref<6x128x64xbf16, #tpu.memory_space<vmem>> -> memref<1x128x64xbf16, #tpu.memory_space<vmem>>
        %dma_wait3A_386 = tpu.memref_squeeze %dma_wait3A_385 : memref<1x128x64xbf16, #tpu.memory_space<vmem>> -> memref<128x64xbf16, #tpu.memory_space<vmem>>
        %dma_wait3A_387 = arith.constant 0 : i32
        %dma_wait3A_388 = tpu.memref_slice %arg9[%sub3A_380, %dma_wait3A_382, %dma_wait3A_387] : memref<157x2x128xi32, #tpu.memory_space<vmem>> -> memref<1x1x128xi32, #tpu.memory_space<vmem>>
        %dma_wait3A_389 = tpu.memref_squeeze %dma_wait3A_388 : memref<1x1x128xi32, #tpu.memory_space<vmem>> -> memref<128xi32, #tpu.memory_space<vmem>>
        %dma_wait3A_390 = arith.constant 0 : i32
        %dma_wait3A_391 = arith.constant 0 : i32
        %dma_wait3A_392 = tpu.memref_slice %arg11[%dma_wait3A_390, %dma_wait3A_391] : memref<10000x64xbf16, #tpu.memory_space<vmem_shared>> -> memref<10000x64xbf16, #tpu.memory_space<vmem_shared>>
        tpu.wait_indirect_dma semaphore(%arg22 : memref<!tpu.dma_semaphore, #tpu.memory_space<semaphore_mem>>) src(%dma_wait3A_386 : memref<128x64xbf16, #tpu.memory_space<vmem>>) dst(%dma_wait3A_392 : memref<10000x64xbf16, #tpu.memory_space<vmem_shared>>)
      } else {
      }
      %add3A_193 = arith.constant 3 : i32
      %add3A_194 = arith.addi %add3A_156, %add3A_193 : i32
      %lt3A_195 = arith.constant 156 : i32
      %lt3A_196 = arith.cmpi slt, %add3A_194, %lt3A_195 : i32
      %convert_element_type3A_197 = arith.extui %lt3A_196 : i1 to i32
      %cond3A_198 = arith.constant 0 : i32
      %cond3A_199 = arith.cmpi ne, %convert_element_type3A_197, %cond3A_198 : i32
      scf.if %cond3A_199 {
        %add3A_380 = arith.constant 3 : i32
        %add3A_381 = arith.addi %add3A_156, %add3A_380 : i32
        %dma_start3A_382 = arith.constant 0 : i32
        %dma_start3A_383 = arith.constant 4 : i32
        %dma_start3A_384 = arith.constant 0 : i32
        %dma_start3A_385 = arith.constant 0 : i32
        %dma_start3A_386 = tpu.memref_slice %arg10[%dma_start3A_383, %dma_start3A_384, %dma_start3A_385] : memref<6x128x64xbf16, #tpu.memory_space<vmem>> -> memref<1x128x64xbf16, #tpu.memory_space<vmem>>
        %dma_start3A_387 = tpu.memref_squeeze %dma_start3A_386 : memref<1x128x64xbf16, #tpu.memory_space<vmem>> -> memref<128x64xbf16, #tpu.memory_space<vmem>>
        %dma_start3A_388 = arith.constant 0 : i32
        %dma_start3A_389 = tpu.memref_slice %arg9[%add3A_381, %dma_start3A_382, %dma_start3A_388] : memref<157x2x128xi32, #tpu.memory_space<vmem>> -> memref<1x1x128xi32, #tpu.memory_space<vmem>>
        %dma_start3A_390 = tpu.memref_squeeze %dma_start3A_389 : memref<1x1x128xi32, #tpu.memory_space<vmem>> -> memref<128xi32, #tpu.memory_space<vmem>>
        %dma_start3A_391 = arith.constant 0 : i32
        %dma_start3A_392 = tpu.memref_slice %arg2[%arg0, %dma_start3A_391] : memref<20000x64xbf16, #tpu.memory_space<hbm>> -> memref<19999x64xbf16, #tpu.memory_space<hbm>>
        %dma_start3A_393 = arith.constant 0 : i32
        %dma_start3A_394 = arith.constant 0 : i32
        %dma_start3A_395 = tpu.memref_slice %dma_start3A_392[%dma_start3A_393, %dma_start3A_394] : memref<19999x64xbf16, #tpu.memory_space<hbm>> -> memref<19999x64xbf16, #tpu.memory_space<hbm>>
        tpu.enqueue_indirect_dma source(%dma_start3A_395 : memref<19999x64xbf16, #tpu.memory_space<hbm>>) target(%dma_start3A_387 : memref<128x64xbf16, #tpu.memory_space<vmem>>) offsets(%dma_start3A_390 : memref<128xi32, #tpu.memory_space<vmem>>) semaphore(%arg16 : memref<!tpu.dma_semaphore, #tpu.memory_space<semaphore_mem>>)
      } else {
      }
      %add3A_200 = arith.constant 2 : i32
      %add3A_201 = arith.addi %add3A_110, %add3A_200 : i32
      %dma_wait3A_202 = arith.constant 0 : i32
      %dma_wait3A_203 = arith.constant 2 : i32
      %dma_wait3A_204 = arith.constant 0 : i32
      %dma_wait3A_205 = arith.constant 0 : i32
      %dma_wait3A_206 = tpu.memref_slice %arg10[%dma_wait3A_203, %dma_wait3A_204, %dma_wait3A_205] : memref<6x128x64xbf16, #tpu.memory_space<vmem>> -> memref<1x128x64xbf16, #tpu.memory_space<vmem>>
      %dma_wait3A_207 = tpu.memref_squeeze %dma_wait3A_206 : memref<1x128x64xbf16, #tpu.memory_space<vmem>> -> memref<128x64xbf16, #tpu.memory_space<vmem>>
      %dma_wait3A_208 = arith.constant 0 : i32
      %dma_wait3A_209 = tpu.memref_slice %arg9[%add3A_201, %dma_wait3A_202, %dma_wait3A_208] : memref<157x2x128xi32, #tpu.memory_space<vmem>> -> memref<1x1x128xi32, #tpu.memory_space<vmem>>
      %dma_wait3A_210 = tpu.memref_squeeze %dma_wait3A_209 : memref<1x1x128xi32, #tpu.memory_space<vmem>> -> memref<128xi32, #tpu.memory_space<vmem>>
      %dma_wait3A_211 = arith.constant 0 : i32
      %dma_wait3A_212 = tpu.memref_slice %arg2[%arg0, %dma_wait3A_211] : memref<20000x64xbf16, #tpu.memory_space<hbm>> -> memref<19999x64xbf16, #tpu.memory_space<hbm>>
      %dma_wait3A_213 = arith.constant 0 : i32
      %dma_wait3A_214 = arith.constant 0 : i32
      %dma_wait3A_215 = tpu.memref_slice %dma_wait3A_212[%dma_wait3A_213, %dma_wait3A_214] : memref<19999x64xbf16, #tpu.memory_space<hbm>> -> memref<19999x64xbf16, #tpu.memory_space<hbm>>
      tpu.wait_indirect_dma semaphore(%arg14 : memref<!tpu.dma_semaphore, #tpu.memory_space<semaphore_mem>>) src(%dma_wait3A_215 : memref<19999x64xbf16, #tpu.memory_space<hbm>>) dst(%dma_wait3A_207 : memref<128x64xbf16, #tpu.memory_space<vmem>>)
      %dma_start3A_216 = arith.constant 2 : i32
      %dma_start3A_217 = arith.constant 1 : i32
      %dma_start3A_218 = arith.constant 0 : i32
      %dma_start3A_219 = arith.constant 0 : i32
      %dma_start3A_220 = tpu.memref_slice %arg10[%dma_start3A_216, %dma_start3A_218, %dma_start3A_219] : memref<6x128x64xbf16, #tpu.memory_space<vmem>> -> memref<1x128x64xbf16, #tpu.memory_space<vmem>>
      %dma_start3A_221 = tpu.memref_squeeze %dma_start3A_220 : memref<1x128x64xbf16, #tpu.memory_space<vmem>> -> memref<128x64xbf16, #tpu.memory_space<vmem>>
      %dma_start3A_222 = arith.constant 0 : i32
      %dma_start3A_223 = tpu.memref_slice %arg9[%add3A_201, %dma_start3A_217, %dma_start3A_222] : memref<157x2x128xi32, #tpu.memory_space<vmem>> -> memref<1x1x128xi32, #tpu.memory_space<vmem>>
      %dma_start3A_224 = tpu.memref_squeeze %dma_start3A_223 : memref<1x1x128xi32, #tpu.memory_space<vmem>> -> memref<128xi32, #tpu.memory_space<vmem>>
      %dma_start3A_225 = arith.constant 0 : i32
      %dma_start3A_226 = arith.constant 0 : i32
      %dma_start3A_227 = tpu.memref_slice %arg11[%dma_start3A_225, %dma_start3A_226] : memref<10000x64xbf16, #tpu.memory_space<vmem_shared>> -> memref<10000x64xbf16, #tpu.memory_space<vmem_shared>>
      tpu.enqueue_indirect_dma source(%dma_start3A_221 : memref<128x64xbf16, #tpu.memory_space<vmem>>) target(%dma_start3A_227 : memref<10000x64xbf16, #tpu.memory_space<vmem_shared>>) offsets(%dma_start3A_224 : memref<128xi32, #tpu.memory_space<vmem>>) semaphore(%arg20 : memref<!tpu.dma_semaphore, #tpu.memory_space<semaphore_mem>>) {add = true}
      %eq3A_228 = arith.constant 0 : i32
      %eq3A_229 = arith.cmpi eq, %arg0, %eq3A_228 : i32
      %convert_element_type3A_230 = arith.extui %eq3A_229 : i1 to i32
      %cond3A_231 = arith.constant 0 : i32
      %cond3A_232 = arith.cmpi ne, %convert_element_type3A_230, %cond3A_231 : i32
      scf.if %cond3A_232 {
        %dma_start3A_380 = arith.constant 1 : i32
        %dma_start3A_381 = arith.constant 0 : i32
        %dma_start3A_382 = tpu.memref_slice %arg9[%add3A_201, %dma_start3A_380, %dma_start3A_381] : memref<157x2x128xi32, #tpu.memory_space<vmem>> -> memref<1x1x128xi32, #tpu.memory_space<vmem>>
        %dma_start3A_383 = tpu.memref_squeeze %dma_start3A_382 : memref<1x1x128xi32, #tpu.memory_space<vmem>> -> memref<128xi32, #tpu.memory_space<vmem>>
        %dma_start3A_384 = arith.constant 0 : i32
        %dma_start3A_385 = arith.constant 0 : i32
        %dma_start3A_386 = tpu.memref_slice %arg25[%dma_start3A_384, %dma_start3A_385] : memref<10000x8xf32, #tpu.memory_space<vmem_shared>> -> memref<10000x8xf32, #tpu.memory_space<vmem_shared>>
        tpu.enqueue_indirect_dma source(%arg24 : memref<128x8xf32, #tpu.memory_space<vmem>>) target(%dma_start3A_386 : memref<10000x8xf32, #tpu.memory_space<vmem_shared>>) offsets(%dma_start3A_383 : memref<128xi32, #tpu.memory_space<vmem>>) semaphore(%arg26 : memref<!tpu.dma_semaphore, #tpu.memory_space<semaphore_mem>>) {add = true}
        %dma_wait3A_387 = arith.constant 1 : i32
        %dma_wait3A_388 = arith.constant 0 : i32
        %dma_wait3A_389 = tpu.memref_slice %arg9[%add3A_201, %dma_wait3A_387, %dma_wait3A_388] : memref<157x2x128xi32, #tpu.memory_space<vmem>> -> memref<1x1x128xi32, #tpu.memory_space<vmem>>
        %dma_wait3A_390 = tpu.memref_squeeze %dma_wait3A_389 : memref<1x1x128xi32, #tpu.memory_space<vmem>> -> memref<128xi32, #tpu.memory_space<vmem>>
        %dma_wait3A_391 = arith.constant 0 : i32
        %dma_wait3A_392 = arith.constant 0 : i32
        %dma_wait3A_393 = tpu.memref_slice %arg25[%dma_wait3A_391, %dma_wait3A_392] : memref<10000x8xf32, #tpu.memory_space<vmem_shared>> -> memref<10000x8xf32, #tpu.memory_space<vmem_shared>>
        tpu.wait_indirect_dma semaphore(%arg26 : memref<!tpu.dma_semaphore, #tpu.memory_space<semaphore_mem>>) src(%arg24 : memref<128x8xf32, #tpu.memory_space<vmem>>) dst(%dma_wait3A_393 : memref<10000x8xf32, #tpu.memory_space<vmem_shared>>)
      } else {
      }
      %ge3A_233 = arith.constant 3 : i32
      %ge3A_234 = arith.cmpi sge, %add3A_201, %ge3A_233 : i32
      %convert_element_type3A_235 = arith.extui %ge3A_234 : i1 to i32
      %cond3A_236 = arith.constant 0 : i32
      %cond3A_237 = arith.cmpi ne, %convert_element_type3A_235, %cond3A_236 : i32
      scf.if %cond3A_237 {
        %sub3A = arith.constant 3 : i32
        %sub3A_380 = arith.subi %add3A_201, %sub3A : i32
        %dma_wait3A_381 = arith.constant 5 : i32
        %dma_wait3A_382 = arith.constant 1 : i32
        %dma_wait3A_383 = arith.constant 0 : i32
        %dma_wait3A_384 = arith.constant 0 : i32
        %dma_wait3A_385 = tpu.memref_slice %arg10[%dma_wait3A_381, %dma_wait3A_383, %dma_wait3A_384] : memref<6x128x64xbf16, #tpu.memory_space<vmem>> -> memref<1x128x64xbf16, #tpu.memory_space<vmem>>
        %dma_wait3A_386 = tpu.memref_squeeze %dma_wait3A_385 : memref<1x128x64xbf16, #tpu.memory_space<vmem>> -> memref<128x64xbf16, #tpu.memory_space<vmem>>
        %dma_wait3A_387 = arith.constant 0 : i32
        %dma_wait3A_388 = tpu.memref_slice %arg9[%sub3A_380, %dma_wait3A_382, %dma_wait3A_387] : memref<157x2x128xi32, #tpu.memory_space<vmem>> -> memref<1x1x128xi32, #tpu.memory_space<vmem>>
        %dma_wait3A_389 = tpu.memref_squeeze %dma_wait3A_388 : memref<1x1x128xi32, #tpu.memory_space<vmem>> -> memref<128xi32, #tpu.memory_space<vmem>>
        %dma_wait3A_390 = arith.constant 0 : i32
        %dma_wait3A_391 = arith.constant 0 : i32
        %dma_wait3A_392 = tpu.memref_slice %arg11[%dma_wait3A_390, %dma_wait3A_391] : memref<10000x64xbf16, #tpu.memory_space<vmem_shared>> -> memref<10000x64xbf16, #tpu.memory_space<vmem_shared>>
        tpu.wait_indirect_dma semaphore(%arg23 : memref<!tpu.dma_semaphore, #tpu.memory_space<semaphore_mem>>) src(%dma_wait3A_386 : memref<128x64xbf16, #tpu.memory_space<vmem>>) dst(%dma_wait3A_392 : memref<10000x64xbf16, #tpu.memory_space<vmem_shared>>)
      } else {
      }
      %add3A_238 = arith.constant 3 : i32
      %add3A_239 = arith.addi %add3A_201, %add3A_238 : i32
      %lt3A_240 = arith.constant 156 : i32
      %lt3A_241 = arith.cmpi slt, %add3A_239, %lt3A_240 : i32
      %convert_element_type3A_242 = arith.extui %lt3A_241 : i1 to i32
      %cond3A_243 = arith.constant 0 : i32
      %cond3A_244 = arith.cmpi ne, %convert_element_type3A_242, %cond3A_243 : i32
      scf.if %cond3A_244 {
        %add3A_380 = arith.constant 3 : i32
        %add3A_381 = arith.addi %add3A_201, %add3A_380 : i32
        %dma_start3A_382 = arith.constant 0 : i32
        %dma_start3A_383 = arith.constant 5 : i32
        %dma_start3A_384 = arith.constant 0 : i32
        %dma_start3A_385 = arith.constant 0 : i32
        %dma_start3A_386 = tpu.memref_slice %arg10[%dma_start3A_383, %dma_start3A_384, %dma_start3A_385] : memref<6x128x64xbf16, #tpu.memory_space<vmem>> -> memref<1x128x64xbf16, #tpu.memory_space<vmem>>
        %dma_start3A_387 = tpu.memref_squeeze %dma_start3A_386 : memref<1x128x64xbf16, #tpu.memory_space<vmem>> -> memref<128x64xbf16, #tpu.memory_space<vmem>>
        %dma_start3A_388 = arith.constant 0 : i32
        %dma_start3A_389 = tpu.memref_slice %arg9[%add3A_381, %dma_start3A_382, %dma_start3A_388] : memref<157x2x128xi32, #tpu.memory_space<vmem>> -> memref<1x1x128xi32, #tpu.memory_space<vmem>>
        %dma_start3A_390 = tpu.memref_squeeze %dma_start3A_389 : memref<1x1x128xi32, #tpu.memory_space<vmem>> -> memref<128xi32, #tpu.memory_space<vmem>>
        %dma_start3A_391 = arith.constant 0 : i32
        %dma_start3A_392 = tpu.memref_slice %arg2[%arg0, %dma_start3A_391] : memref<20000x64xbf16, #tpu.memory_space<hbm>> -> memref<19999x64xbf16, #tpu.memory_space<hbm>>
        %dma_start3A_393 = arith.constant 0 : i32
        %dma_start3A_394 = arith.constant 0 : i32
        %dma_start3A_395 = tpu.memref_slice %dma_start3A_392[%dma_start3A_393, %dma_start3A_394] : memref<19999x64xbf16, #tpu.memory_space<hbm>> -> memref<19999x64xbf16, #tpu.memory_space<hbm>>
        tpu.enqueue_indirect_dma source(%dma_start3A_395 : memref<19999x64xbf16, #tpu.memory_space<hbm>>) target(%dma_start3A_387 : memref<128x64xbf16, #tpu.memory_space<vmem>>) offsets(%dma_start3A_390 : memref<128xi32, #tpu.memory_space<vmem>>) semaphore(%arg17 : memref<!tpu.dma_semaphore, #tpu.memory_space<semaphore_mem>>)
      } else {
      }
      %add3A_245 = arith.constant 3 : i32
      %add3A_246 = arith.addi %add3A_110, %add3A_245 : i32
      %dma_wait3A_247 = arith.constant 0 : i32
      %dma_wait3A_248 = arith.constant 3 : i32
      %dma_wait3A_249 = arith.constant 0 : i32
      %dma_wait3A_250 = arith.constant 0 : i32
      %dma_wait3A_251 = tpu.memref_slice %arg10[%dma_wait3A_248, %dma_wait3A_249, %dma_wait3A_250] : memref<6x128x64xbf16, #tpu.memory_space<vmem>> -> memref<1x128x64xbf16, #tpu.memory_space<vmem>>
      %dma_wait3A_252 = tpu.memref_squeeze %dma_wait3A_251 : memref<1x128x64xbf16, #tpu.memory_space<vmem>> -> memref<128x64xbf16, #tpu.memory_space<vmem>>
      %dma_wait3A_253 = arith.constant 0 : i32
      %dma_wait3A_254 = tpu.memref_slice %arg9[%add3A_246, %dma_wait3A_247, %dma_wait3A_253] : memref<157x2x128xi32, #tpu.memory_space<vmem>> -> memref<1x1x128xi32, #tpu.memory_space<vmem>>
      %dma_wait3A_255 = tpu.memref_squeeze %dma_wait3A_254 : memref<1x1x128xi32, #tpu.memory_space<vmem>> -> memref<128xi32, #tpu.memory_space<vmem>>
      %dma_wait3A_256 = arith.constant 0 : i32
      %dma_wait3A_257 = tpu.memref_slice %arg2[%arg0, %dma_wait3A_256] : memref<20000x64xbf16, #tpu.memory_space<hbm>> -> memref<19999x64xbf16, #tpu.memory_space<hbm>>
      %dma_wait3A_258 = arith.constant 0 : i32
      %dma_wait3A_259 = arith.constant 0 : i32
      %dma_wait3A_260 = tpu.memref_slice %dma_wait3A_257[%dma_wait3A_258, %dma_wait3A_259] : memref<19999x64xbf16, #tpu.memory_space<hbm>> -> memref<19999x64xbf16, #tpu.memory_space<hbm>>
      tpu.wait_indirect_dma semaphore(%arg15 : memref<!tpu.dma_semaphore, #tpu.memory_space<semaphore_mem>>) src(%dma_wait3A_260 : memref<19999x64xbf16, #tpu.memory_space<hbm>>) dst(%dma_wait3A_252 : memref<128x64xbf16, #tpu.memory_space<vmem>>)
      %dma_start3A_261 = arith.constant 3 : i32
      %dma_start3A_262 = arith.constant 1 : i32
      %dma_start3A_263 = arith.constant 0 : i32
      %dma_start3A_264 = arith.constant 0 : i32
      %dma_start3A_265 = tpu.memref_slice %arg10[%dma_start3A_261, %dma_start3A_263, %dma_start3A_264] : memref<6x128x64xbf16, #tpu.memory_space<vmem>> -> memref<1x128x64xbf16, #tpu.memory_space<vmem>>
      %dma_start3A_266 = tpu.memref_squeeze %dma_start3A_265 : memref<1x128x64xbf16, #tpu.memory_space<vmem>> -> memref<128x64xbf16, #tpu.memory_space<vmem>>
      %dma_start3A_267 = arith.constant 0 : i32
      %dma_start3A_268 = tpu.memref_slice %arg9[%add3A_246, %dma_start3A_262, %dma_start3A_267] : memref<157x2x128xi32, #tpu.memory_space<vmem>> -> memref<1x1x128xi32, #tpu.memory_space<vmem>>
      %dma_start3A_269 = tpu.memref_squeeze %dma_start3A_268 : memref<1x1x128xi32, #tpu.memory_space<vmem>> -> memref<128xi32, #tpu.memory_space<vmem>>
      %dma_start3A_270 = arith.constant 0 : i32
      %dma_start3A_271 = arith.constant 0 : i32
      %dma_start3A_272 = tpu.memref_slice %arg11[%dma_start3A_270, %dma_start3A_271] : memref<10000x64xbf16, #tpu.memory_space<vmem_shared>> -> memref<10000x64xbf16, #tpu.memory_space<vmem_shared>>
      tpu.enqueue_indirect_dma source(%dma_start3A_266 : memref<128x64xbf16, #tpu.memory_space<vmem>>) target(%dma_start3A_272 : memref<10000x64xbf16, #tpu.memory_space<vmem_shared>>) offsets(%dma_start3A_269 : memref<128xi32, #tpu.memory_space<vmem>>) semaphore(%arg21 : memref<!tpu.dma_semaphore, #tpu.memory_space<semaphore_mem>>) {add = true}
      %eq3A_273 = arith.constant 0 : i32
      %eq3A_274 = arith.cmpi eq, %arg0, %eq3A_273 : i32
      %convert_element_type3A_275 = arith.extui %eq3A_274 : i1 to i32
      %cond3A_276 = arith.constant 0 : i32
      %cond3A_277 = arith.cmpi ne, %convert_element_type3A_275, %cond3A_276 : i32
      scf.if %cond3A_277 {
        %dma_start3A_380 = arith.constant 1 : i32
        %dma_start3A_381 = arith.constant 0 : i32
        %dma_start3A_382 = tpu.memref_slice %arg9[%add3A_246, %dma_start3A_380, %dma_start3A_381] : memref<157x2x128xi32, #tpu.memory_space<vmem>> -> memref<1x1x128xi32, #tpu.memory_space<vmem>>
        %dma_start3A_383 = tpu.memref_squeeze %dma_start3A_382 : memref<1x1x128xi32, #tpu.memory_space<vmem>> -> memref<128xi32, #tpu.memory_space<vmem>>
        %dma_start3A_384 = arith.constant 0 : i32
        %dma_start3A_385 = arith.constant 0 : i32
        %dma_start3A_386 = tpu.memref_slice %arg25[%dma_start3A_384, %dma_start3A_385] : memref<10000x8xf32, #tpu.memory_space<vmem_shared>> -> memref<10000x8xf32, #tpu.memory_space<vmem_shared>>
        tpu.enqueue_indirect_dma source(%arg24 : memref<128x8xf32, #tpu.memory_space<vmem>>) target(%dma_start3A_386 : memref<10000x8xf32, #tpu.memory_space<vmem_shared>>) offsets(%dma_start3A_383 : memref<128xi32, #tpu.memory_space<vmem>>) semaphore(%arg26 : memref<!tpu.dma_semaphore, #tpu.memory_space<semaphore_mem>>) {add = true}
        %dma_wait3A_387 = arith.constant 1 : i32
        %dma_wait3A_388 = arith.constant 0 : i32
        %dma_wait3A_389 = tpu.memref_slice %arg9[%add3A_246, %dma_wait3A_387, %dma_wait3A_388] : memref<157x2x128xi32, #tpu.memory_space<vmem>> -> memref<1x1x128xi32, #tpu.memory_space<vmem>>
        %dma_wait3A_390 = tpu.memref_squeeze %dma_wait3A_389 : memref<1x1x128xi32, #tpu.memory_space<vmem>> -> memref<128xi32, #tpu.memory_space<vmem>>
        %dma_wait3A_391 = arith.constant 0 : i32
        %dma_wait3A_392 = arith.constant 0 : i32
        %dma_wait3A_393 = tpu.memref_slice %arg25[%dma_wait3A_391, %dma_wait3A_392] : memref<10000x8xf32, #tpu.memory_space<vmem_shared>> -> memref<10000x8xf32, #tpu.memory_space<vmem_shared>>
        tpu.wait_indirect_dma semaphore(%arg26 : memref<!tpu.dma_semaphore, #tpu.memory_space<semaphore_mem>>) src(%arg24 : memref<128x8xf32, #tpu.memory_space<vmem>>) dst(%dma_wait3A_393 : memref<10000x8xf32, #tpu.memory_space<vmem_shared>>)
      } else {
      }
      %ge3A_278 = arith.constant 3 : i32
      %ge3A_279 = arith.cmpi sge, %add3A_246, %ge3A_278 : i32
      %convert_element_type3A_280 = arith.extui %ge3A_279 : i1 to i32
      %cond3A_281 = arith.constant 0 : i32
      %cond3A_282 = arith.cmpi ne, %convert_element_type3A_280, %cond3A_281 : i32
      scf.if %cond3A_282 {
        %sub3A = arith.constant 3 : i32
        %sub3A_380 = arith.subi %add3A_246, %sub3A : i32
        %dma_wait3A_381 = arith.constant 0 : i32
        %dma_wait3A_382 = arith.constant 1 : i32
        %dma_wait3A_383 = arith.constant 0 : i32
        %dma_wait3A_384 = arith.constant 0 : i32
        %dma_wait3A_385 = tpu.memref_slice %arg10[%dma_wait3A_381, %dma_wait3A_383, %dma_wait3A_384] : memref<6x128x64xbf16, #tpu.memory_space<vmem>> -> memref<1x128x64xbf16, #tpu.memory_space<vmem>>
        %dma_wait3A_386 = tpu.memref_squeeze %dma_wait3A_385 : memref<1x128x64xbf16, #tpu.memory_space<vmem>> -> memref<128x64xbf16, #tpu.memory_space<vmem>>
        %dma_wait3A_387 = arith.constant 0 : i32
        %dma_wait3A_388 = tpu.memref_slice %arg9[%sub3A_380, %dma_wait3A_382, %dma_wait3A_387] : memref<157x2x128xi32, #tpu.memory_space<vmem>> -> memref<1x1x128xi32, #tpu.memory_space<vmem>>
        %dma_wait3A_389 = tpu.memref_squeeze %dma_wait3A_388 : memref<1x1x128xi32, #tpu.memory_space<vmem>> -> memref<128xi32, #tpu.memory_space<vmem>>
        %dma_wait3A_390 = arith.constant 0 : i32
        %dma_wait3A_391 = arith.constant 0 : i32
        %dma_wait3A_392 = tpu.memref_slice %arg11[%dma_wait3A_390, %dma_wait3A_391] : memref<10000x64xbf16, #tpu.memory_space<vmem_shared>> -> memref<10000x64xbf16, #tpu.memory_space<vmem_shared>>
        tpu.wait_indirect_dma semaphore(%arg18 : memref<!tpu.dma_semaphore, #tpu.memory_space<semaphore_mem>>) src(%dma_wait3A_386 : memref<128x64xbf16, #tpu.memory_space<vmem>>) dst(%dma_wait3A_392 : memref<10000x64xbf16, #tpu.memory_space<vmem_shared>>)
      } else {
      }
      %add3A_283 = arith.constant 3 : i32
      %add3A_284 = arith.addi %add3A_246, %add3A_283 : i32
      %lt3A_285 = arith.constant 156 : i32
      %lt3A_286 = arith.cmpi slt, %add3A_284, %lt3A_285 : i32
      %convert_element_type3A_287 = arith.extui %lt3A_286 : i1 to i32
      %cond3A_288 = arith.constant 0 : i32
      %cond3A_289 = arith.cmpi ne, %convert_element_type3A_287, %cond3A_288 : i32
      scf.if %cond3A_289 {
        %add3A_380 = arith.constant 3 : i32
        %add3A_381 = arith.addi %add3A_246, %add3A_380 : i32
        %dma_start3A_382 = arith.constant 0 : i32
        %dma_start3A_383 = arith.constant 0 : i32
        %dma_start3A_384 = arith.constant 0 : i32
        %dma_start3A_385 = arith.constant 0 : i32
        %dma_start3A_386 = tpu.memref_slice %arg10[%dma_start3A_383, %dma_start3A_384, %dma_start3A_385] : memref<6x128x64xbf16, #tpu.memory_space<vmem>> -> memref<1x128x64xbf16, #tpu.memory_space<vmem>>
        %dma_start3A_387 = tpu.memref_squeeze %dma_start3A_386 : memref<1x128x64xbf16, #tpu.memory_space<vmem>> -> memref<128x64xbf16, #tpu.memory_space<vmem>>
        %dma_start3A_388 = arith.constant 0 : i32
        %dma_start3A_389 = tpu.memref_slice %arg9[%add3A_381, %dma_start3A_382, %dma_start3A_388] : memref<157x2x128xi32, #tpu.memory_space<vmem>> -> memref<1x1x128xi32, #tpu.memory_space<vmem>>
        %dma_start3A_390 = tpu.memref_squeeze %dma_start3A_389 : memref<1x1x128xi32, #tpu.memory_space<vmem>> -> memref<128xi32, #tpu.memory_space<vmem>>
        %dma_start3A_391 = arith.constant 0 : i32
        %dma_start3A_392 = tpu.memref_slice %arg2[%arg0, %dma_start3A_391] : memref<20000x64xbf16, #tpu.memory_space<hbm>> -> memref<19999x64xbf16, #tpu.memory_space<hbm>>
        %dma_start3A_393 = arith.constant 0 : i32
        %dma_start3A_394 = arith.constant 0 : i32
        %dma_start3A_395 = tpu.memref_slice %dma_start3A_392[%dma_start3A_393, %dma_start3A_394] : memref<19999x64xbf16, #tpu.memory_space<hbm>> -> memref<19999x64xbf16, #tpu.memory_space<hbm>>
        tpu.enqueue_indirect_dma source(%dma_start3A_395 : memref<19999x64xbf16, #tpu.memory_space<hbm>>) target(%dma_start3A_387 : memref<128x64xbf16, #tpu.memory_space<vmem>>) offsets(%dma_start3A_390 : memref<128xi32, #tpu.memory_space<vmem>>) semaphore(%arg12 : memref<!tpu.dma_semaphore, #tpu.memory_space<semaphore_mem>>)
      } else {
      }
      %add3A_290 = arith.constant 4 : i32
      %add3A_291 = arith.addi %add3A_110, %add3A_290 : i32
      %dma_wait3A_292 = arith.constant 0 : i32
      %dma_wait3A_293 = arith.constant 4 : i32
      %dma_wait3A_294 = arith.constant 0 : i32
      %dma_wait3A_295 = arith.constant 0 : i32
      %dma_wait3A_296 = tpu.memref_slice %arg10[%dma_wait3A_293, %dma_wait3A_294, %dma_wait3A_295] : memref<6x128x64xbf16, #tpu.memory_space<vmem>> -> memref<1x128x64xbf16, #tpu.memory_space<vmem>>
      %dma_wait3A_297 = tpu.memref_squeeze %dma_wait3A_296 : memref<1x128x64xbf16, #tpu.memory_space<vmem>> -> memref<128x64xbf16, #tpu.memory_space<vmem>>
      %dma_wait3A_298 = arith.constant 0 : i32
      %dma_wait3A_299 = tpu.memref_slice %arg9[%add3A_291, %dma_wait3A_292, %dma_wait3A_298] : memref<157x2x128xi32, #tpu.memory_space<vmem>> -> memref<1x1x128xi32, #tpu.memory_space<vmem>>
      %dma_wait3A_300 = tpu.memref_squeeze %dma_wait3A_299 : memref<1x1x128xi32, #tpu.memory_space<vmem>> -> memref<128xi32, #tpu.memory_space<vmem>>
      %dma_wait3A_301 = arith.constant 0 : i32
      %dma_wait3A_302 = tpu.memref_slice %arg2[%arg0, %dma_wait3A_301] : memref<20000x64xbf16, #tpu.memory_space<hbm>> -> memref<19999x64xbf16, #tpu.memory_space<hbm>>
      %dma_wait3A_303 = arith.constant 0 : i32
      %dma_wait3A_304 = arith.constant 0 : i32
      %dma_wait3A_305 = tpu.memref_slice %dma_wait3A_302[%dma_wait3A_303, %dma_wait3A_304] : memref<19999x64xbf16, #tpu.memory_space<hbm>> -> memref<19999x64xbf16, #tpu.memory_space<hbm>>
      tpu.wait_indirect_dma semaphore(%arg16 : memref<!tpu.dma_semaphore, #tpu.memory_space<semaphore_mem>>) src(%dma_wait3A_305 : memref<19999x64xbf16, #tpu.memory_space<hbm>>) dst(%dma_wait3A_297 : memref<128x64xbf16, #tpu.memory_space<vmem>>)
      %dma_start3A_306 = arith.constant 4 : i32
      %dma_start3A_307 = arith.constant 1 : i32
      %dma_start3A_308 = arith.constant 0 : i32
      %dma_start3A_309 = arith.constant 0 : i32
      %dma_start3A_310 = tpu.memref_slice %arg10[%dma_start3A_306, %dma_start3A_308, %dma_start3A_309] : memref<6x128x64xbf16, #tpu.memory_space<vmem>> -> memref<1x128x64xbf16, #tpu.memory_space<vmem>>
      %dma_start3A_311 = tpu.memref_squeeze %dma_start3A_310 : memref<1x128x64xbf16, #tpu.memory_space<vmem>> -> memref<128x64xbf16, #tpu.memory_space<vmem>>
      %dma_start3A_312 = arith.constant 0 : i32
      %dma_start3A_313 = tpu.memref_slice %arg9[%add3A_291, %dma_start3A_307, %dma_start3A_312] : memref<157x2x128xi32, #tpu.memory_space<vmem>> -> memref<1x1x128xi32, #tpu.memory_space<vmem>>
      %dma_start3A_314 = tpu.memref_squeeze %dma_start3A_313 : memref<1x1x128xi32, #tpu.memory_space<vmem>> -> memref<128xi32, #tpu.memory_space<vmem>>
      %dma_start3A_315 = arith.constant 0 : i32
      %dma_start3A_316 = arith.constant 0 : i32
      %dma_start3A_317 = tpu.memref_slice %arg11[%dma_start3A_315, %dma_start3A_316] : memref<10000x64xbf16, #tpu.memory_space<vmem_shared>> -> memref<10000x64xbf16, #tpu.memory_space<vmem_shared>>
      tpu.enqueue_indirect_dma source(%dma_start3A_311 : memref<128x64xbf16, #tpu.memory_space<vmem>>) target(%dma_start3A_317 : memref<10000x64xbf16, #tpu.memory_space<vmem_shared>>) offsets(%dma_start3A_314 : memref<128xi32, #tpu.memory_space<vmem>>) semaphore(%arg22 : memref<!tpu.dma_semaphore, #tpu.memory_space<semaphore_mem>>) {add = true}
      %eq3A_318 = arith.constant 0 : i32
      %eq3A_319 = arith.cmpi eq, %arg0, %eq3A_318 : i32
      %convert_element_type3A_320 = arith.extui %eq3A_319 : i1 to i32
      %cond3A_321 = arith.constant 0 : i32
      %cond3A_322 = arith.cmpi ne, %convert_element_type3A_320, %cond3A_321 : i32
      scf.if %cond3A_322 {
        %dma_start3A_380 = arith.constant 1 : i32
        %dma_start3A_381 = arith.constant 0 : i32
        %dma_start3A_382 = tpu.memref_slice %arg9[%add3A_291, %dma_start3A_380, %dma_start3A_381] : memref<157x2x128xi32, #tpu.memory_space<vmem>> -> memref<1x1x128xi32, #tpu.memory_space<vmem>>
        %dma_start3A_383 = tpu.memref_squeeze %dma_start3A_382 : memref<1x1x128xi32, #tpu.memory_space<vmem>> -> memref<128xi32, #tpu.memory_space<vmem>>
        %dma_start3A_384 = arith.constant 0 : i32
        %dma_start3A_385 = arith.constant 0 : i32
        %dma_start3A_386 = tpu.memref_slice %arg25[%dma_start3A_384, %dma_start3A_385] : memref<10000x8xf32, #tpu.memory_space<vmem_shared>> -> memref<10000x8xf32, #tpu.memory_space<vmem_shared>>
        tpu.enqueue_indirect_dma source(%arg24 : memref<128x8xf32, #tpu.memory_space<vmem>>) target(%dma_start3A_386 : memref<10000x8xf32, #tpu.memory_space<vmem_shared>>) offsets(%dma_start3A_383 : memref<128xi32, #tpu.memory_space<vmem>>) semaphore(%arg26 : memref<!tpu.dma_semaphore, #tpu.memory_space<semaphore_mem>>) {add = true}
        %dma_wait3A_387 = arith.constant 1 : i32
        %dma_wait3A_388 = arith.constant 0 : i32
        %dma_wait3A_389 = tpu.memref_slice %arg9[%add3A_291, %dma_wait3A_387, %dma_wait3A_388] : memref<157x2x128xi32, #tpu.memory_space<vmem>> -> memref<1x1x128xi32, #tpu.memory_space<vmem>>
        %dma_wait3A_390 = tpu.memref_squeeze %dma_wait3A_389 : memref<1x1x128xi32, #tpu.memory_space<vmem>> -> memref<128xi32, #tpu.memory_space<vmem>>
        %dma_wait3A_391 = arith.constant 0 : i32
        %dma_wait3A_392 = arith.constant 0 : i32
        %dma_wait3A_393 = tpu.memref_slice %arg25[%dma_wait3A_391, %dma_wait3A_392] : memref<10000x8xf32, #tpu.memory_space<vmem_shared>> -> memref<10000x8xf32, #tpu.memory_space<vmem_shared>>
        tpu.wait_indirect_dma semaphore(%arg26 : memref<!tpu.dma_semaphore, #tpu.memory_space<semaphore_mem>>) src(%arg24 : memref<128x8xf32, #tpu.memory_space<vmem>>) dst(%dma_wait3A_393 : memref<10000x8xf32, #tpu.memory_space<vmem_shared>>)
      } else {
      }
      %ge3A_323 = arith.constant 3 : i32
      %ge3A_324 = arith.cmpi sge, %add3A_291, %ge3A_323 : i32
      %convert_element_type3A_325 = arith.extui %ge3A_324 : i1 to i32
      %cond3A_326 = arith.constant 0 : i32
      %cond3A_327 = arith.cmpi ne, %convert_element_type3A_325, %cond3A_326 : i32
      scf.if %cond3A_327 {
        %sub3A = arith.constant 3 : i32
        %sub3A_380 = arith.subi %add3A_291, %sub3A : i32
        %dma_wait3A_381 = arith.constant 1 : i32
        %dma_wait3A_382 = arith.constant 1 : i32
        %dma_wait3A_383 = arith.constant 0 : i32
        %dma_wait3A_384 = arith.constant 0 : i32
        %dma_wait3A_385 = tpu.memref_slice %arg10[%dma_wait3A_381, %dma_wait3A_383, %dma_wait3A_384] : memref<6x128x64xbf16, #tpu.memory_space<vmem>> -> memref<1x128x64xbf16, #tpu.memory_space<vmem>>
        %dma_wait3A_386 = tpu.memref_squeeze %dma_wait3A_385 : memref<1x128x64xbf16, #tpu.memory_space<vmem>> -> memref<128x64xbf16, #tpu.memory_space<vmem>>
        %dma_wait3A_387 = arith.constant 0 : i32
        %dma_wait3A_388 = tpu.memref_slice %arg9[%sub3A_380, %dma_wait3A_382, %dma_wait3A_387] : memref<157x2x128xi32, #tpu.memory_space<vmem>> -> memref<1x1x128xi32, #tpu.memory_space<vmem>>
        %dma_wait3A_389 = tpu.memref_squeeze %dma_wait3A_388 : memref<1x1x128xi32, #tpu.memory_space<vmem>> -> memref<128xi32, #tpu.memory_space<vmem>>
        %dma_wait3A_390 = arith.constant 0 : i32
        %dma_wait3A_391 = arith.constant 0 : i32
        %dma_wait3A_392 = tpu.memref_slice %arg11[%dma_wait3A_390, %dma_wait3A_391] : memref<10000x64xbf16, #tpu.memory_space<vmem_shared>> -> memref<10000x64xbf16, #tpu.memory_space<vmem_shared>>
        tpu.wait_indirect_dma semaphore(%arg19 : memref<!tpu.dma_semaphore, #tpu.memory_space<semaphore_mem>>) src(%dma_wait3A_386 : memref<128x64xbf16, #tpu.memory_space<vmem>>) dst(%dma_wait3A_392 : memref<10000x64xbf16, #tpu.memory_space<vmem_shared>>)
      } else {
      }
      %add3A_328 = arith.constant 3 : i32
      %add3A_329 = arith.addi %add3A_291, %add3A_328 : i32
      %lt3A_330 = arith.constant 156 : i32
      %lt3A_331 = arith.cmpi slt, %add3A_329, %lt3A_330 : i32
      %convert_element_type3A_332 = arith.extui %lt3A_331 : i1 to i32
      %cond3A_333 = arith.constant 0 : i32
      %cond3A_334 = arith.cmpi ne, %convert_element_type3A_332, %cond3A_333 : i32
      scf.if %cond3A_334 {
        %add3A_380 = arith.constant 3 : i32
        %add3A_381 = arith.addi %add3A_291, %add3A_380 : i32
        %dma_start3A_382 = arith.constant 0 : i32
        %dma_start3A_383 = arith.constant 1 : i32
        %dma_start3A_384 = arith.constant 0 : i32
        %dma_start3A_385 = arith.constant 0 : i32
        %dma_start3A_386 = tpu.memref_slice %arg10[%dma_start3A_383, %dma_start3A_384, %dma_start3A_385] : memref<6x128x64xbf16, #tpu.memory_space<vmem>> -> memref<1x128x64xbf16, #tpu.memory_space<vmem>>
        %dma_start3A_387 = tpu.memref_squeeze %dma_start3A_386 : memref<1x128x64xbf16, #tpu.memory_space<vmem>> -> memref<128x64xbf16, #tpu.memory_space<vmem>>
        %dma_start3A_388 = arith.constant 0 : i32
        %dma_start3A_389 = tpu.memref_slice %arg9[%add3A_381, %dma_start3A_382, %dma_start3A_388] : memref<157x2x128xi32, #tpu.memory_space<vmem>> -> memref<1x1x128xi32, #tpu.memory_space<vmem>>
        %dma_start3A_390 = tpu.memref_squeeze %dma_start3A_389 : memref<1x1x128xi32, #tpu.memory_space<vmem>> -> memref<128xi32, #tpu.memory_space<vmem>>
        %dma_start3A_391 = arith.constant 0 : i32
        %dma_start3A_392 = tpu.memref_slice %arg2[%arg0, %dma_start3A_391] : memref<20000x64xbf16, #tpu.memory_space<hbm>> -> memref<19999x64xbf16, #tpu.memory_space<hbm>>
        %dma_start3A_393 = arith.constant 0 : i32
        %dma_start3A_394 = arith.constant 0 : i32
        %dma_start3A_395 = tpu.memref_slice %dma_start3A_392[%dma_start3A_393, %dma_start3A_394] : memref<19999x64xbf16, #tpu.memory_space<hbm>> -> memref<19999x64xbf16, #tpu.memory_space<hbm>>
        tpu.enqueue_indirect_dma source(%dma_start3A_395 : memref<19999x64xbf16, #tpu.memory_space<hbm>>) target(%dma_start3A_387 : memref<128x64xbf16, #tpu.memory_space<vmem>>) offsets(%dma_start3A_390 : memref<128xi32, #tpu.memory_space<vmem>>) semaphore(%arg13 : memref<!tpu.dma_semaphore, #tpu.memory_space<semaphore_mem>>)
      } else {
      }
      %add3A_335 = arith.constant 5 : i32
      %add3A_336 = arith.addi %add3A_110, %add3A_335 : i32
      %dma_wait3A_337 = arith.constant 0 : i32
      %dma_wait3A_338 = arith.constant 5 : i32
      %dma_wait3A_339 = arith.constant 0 : i32
      %dma_wait3A_340 = arith.constant 0 : i32
      %dma_wait3A_341 = tpu.memref_slice %arg10[%dma_wait3A_338, %dma_wait3A_339, %dma_wait3A_340] : memref<6x128x64xbf16, #tpu.memory_space<vmem>> -> memref<1x128x64xbf16, #tpu.memory_space<vmem>>
      %dma_wait3A_342 = tpu.memref_squeeze %dma_wait3A_341 : memref<1x128x64xbf16, #tpu.memory_space<vmem>> -> memref<128x64xbf16, #tpu.memory_space<vmem>>
      %dma_wait3A_343 = arith.constant 0 : i32
      %dma_wait3A_344 = tpu.memref_slice %arg9[%add3A_336, %dma_wait3A_337, %dma_wait3A_343] : memref<157x2x128xi32, #tpu.memory_space<vmem>> -> memref<1x1x128xi32, #tpu.memory_space<vmem>>
      %dma_wait3A_345 = tpu.memref_squeeze %dma_wait3A_344 : memref<1x1x128xi32, #tpu.memory_space<vmem>> -> memref<128xi32, #tpu.memory_space<vmem>>
      %dma_wait3A_346 = arith.constant 0 : i32
      %dma_wait3A_347 = tpu.memref_slice %arg2[%arg0, %dma_wait3A_346] : memref<20000x64xbf16, #tpu.memory_space<hbm>> -> memref<19999x64xbf16, #tpu.memory_space<hbm>>
      %dma_wait3A_348 = arith.constant 0 : i32
      %dma_wait3A_349 = arith.constant 0 : i32
      %dma_wait3A_350 = tpu.memref_slice %dma_wait3A_347[%dma_wait3A_348, %dma_wait3A_349] : memref<19999x64xbf16, #tpu.memory_space<hbm>> -> memref<19999x64xbf16, #tpu.memory_space<hbm>>
      tpu.wait_indirect_dma semaphore(%arg17 : memref<!tpu.dma_semaphore, #tpu.memory_space<semaphore_mem>>) src(%dma_wait3A_350 : memref<19999x64xbf16, #tpu.memory_space<hbm>>) dst(%dma_wait3A_342 : memref<128x64xbf16, #tpu.memory_space<vmem>>)
      %dma_start3A_351 = arith.constant 5 : i32
      %dma_start3A_352 = arith.constant 1 : i32
      %dma_start3A_353 = arith.constant 0 : i32
      %dma_start3A_354 = arith.constant 0 : i32
      %dma_start3A_355 = tpu.memref_slice %arg10[%dma_start3A_351, %dma_start3A_353, %dma_start3A_354] : memref<6x128x64xbf16, #tpu.memory_space<vmem>> -> memref<1x128x64xbf16, #tpu.memory_space<vmem>>
      %dma_start3A_356 = tpu.memref_squeeze %dma_start3A_355 : memref<1x128x64xbf16, #tpu.memory_space<vmem>> -> memref<128x64xbf16, #tpu.memory_space<vmem>>
      %dma_start3A_357 = arith.constant 0 : i32
      %dma_start3A_358 = tpu.memref_slice %arg9[%add3A_336, %dma_start3A_352, %dma_start3A_357] : memref<157x2x128xi32, #tpu.memory_space<vmem>> -> memref<1x1x128xi32, #tpu.memory_space<vmem>>
      %dma_start3A_359 = tpu.memref_squeeze %dma_start3A_358 : memref<1x1x128xi32, #tpu.memory_space<vmem>> -> memref<128xi32, #tpu.memory_space<vmem>>
      %dma_start3A_360 = arith.constant 0 : i32
      %dma_start3A_361 = arith.constant 0 : i32
      %dma_start3A_362 = tpu.memref_slice %arg11[%dma_start3A_360, %dma_start3A_361] : memref<10000x64xbf16, #tpu.memory_space<vmem_shared>> -> memref<10000x64xbf16, #tpu.memory_space<vmem_shared>>
      tpu.enqueue_indirect_dma source(%dma_start3A_356 : memref<128x64xbf16, #tpu.memory_space<vmem>>) target(%dma_start3A_362 : memref<10000x64xbf16, #tpu.memory_space<vmem_shared>>) offsets(%dma_start3A_359 : memref<128xi32, #tpu.memory_space<vmem>>) semaphore(%arg23 : memref<!tpu.dma_semaphore, #tpu.memory_space<semaphore_mem>>) {add = true}
      %eq3A_363 = arith.constant 0 : i32
      %eq3A_364 = arith.cmpi eq, %arg0, %eq3A_363 : i32
      %convert_element_type3A_365 = arith.extui %eq3A_364 : i1 to i32
      %cond3A_366 = arith.constant 0 : i32
      %cond3A_367 = arith.cmpi ne, %convert_element_type3A_365, %cond3A_366 : i32
      scf.if %cond3A_367 {
        %dma_start3A_380 = arith.constant 1 : i32
        %dma_start3A_381 = arith.constant 0 : i32
        %dma_start3A_382 = tpu.memref_slice %arg9[%add3A_336, %dma_start3A_380, %dma_start3A_381] : memref<157x2x128xi32, #tpu.memory_space<vmem>> -> memref<1x1x128xi32, #tpu.memory_space<vmem>>
        %dma_start3A_383 = tpu.memref_squeeze %dma_start3A_382 : memref<1x1x128xi32, #tpu.memory_space<vmem>> -> memref<128xi32, #tpu.memory_space<vmem>>
        %dma_start3A_384 = arith.constant 0 : i32
        %dma_start3A_385 = arith.constant 0 : i32
        %dma_start3A_386 = tpu.memref_slice %arg25[%dma_start3A_384, %dma_start3A_385] : memref<10000x8xf32, #tpu.memory_space<vmem_shared>> -> memref<10000x8xf32, #tpu.memory_space<vmem_shared>>
        tpu.enqueue_indirect_dma source(%arg24 : memref<128x8xf32, #tpu.memory_space<vmem>>) target(%dma_start3A_386 : memref<10000x8xf32, #tpu.memory_space<vmem_shared>>) offsets(%dma_start3A_383 : memref<128xi32, #tpu.memory_space<vmem>>) semaphore(%arg26 : memref<!tpu.dma_semaphore, #tpu.memory_space<semaphore_mem>>) {add = true}
        %dma_wait3A_387 = arith.constant 1 : i32
        %dma_wait3A_388 = arith.constant 0 : i32
        %dma_wait3A_389 = tpu.memref_slice %arg9[%add3A_336, %dma_wait3A_387, %dma_wait3A_388] : memref<157x2x128xi32, #tpu.memory_space<vmem>> -> memref<1x1x128xi32, #tpu.memory_space<vmem>>
        %dma_wait3A_390 = tpu.memref_squeeze %dma_wait3A_389 : memref<1x1x128xi32, #tpu.memory_space<vmem>> -> memref<128xi32, #tpu.memory_space<vmem>>
        %dma_wait3A_391 = arith.constant 0 : i32
        %dma_wait3A_392 = arith.constant 0 : i32
        %dma_wait3A_393 = tpu.memref_slice %arg25[%dma_wait3A_391, %dma_wait3A_392] : memref<10000x8xf32, #tpu.memory_space<vmem_shared>> -> memref<10000x8xf32, #tpu.memory_space<vmem_shared>>
        tpu.wait_indirect_dma semaphore(%arg26 : memref<!tpu.dma_semaphore, #tpu.memory_space<semaphore_mem>>) src(%arg24 : memref<128x8xf32, #tpu.memory_space<vmem>>) dst(%dma_wait3A_393 : memref<10000x8xf32, #tpu.memory_space<vmem_shared>>)
      } else {
      }
      %ge3A_368 = arith.constant 3 : i32
      %ge3A_369 = arith.cmpi sge, %add3A_336, %ge3A_368 : i32
      %convert_element_type3A_370 = arith.extui %ge3A_369 : i1 to i32
      %cond3A_371 = arith.constant 0 : i32
      %cond3A_372 = arith.cmpi ne, %convert_element_type3A_370, %cond3A_371 : i32
      scf.if %cond3A_372 {
        %sub3A = arith.constant 3 : i32
        %sub3A_380 = arith.subi %add3A_336, %sub3A : i32
        %dma_wait3A_381 = arith.constant 2 : i32
        %dma_wait3A_382 = arith.constant 1 : i32
        %dma_wait3A_383 = arith.constant 0 : i32
        %dma_wait3A_384 = arith.constant 0 : i32
        %dma_wait3A_385 = tpu.memref_slice %arg10[%dma_wait3A_381, %dma_wait3A_383, %dma_wait3A_384] : memref<6x128x64xbf16, #tpu.memory_space<vmem>> -> memref<1x128x64xbf16, #tpu.memory_space<vmem>>
        %dma_wait3A_386 = tpu.memref_squeeze %dma_wait3A_385 : memref<1x128x64xbf16, #tpu.memory_space<vmem>> -> memref<128x64xbf16, #tpu.memory_space<vmem>>
        %dma_wait3A_387 = arith.constant 0 : i32
        %dma_wait3A_388 = tpu.memref_slice %arg9[%sub3A_380, %dma_wait3A_382, %dma_wait3A_387] : memref<157x2x128xi32, #tpu.memory_space<vmem>> -> memref<1x1x128xi32, #tpu.memory_space<vmem>>
        %dma_wait3A_389 = tpu.memref_squeeze %dma_wait3A_388 : memref<1x1x128xi32, #tpu.memory_space<vmem>> -> memref<128xi32, #tpu.memory_space<vmem>>
        %dma_wait3A_390 = arith.constant 0 : i32
        %dma_wait3A_391 = arith.constant 0 : i32
        %dma_wait3A_392 = tpu.memref_slice %arg11[%dma_wait3A_390, %dma_wait3A_391] : memref<10000x64xbf16, #tpu.memory_space<vmem_shared>> -> memref<10000x64xbf16, #tpu.memory_space<vmem_shared>>
        tpu.wait_indirect_dma semaphore(%arg20 : memref<!tpu.dma_semaphore, #tpu.memory_space<semaphore_mem>>) src(%dma_wait3A_386 : memref<128x64xbf16, #tpu.memory_space<vmem>>) dst(%dma_wait3A_392 : memref<10000x64xbf16, #tpu.memory_space<vmem_shared>>)
      } else {
      }
      %add3A_373 = arith.constant 3 : i32
      %add3A_374 = arith.addi %add3A_336, %add3A_373 : i32
      %lt3A_375 = arith.constant 156 : i32
      %lt3A_376 = arith.cmpi slt, %add3A_374, %lt3A_375 : i32
      %convert_element_type3A_377 = arith.extui %lt3A_376 : i1 to i32
      %cond3A_378 = arith.constant 0 : i32
      %cond3A_379 = arith.cmpi ne, %convert_element_type3A_377, %cond3A_378 : i32
      scf.if %cond3A_379 {
        %add3A_380 = arith.constant 3 : i32
        %add3A_381 = arith.addi %add3A_336, %add3A_380 : i32
        %dma_start3A_382 = arith.constant 0 : i32
        %dma_start3A_383 = arith.constant 2 : i32
        %dma_start3A_384 = arith.constant 0 : i32
        %dma_start3A_385 = arith.constant 0 : i32
        %dma_start3A_386 = tpu.memref_slice %arg10[%dma_start3A_383, %dma_start3A_384, %dma_start3A_385] : memref<6x128x64xbf16, #tpu.memory_space<vmem>> -> memref<1x128x64xbf16, #tpu.memory_space<vmem>>
        %dma_start3A_387 = tpu.memref_squeeze %dma_start3A_386 : memref<1x128x64xbf16, #tpu.memory_space<vmem>> -> memref<128x64xbf16, #tpu.memory_space<vmem>>
        %dma_start3A_388 = arith.constant 0 : i32
        %dma_start3A_389 = tpu.memref_slice %arg9[%add3A_381, %dma_start3A_382, %dma_start3A_388] : memref<157x2x128xi32, #tpu.memory_space<vmem>> -> memref<1x1x128xi32, #tpu.memory_space<vmem>>
        %dma_start3A_390 = tpu.memref_squeeze %dma_start3A_389 : memref<1x1x128xi32, #tpu.memory_space<vmem>> -> memref<128xi32, #tpu.memory_space<vmem>>
        %dma_start3A_391 = arith.constant 0 : i32
        %dma_start3A_392 = tpu.memref_slice %arg2[%arg0, %dma_start3A_391] : memref<20000x64xbf16, #tpu.memory_space<hbm>> -> memref<19999x64xbf16, #tpu.memory_space<hbm>>
        %dma_start3A_393 = arith.constant 0 : i32
        %dma_start3A_394 = arith.constant 0 : i32
        %dma_start3A_395 = tpu.memref_slice %dma_start3A_392[%dma_start3A_393, %dma_start3A_394] : memref<19999x64xbf16, #tpu.memory_space<hbm>> -> memref<19999x64xbf16, #tpu.memory_space<hbm>>
        tpu.enqueue_indirect_dma source(%dma_start3A_395 : memref<19999x64xbf16, #tpu.memory_space<hbm>>) target(%dma_start3A_387 : memref<128x64xbf16, #tpu.memory_space<vmem>>) offsets(%dma_start3A_390 : memref<128xi32, #tpu.memory_space<vmem>>) semaphore(%arg14 : memref<!tpu.dma_semaphore, #tpu.memory_space<semaphore_mem>>)
      } else {
      }
    }
    %scan3A_59 = arith.constant 26 : i32
    %dma_wait3A = arith.constant 3 : i32
    %dma_wait3A_60 = arith.constant 153 : i32
    %dma_wait3A_61 = arith.constant 1 : i32
    %dma_wait3A_62 = arith.constant 0 : i32
    %dma_wait3A_63 = arith.constant 0 : i32
    %dma_wait3A_64 = tpu.memref_slice %arg10[%dma_wait3A, %dma_wait3A_62, %dma_wait3A_63] : memref<6x128x64xbf16, #tpu.memory_space<vmem>> -> memref<1x128x64xbf16, #tpu.memory_space<vmem>>
    %dma_wait3A_65 = tpu.memref_squeeze %dma_wait3A_64 : memref<1x128x64xbf16, #tpu.memory_space<vmem>> -> memref<128x64xbf16, #tpu.memory_space<vmem>>
    %dma_wait3A_66 = arith.constant 0 : i32
    %dma_wait3A_67 = tpu.memref_slice %arg9[%dma_wait3A_60, %dma_wait3A_61, %dma_wait3A_66] : memref<157x2x128xi32, #tpu.memory_space<vmem>> -> memref<1x1x128xi32, #tpu.memory_space<vmem>>
    %dma_wait3A_68 = tpu.memref_squeeze %dma_wait3A_67 : memref<1x1x128xi32, #tpu.memory_space<vmem>> -> memref<128xi32, #tpu.memory_space<vmem>>
    %dma_wait3A_69 = arith.constant 0 : i32
    %dma_wait3A_70 = arith.constant 0 : i32
    %dma_wait3A_71 = tpu.memref_slice %arg11[%dma_wait3A_69, %dma_wait3A_70] : memref<10000x64xbf16, #tpu.memory_space<vmem_shared>> -> memref<10000x64xbf16, #tpu.memory_space<vmem_shared>>
    tpu.wait_indirect_dma semaphore(%arg21 : memref<!tpu.dma_semaphore, #tpu.memory_space<semaphore_mem>>) src(%dma_wait3A_65 : memref<128x64xbf16, #tpu.memory_space<vmem>>) dst(%dma_wait3A_71 : memref<10000x64xbf16, #tpu.memory_space<vmem_shared>>)
    %dma_wait3A_72 = arith.constant 4 : i32
    %dma_wait3A_73 = arith.constant 154 : i32
    %dma_wait3A_74 = arith.constant 1 : i32
    %dma_wait3A_75 = arith.constant 0 : i32
    %dma_wait3A_76 = arith.constant 0 : i32
    %dma_wait3A_77 = tpu.memref_slice %arg10[%dma_wait3A_72, %dma_wait3A_75, %dma_wait3A_76] : memref<6x128x64xbf16, #tpu.memory_space<vmem>> -> memref<1x128x64xbf16, #tpu.memory_space<vmem>>
    %dma_wait3A_78 = tpu.memref_squeeze %dma_wait3A_77 : memref<1x128x64xbf16, #tpu.memory_space<vmem>> -> memref<128x64xbf16, #tpu.memory_space<vmem>>
    %dma_wait3A_79 = arith.constant 0 : i32
    %dma_wait3A_80 = tpu.memref_slice %arg9[%dma_wait3A_73, %dma_wait3A_74, %dma_wait3A_79] : memref<157x2x128xi32, #tpu.memory_space<vmem>> -> memref<1x1x128xi32, #tpu.memory_space<vmem>>
    %dma_wait3A_81 = tpu.memref_squeeze %dma_wait3A_80 : memref<1x1x128xi32, #tpu.memory_space<vmem>> -> memref<128xi32, #tpu.memory_space<vmem>>
    %dma_wait3A_82 = arith.constant 0 : i32
    %dma_wait3A_83 = arith.constant 0 : i32
    %dma_wait3A_84 = tpu.memref_slice %arg11[%dma_wait3A_82, %dma_wait3A_83] : memref<10000x64xbf16, #tpu.memory_space<vmem_shared>> -> memref<10000x64xbf16, #tpu.memory_space<vmem_shared>>
    tpu.wait_indirect_dma semaphore(%arg22 : memref<!tpu.dma_semaphore, #tpu.memory_space<semaphore_mem>>) src(%dma_wait3A_78 : memref<128x64xbf16, #tpu.memory_space<vmem>>) dst(%dma_wait3A_84 : memref<10000x64xbf16, #tpu.memory_space<vmem_shared>>)
    %dma_wait3A_85 = arith.constant 5 : i32
    %dma_wait3A_86 = arith.constant 155 : i32
    %dma_wait3A_87 = arith.constant 1 : i32
    %dma_wait3A_88 = arith.constant 0 : i32
    %dma_wait3A_89 = arith.constant 0 : i32
    %dma_wait3A_90 = tpu.memref_slice %arg10[%dma_wait3A_85, %dma_wait3A_88, %dma_wait3A_89] : memref<6x128x64xbf16, #tpu.memory_space<vmem>> -> memref<1x128x64xbf16, #tpu.memory_space<vmem>>
    %dma_wait3A_91 = tpu.memref_squeeze %dma_wait3A_90 : memref<1x128x64xbf16, #tpu.memory_space<vmem>> -> memref<128x64xbf16, #tpu.memory_space<vmem>>
    %dma_wait3A_92 = arith.constant 0 : i32
    %dma_wait3A_93 = tpu.memref_slice %arg9[%dma_wait3A_86, %dma_wait3A_87, %dma_wait3A_92] : memref<157x2x128xi32, #tpu.memory_space<vmem>> -> memref<1x1x128xi32, #tpu.memory_space<vmem>>
    %dma_wait3A_94 = tpu.memref_squeeze %dma_wait3A_93 : memref<1x1x128xi32, #tpu.memory_space<vmem>> -> memref<128xi32, #tpu.memory_space<vmem>>
    %dma_wait3A_95 = arith.constant 0 : i32
    %dma_wait3A_96 = arith.constant 0 : i32
    %dma_wait3A_97 = tpu.memref_slice %arg11[%dma_wait3A_95, %dma_wait3A_96] : memref<10000x64xbf16, #tpu.memory_space<vmem_shared>> -> memref<10000x64xbf16, #tpu.memory_space<vmem_shared>>
    tpu.wait_indirect_dma semaphore(%arg23 : memref<!tpu.dma_semaphore, #tpu.memory_space<semaphore_mem>>) src(%dma_wait3A_91 : memref<128x64xbf16, #tpu.memory_space<vmem>>) dst(%dma_wait3A_97 : memref<10000x64xbf16, #tpu.memory_space<vmem_shared>>)
    %convert_element_type3A_98 = arith.extui %lt3A_0 : i1 to i32
    %cond3A_99 = arith.constant 0 : i32
    %cond3A_100 = arith.cmpi ne, %convert_element_type3A_98, %cond3A_99 : i32
    scf.if %cond3A_100 {
      %dma_start3A_107 = arith.constant 156 : i32
      %dma_start3A_108 = arith.constant 0 : i32
      %dma_start3A_109 = arith.constant 0 : i32
      %dma_start3A_110 = arith.constant 0 : i32
      %dma_start3A_111 = arith.constant 0 : i32
      %dma_start3A_112 = tpu.memref_slice %arg10[%dma_start3A_109, %dma_start3A_110, %dma_start3A_111] : memref<6x128x64xbf16, #tpu.memory_space<vmem>> -> memref<1x128x64xbf16, #tpu.memory_space<vmem>>
      %dma_start3A_113 = tpu.memref_squeeze %dma_start3A_112 : memref<1x128x64xbf16, #tpu.memory_space<vmem>> -> memref<128x64xbf16, #tpu.memory_space<vmem>>
      %dma_start3A_114 = arith.constant 0 : i32
      %dma_start3A_115 = tpu.memref_slice %arg9[%dma_start3A_107, %dma_start3A_108, %dma_start3A_114] : memref<157x2x128xi32, #tpu.memory_space<vmem>> -> memref<1x1x128xi32, #tpu.memory_space<vmem>>
      %dma_start3A_116 = tpu.memref_squeeze %dma_start3A_115 : memref<1x1x128xi32, #tpu.memory_space<vmem>> -> memref<128xi32, #tpu.memory_space<vmem>>
      %dma_start3A_117 = arith.constant 0 : i32
      %dma_start3A_118 = tpu.memref_slice %arg2[%arg0, %dma_start3A_117] : memref<20000x64xbf16, #tpu.memory_space<hbm>> -> memref<19999x64xbf16, #tpu.memory_space<hbm>>
      %dma_start3A_119 = arith.constant 0 : i32
      %dma_start3A_120 = arith.constant 0 : i32
      %dma_start3A_121 = tpu.memref_slice %dma_start3A_118[%dma_start3A_119, %dma_start3A_120] : memref<19999x64xbf16, #tpu.memory_space<hbm>> -> memref<19999x64xbf16, #tpu.memory_space<hbm>>
      tpu.enqueue_indirect_dma source(%dma_start3A_121 : memref<19999x64xbf16, #tpu.memory_space<hbm>>) target(%dma_start3A_113 : memref<128x64xbf16, #tpu.memory_space<vmem>>) offsets(%dma_start3A_116 : memref<128xi32, #tpu.memory_space<vmem>>) semaphore(%arg12 : memref<!tpu.dma_semaphore, #tpu.memory_space<semaphore_mem>>)
      %dma_wait3A_122 = arith.constant 156 : i32
      %dma_wait3A_123 = arith.constant 0 : i32
      %dma_wait3A_124 = arith.constant 0 : i32
      %dma_wait3A_125 = arith.constant 0 : i32
      %dma_wait3A_126 = arith.constant 0 : i32
      %dma_wait3A_127 = tpu.memref_slice %arg10[%dma_wait3A_124, %dma_wait3A_125, %dma_wait3A_126] : memref<6x128x64xbf16, #tpu.memory_space<vmem>> -> memref<1x128x64xbf16, #tpu.memory_space<vmem>>
      %dma_wait3A_128 = tpu.memref_squeeze %dma_wait3A_127 : memref<1x128x64xbf16, #tpu.memory_space<vmem>> -> memref<128x64xbf16, #tpu.memory_space<vmem>>
      %dma_wait3A_129 = arith.constant 0 : i32
      %dma_wait3A_130 = tpu.memref_slice %arg9[%dma_wait3A_122, %dma_wait3A_123, %dma_wait3A_129] : memref<157x2x128xi32, #tpu.memory_space<vmem>> -> memref<1x1x128xi32, #tpu.memory_space<vmem>>
      %dma_wait3A_131 = tpu.memref_squeeze %dma_wait3A_130 : memref<1x1x128xi32, #tpu.memory_space<vmem>> -> memref<128xi32, #tpu.memory_space<vmem>>
      %dma_wait3A_132 = arith.constant 0 : i32
      %dma_wait3A_133 = tpu.memref_slice %arg2[%arg0, %dma_wait3A_132] : memref<20000x64xbf16, #tpu.memory_space<hbm>> -> memref<19999x64xbf16, #tpu.memory_space<hbm>>
      %dma_wait3A_134 = arith.constant 0 : i32
      %dma_wait3A_135 = arith.constant 0 : i32
      %dma_wait3A_136 = tpu.memref_slice %dma_wait3A_133[%dma_wait3A_134, %dma_wait3A_135] : memref<19999x64xbf16, #tpu.memory_space<hbm>> -> memref<19999x64xbf16, #tpu.memory_space<hbm>>
      tpu.wait_indirect_dma semaphore(%arg12 : memref<!tpu.dma_semaphore, #tpu.memory_space<semaphore_mem>>) src(%dma_wait3A_136 : memref<19999x64xbf16, #tpu.memory_space<hbm>>) dst(%dma_wait3A_128 : memref<128x64xbf16, #tpu.memory_space<vmem>>)
      %dma_start3A_137 = arith.constant 0 : i32
      %dma_start3A_138 = arith.constant 156 : i32
      %dma_start3A_139 = arith.constant 1 : i32
      %dma_start3A_140 = arith.constant 0 : i32
      %dma_start3A_141 = arith.constant 0 : i32
      %dma_start3A_142 = tpu.memref_slice %arg10[%dma_start3A_137, %dma_start3A_140, %dma_start3A_141] : memref<6x128x64xbf16, #tpu.memory_space<vmem>> -> memref<1x128x64xbf16, #tpu.memory_space<vmem>>
      %dma_start3A_143 = tpu.memref_squeeze %dma_start3A_142 : memref<1x128x64xbf16, #tpu.memory_space<vmem>> -> memref<128x64xbf16, #tpu.memory_space<vmem>>
      %dma_start3A_144 = arith.constant 0 : i32
      %dma_start3A_145 = tpu.memref_slice %arg9[%dma_start3A_138, %dma_start3A_139, %dma_start3A_144] : memref<157x2x128xi32, #tpu.memory_space<vmem>> -> memref<1x1x128xi32, #tpu.memory_space<vmem>>
      %dma_start3A_146 = tpu.memref_squeeze %dma_start3A_145 : memref<1x1x128xi32, #tpu.memory_space<vmem>> -> memref<128xi32, #tpu.memory_space<vmem>>
      %dma_start3A_147 = arith.constant 0 : i32
      %dma_start3A_148 = arith.constant 0 : i32
      %dma_start3A_149 = tpu.memref_slice %arg11[%dma_start3A_147, %dma_start3A_148] : memref<10000x64xbf16, #tpu.memory_space<vmem_shared>> -> memref<10000x64xbf16, #tpu.memory_space<vmem_shared>>
      tpu.enqueue_indirect_dma source(%dma_start3A_143 : memref<128x64xbf16, #tpu.memory_space<vmem>>) target(%dma_start3A_149 : memref<10000x64xbf16, #tpu.memory_space<vmem_shared>>) offsets(%dma_start3A_146 : memref<128xi32, #tpu.memory_space<vmem>>) semaphore(%arg18 : memref<!tpu.dma_semaphore, #tpu.memory_space<semaphore_mem>>) {add = true}
      %eq3A_150 = arith.constant 0 : i32
      %eq3A_151 = arith.cmpi eq, %arg0, %eq3A_150 : i32
      %convert_element_type3A_152 = arith.extui %eq3A_151 : i1 to i32
      %cond3A_153 = arith.constant 0 : i32
      %cond3A_154 = arith.cmpi ne, %convert_element_type3A_152, %cond3A_153 : i32
      scf.if %cond3A_154 {
        %dma_start3A_168 = arith.constant 156 : i32
        %dma_start3A_169 = arith.constant 1 : i32
        %dma_start3A_170 = arith.constant 0 : i32
        %dma_start3A_171 = tpu.memref_slice %arg9[%dma_start3A_168, %dma_start3A_169, %dma_start3A_170] : memref<157x2x128xi32, #tpu.memory_space<vmem>> -> memref<1x1x128xi32, #tpu.memory_space<vmem>>
        %dma_start3A_172 = tpu.memref_squeeze %dma_start3A_171 : memref<1x1x128xi32, #tpu.memory_space<vmem>> -> memref<128xi32, #tpu.memory_space<vmem>>
        %dma_start3A_173 = arith.constant 0 : i32
        %dma_start3A_174 = arith.constant 0 : i32
        %dma_start3A_175 = tpu.memref_slice %arg25[%dma_start3A_173, %dma_start3A_174] : memref<10000x8xf32, #tpu.memory_space<vmem_shared>> -> memref<10000x8xf32, #tpu.memory_space<vmem_shared>>
        tpu.enqueue_indirect_dma source(%arg24 : memref<128x8xf32, #tpu.memory_space<vmem>>) target(%dma_start3A_175 : memref<10000x8xf32, #tpu.memory_space<vmem_shared>>) offsets(%dma_start3A_172 : memref<128xi32, #tpu.memory_space<vmem>>) semaphore(%arg26 : memref<!tpu.dma_semaphore, #tpu.memory_space<semaphore_mem>>) {add = true}
        %dma_wait3A_176 = arith.constant 156 : i32
        %dma_wait3A_177 = arith.constant 1 : i32
        %dma_wait3A_178 = arith.constant 0 : i32
        %dma_wait3A_179 = tpu.memref_slice %arg9[%dma_wait3A_176, %dma_wait3A_177, %dma_wait3A_178] : memref<157x2x128xi32, #tpu.memory_space<vmem>> -> memref<1x1x128xi32, #tpu.memory_space<vmem>>
        %dma_wait3A_180 = tpu.memref_squeeze %dma_wait3A_179 : memref<1x1x128xi32, #tpu.memory_space<vmem>> -> memref<128xi32, #tpu.memory_space<vmem>>
        %dma_wait3A_181 = arith.constant 0 : i32
        %dma_wait3A_182 = arith.constant 0 : i32
        %dma_wait3A_183 = tpu.memref_slice %arg25[%dma_wait3A_181, %dma_wait3A_182] : memref<10000x8xf32, #tpu.memory_space<vmem_shared>> -> memref<10000x8xf32, #tpu.memory_space<vmem_shared>>
        tpu.wait_indirect_dma semaphore(%arg26 : memref<!tpu.dma_semaphore, #tpu.memory_space<semaphore_mem>>) src(%arg24 : memref<128x8xf32, #tpu.memory_space<vmem>>) dst(%dma_wait3A_183 : memref<10000x8xf32, #tpu.memory_space<vmem_shared>>)
      } else {
      }
      %dma_wait3A_155 = arith.constant 0 : i32
      %dma_wait3A_156 = arith.constant 156 : i32
      %dma_wait3A_157 = arith.constant 1 : i32
      %dma_wait3A_158 = arith.constant 0 : i32
      %dma_wait3A_159 = arith.constant 0 : i32
      %dma_wait3A_160 = tpu.memref_slice %arg10[%dma_wait3A_155, %dma_wait3A_158, %dma_wait3A_159] : memref<6x128x64xbf16, #tpu.memory_space<vmem>> -> memref<1x128x64xbf16, #tpu.memory_space<vmem>>
      %dma_wait3A_161 = tpu.memref_squeeze %dma_wait3A_160 : memref<1x128x64xbf16, #tpu.memory_space<vmem>> -> memref<128x64xbf16, #tpu.memory_space<vmem>>
      %dma_wait3A_162 = arith.constant 0 : i32
      %dma_wait3A_163 = tpu.memref_slice %arg9[%dma_wait3A_156, %dma_wait3A_157, %dma_wait3A_162] : memref<157x2x128xi32, #tpu.memory_space<vmem>> -> memref<1x1x128xi32, #tpu.memory_space<vmem>>
      %dma_wait3A_164 = tpu.memref_squeeze %dma_wait3A_163 : memref<1x1x128xi32, #tpu.memory_space<vmem>> -> memref<128xi32, #tpu.memory_space<vmem>>
      %dma_wait3A_165 = arith.constant 0 : i32
      %dma_wait3A_166 = arith.constant 0 : i32
      %dma_wait3A_167 = tpu.memref_slice %arg11[%dma_wait3A_165, %dma_wait3A_166] : memref<10000x64xbf16, #tpu.memory_space<vmem_shared>> -> memref<10000x64xbf16, #tpu.memory_space<vmem_shared>>
      tpu.wait_indirect_dma semaphore(%arg18 : memref<!tpu.dma_semaphore, #tpu.memory_space<semaphore_mem>>) src(%dma_wait3A_161 : memref<128x64xbf16, #tpu.memory_space<vmem>>) dst(%dma_wait3A_167 : memref<10000x64xbf16, #tpu.memory_space<vmem_shared>>)
    } else {
    }
    %barrier3A_101 = arith.constant 0 : index
    tpu.barrier barrier_id(%barrier3A_101)
    %lt3A_102 = arith.constant 10 : i32
    %lt3A_103 = arith.cmpi slt, %arg1, %lt3A_102 : i32
    %convert_element_type3A_104 = arith.extui %lt3A_103 : i1 to i32
    %cond3A_105 = arith.constant 0 : i32
    %cond3A_106 = arith.cmpi ne, %convert_element_type3A_104, %cond3A_105 : i32
    scf.if %cond3A_106 {
      %mul3A_107 = arith.constant 1000 : i32
      %mul3A_108 = arith.muli %arg1, %mul3A_107 : i32
      %mul3A_109 = arith.constant 64 : i32
      %mul3A_110 = arith.muli %arg0, %mul3A_109 : i32
      "tpu.region"() ({
        %run_scoped3A = tpu.sem_alloc : memref<!tpu.dma_semaphore, #tpu.memory_space<semaphore_mem>>
        %dma_start3A_116 = tpu.memref_slice %arg7[%mul3A_108, %mul3A_110] : memref<10000x128xbf16, #tpu.memory_space<hbm>> -> memref<1000x64xbf16, #tpu.memory_space<hbm>>
        %dma_start3A_117 = arith.constant 0 : i32
        %dma_start3A_118 = tpu.memref_slice %arg11[%mul3A_108, %dma_start3A_117] : memref<10000x64xbf16, #tpu.memory_space<vmem_shared>> -> memref<1000x64xbf16, #tpu.memory_space<vmem_shared>>
        tpu.enqueue_dma source(%dma_start3A_118 : memref<1000x64xbf16, #tpu.memory_space<vmem_shared>>) target(%dma_start3A_116 : memref<1000x64xbf16, #tpu.memory_space<hbm>>) target_semaphore(%run_scoped3A : memref<!tpu.dma_semaphore, #tpu.memory_space<semaphore_mem>>)
        %dma_wait3A_119 = tpu.memref_slice %arg7[%mul3A_108, %mul3A_110] : memref<10000x128xbf16, #tpu.memory_space<hbm>> -> memref<1000x64xbf16, #tpu.memory_space<hbm>>
        %dma_wait3A_120 = arith.constant 0 : i32
        %dma_wait3A_121 = tpu.memref_slice %arg11[%mul3A_108, %dma_wait3A_120] : memref<10000x64xbf16, #tpu.memory_space<vmem_shared>> -> memref<1000x64xbf16, #tpu.memory_space<vmem_shared>>
        tpu.wait_dma2 semaphore(%run_scoped3A : memref<!tpu.dma_semaphore, #tpu.memory_space<semaphore_mem>>) src(%dma_wait3A_121 : memref<1000x64xbf16, #tpu.memory_space<vmem_shared>>) dst(%dma_wait3A_119 : memref<1000x64xbf16, #tpu.memory_space<hbm>>)
        tpu.yield
      }) : () -> ()
      %eq3A_111 = arith.constant 0 : i32
      %eq3A_112 = arith.cmpi eq, %arg0, %eq3A_111 : i32
      %convert_element_type3A_113 = arith.extui %eq3A_112 : i1 to i32
      %cond3A_114 = arith.constant 0 : i32
      %cond3A_115 = arith.cmpi ne, %convert_element_type3A_113, %cond3A_114 : i32
      scf.if %cond3A_115 {
        "tpu.region"() ({
          %run_scoped3A = tpu.sem_alloc : memref<!tpu.dma_semaphore, #tpu.memory_space<semaphore_mem>>
          %dma_start3A_116 = arith.constant 0 : i32
          %dma_start3A_117 = tpu.memref_slice %arg8[%mul3A_108, %dma_start3A_116] : memref<10000x8xf32, #tpu.memory_space<hbm>> -> memref<1000x8xf32, #tpu.memory_space<hbm>>
          %dma_start3A_118 = arith.constant 0 : i32
          %dma_start3A_119 = tpu.memref_slice %arg25[%mul3A_108, %dma_start3A_118] : memref<10000x8xf32, #tpu.memory_space<vmem_shared>> -> memref<1000x8xf32, #tpu.memory_space<vmem_shared>>
          tpu.enqueue_dma source(%dma_start3A_119 : memref<1000x8xf32, #tpu.memory_space<vmem_shared>>) target(%dma_start3A_117 : memref<1000x8xf32, #tpu.memory_space<hbm>>) target_semaphore(%run_scoped3A : memref<!tpu.dma_semaphore, #tpu.memory_space<semaphore_mem>>)
          %dma_wait3A_120 = arith.constant 0 : i32
          %dma_wait3A_121 = tpu.memref_slice %arg8[%mul3A_108, %dma_wait3A_120] : memref<10000x8xf32, #tpu.memory_space<hbm>> -> memref<1000x8xf32, #tpu.memory_space<hbm>>
          %dma_wait3A_122 = arith.constant 0 : i32
          %dma_wait3A_123 = tpu.memref_slice %arg25[%mul3A_108, %dma_wait3A_122] : memref<10000x8xf32, #tpu.memory_space<vmem_shared>> -> memref<1000x8xf32, #tpu.memory_space<vmem_shared>>
          tpu.wait_dma2 semaphore(%run_scoped3A : memref<!tpu.dma_semaphore, #tpu.memory_space<semaphore_mem>>) src(%dma_wait3A_123 : memref<1000x8xf32, #tpu.memory_space<vmem_shared>>) dst(%dma_wait3A_121 : memref<1000x8xf32, #tpu.memory_space<hbm>>)
          tpu.yield
        }) : () -> ()
      } else {
      }
    } else {
    }
    return
  }
}

#map = affine_map<(d0, d1) -> (0, 0)>
#map1 = affine_map<(d0, d1) -> (0, 0, 0)>
module attributes {stable_mosaic.version = 14 : i64} {
  func.func @agg(%arg0: i32, %arg1: i32, %arg2: memref<20000x64xbf16, #tpu.memory_space<hbm>>, %arg3: memref<2500x2x128xi32, #tpu.memory_space<hbm>>, %arg4: memref<10000x64xbf16, #tpu.memory_space<hbm>>, %arg5: memref<10000x128xbf16, #tpu.memory_space<hbm>>, %arg6: memref<157x2x128xi32, #tpu.memory_space<vmem>>, %arg7: memref<6x128x64xbf16, #tpu.memory_space<vmem>>, %arg8: memref<10000x64xbf16, #tpu.memory_space<vmem_shared>>, %arg9: memref<!tpu.dma_semaphore, #tpu.memory_space<semaphore_mem>>, %arg10: memref<!tpu.dma_semaphore, #tpu.memory_space<semaphore_mem>>, %arg11: memref<!tpu.dma_semaphore, #tpu.memory_space<semaphore_mem>>, %arg12: memref<!tpu.dma_semaphore, #tpu.memory_space<semaphore_mem>>, %arg13: memref<!tpu.dma_semaphore, #tpu.memory_space<semaphore_mem>>, %arg14: memref<!tpu.dma_semaphore, #tpu.memory_space<semaphore_mem>>, %arg15: memref<!tpu.dma_semaphore, #tpu.memory_space<semaphore_mem>>, %arg16: memref<!tpu.dma_semaphore, #tpu.memory_space<semaphore_mem>>, %arg17: memref<!tpu.dma_semaphore, #tpu.memory_space<semaphore_mem>>, %arg18: memref<!tpu.dma_semaphore, #tpu.memory_space<semaphore_mem>>, %arg19: memref<!tpu.dma_semaphore, #tpu.memory_space<semaphore_mem>>, %arg20: memref<!tpu.dma_semaphore, #tpu.memory_space<semaphore_mem>>) attributes {dimension_semantics = [#tpu.dimension_semantics<core_parallel>, #tpu.dimension_semantics<subcore_parallel>], iteration_bounds = array<i64: 2, 16>, scalar_prefetch = 0 : i64, scratch_operands = 15 : i64, tpu.core_type = #tpu.core_type<sc_vector_subcore>, window_params = [{transform_indices = #map}, {transform_indices = #map1}, {transform_indices = #map}, {transform_indices = #map}]} {
    %lt3A = arith.constant 4 : i32
    %lt3A_0 = arith.cmpi slt, %arg1, %lt3A : i32
    %eq3A = arith.constant 0 : i32
    %eq3A_1 = arith.cmpi eq, %arg1, %eq3A : i32
    %convert_element_type3A = arith.extui %eq3A_1 : i1 to i32
    %cond3A = arith.constant 0 : i32
    %cond3A_2 = arith.cmpi ne, %convert_element_type3A, %cond3A : i32
    scf.if %cond3A_2 {
      "tpu.region"() ({
        %run_scoped3A = tpu.sem_alloc : memref<!tpu.dma_semaphore, #tpu.memory_space<semaphore_mem>>
        tpu.enqueue_dma source(%arg4 : memref<10000x64xbf16, #tpu.memory_space<hbm>>) target(%arg8 : memref<10000x64xbf16, #tpu.memory_space<vmem_shared>>) target_semaphore(%run_scoped3A : memref<!tpu.dma_semaphore, #tpu.memory_space<semaphore_mem>>)
        tpu.wait_dma2 semaphore(%run_scoped3A : memref<!tpu.dma_semaphore, #tpu.memory_space<semaphore_mem>>) src(%arg4 : memref<10000x64xbf16, #tpu.memory_space<hbm>>) dst(%arg8 : memref<10000x64xbf16, #tpu.memory_space<vmem_shared>>)
        tpu.yield
      }) : () -> ()
    } else {
    }
    %barrier3A = arith.constant 0 : index
    tpu.barrier barrier_id(%barrier3A)
    %mul3A = arith.constant 156 : i32
    %mul3A_3 = arith.muli %arg1, %mul3A : i32
    "tpu.region"() ({
      %run_scoped3A = tpu.sem_alloc : memref<!tpu.dma_semaphore, #tpu.memory_space<semaphore_mem>>
      %dma_start3A_107 = arith.constant 0 : i32
      %dma_start3A_108 = arith.constant 0 : i32
      %dma_start3A_109 = arith.constant 0 : i32
      %dma_start3A_110 = tpu.memref_slice %arg6[%dma_start3A_107, %dma_start3A_108, %dma_start3A_109] : memref<157x2x128xi32, #tpu.memory_space<vmem>> -> memref<156x2x128xi32, #tpu.memory_space<vmem>>
      %dma_start3A_111 = arith.constant 0 : i32
      %dma_start3A_112 = arith.constant 0 : i32
      %dma_start3A_113 = tpu.memref_slice %arg3[%mul3A_3, %dma_start3A_111, %dma_start3A_112] : memref<2500x2x128xi32, #tpu.memory_space<hbm>> -> memref<156x2x128xi32, #tpu.memory_space<hbm>>
      %dma_start3A_114 = arith.constant 0 : i32
      %dma_start3A_115 = arith.constant 0 : i32
      %dma_start3A_116 = arith.constant 0 : i32
      %dma_start3A_117 = tpu.memref_slice %arg6[%dma_start3A_114, %dma_start3A_115, %dma_start3A_116] : memref<157x2x128xi32, #tpu.memory_space<vmem>> -> memref<156x2x128xi32, #tpu.memory_space<vmem>>
      %dma_start3A_118 = arith.constant 0 : i32
      %dma_start3A_119 = arith.constant 0 : i32
      %dma_start3A_120 = tpu.memref_slice %arg3[%mul3A_3, %dma_start3A_118, %dma_start3A_119] : memref<2500x2x128xi32, #tpu.memory_space<hbm>> -> memref<156x2x128xi32, #tpu.memory_space<hbm>>
      tpu.enqueue_dma source(%dma_start3A_120 : memref<156x2x128xi32, #tpu.memory_space<hbm>>) target(%dma_start3A_117 : memref<156x2x128xi32, #tpu.memory_space<vmem>>) target_semaphore(%run_scoped3A : memref<!tpu.dma_semaphore, #tpu.memory_space<semaphore_mem>>)
      %dma_wait3A_121 = arith.constant 0 : i32
      %dma_wait3A_122 = arith.constant 0 : i32
      %dma_wait3A_123 = arith.constant 0 : i32
      %dma_wait3A_124 = tpu.memref_slice %arg6[%dma_wait3A_121, %dma_wait3A_122, %dma_wait3A_123] : memref<157x2x128xi32, #tpu.memory_space<vmem>> -> memref<156x2x128xi32, #tpu.memory_space<vmem>>
      %dma_wait3A_125 = arith.constant 0 : i32
      %dma_wait3A_126 = arith.constant 0 : i32
      %dma_wait3A_127 = tpu.memref_slice %arg3[%mul3A_3, %dma_wait3A_125, %dma_wait3A_126] : memref<2500x2x128xi32, #tpu.memory_space<hbm>> -> memref<156x2x128xi32, #tpu.memory_space<hbm>>
      %dma_wait3A_128 = arith.constant 0 : i32
      %dma_wait3A_129 = arith.constant 0 : i32
      %dma_wait3A_130 = arith.constant 0 : i32
      %dma_wait3A_131 = tpu.memref_slice %arg6[%dma_wait3A_128, %dma_wait3A_129, %dma_wait3A_130] : memref<157x2x128xi32, #tpu.memory_space<vmem>> -> memref<156x2x128xi32, #tpu.memory_space<vmem>>
      %dma_wait3A_132 = arith.constant 0 : i32
      %dma_wait3A_133 = arith.constant 0 : i32
      %dma_wait3A_134 = tpu.memref_slice %arg3[%mul3A_3, %dma_wait3A_132, %dma_wait3A_133] : memref<2500x2x128xi32, #tpu.memory_space<hbm>> -> memref<156x2x128xi32, #tpu.memory_space<hbm>>
      tpu.wait_dma2 semaphore(%run_scoped3A : memref<!tpu.dma_semaphore, #tpu.memory_space<semaphore_mem>>) src(%dma_wait3A_134 : memref<156x2x128xi32, #tpu.memory_space<hbm>>) dst(%dma_wait3A_131 : memref<156x2x128xi32, #tpu.memory_space<vmem>>)
      tpu.yield
    }) : () -> ()
    %convert_element_type3A_4 = arith.extui %lt3A_0 : i1 to i32
    %cond3A_5 = arith.constant 0 : i32
    %cond3A_6 = arith.cmpi ne, %convert_element_type3A_4, %cond3A_5 : i32
    scf.if %cond3A_6 {
      %add3A = arith.constant 2496 : i32
      %add3A_107 = arith.addi %add3A, %arg1 : i32
      "tpu.region"() ({
        %run_scoped3A = tpu.sem_alloc : memref<!tpu.dma_semaphore, #tpu.memory_space<semaphore_mem>>
        %dma_start3A_108 = arith.constant 156 : i32
        %dma_start3A_109 = arith.constant 0 : i32
        %dma_start3A_110 = arith.constant 0 : i32
        %dma_start3A_111 = tpu.memref_slice %arg6[%dma_start3A_108, %dma_start3A_109, %dma_start3A_110] : memref<157x2x128xi32, #tpu.memory_space<vmem>> -> memref<1x2x128xi32, #tpu.memory_space<vmem>>
        %dma_start3A_112 = arith.constant 0 : i32
        %dma_start3A_113 = arith.constant 0 : i32
        %dma_start3A_114 = tpu.memref_slice %arg3[%add3A_107, %dma_start3A_112, %dma_start3A_113] : memref<2500x2x128xi32, #tpu.memory_space<hbm>> -> memref<1x2x128xi32, #tpu.memory_space<hbm>>
        %dma_start3A_115 = arith.constant 156 : i32
        %dma_start3A_116 = arith.constant 0 : i32
        %dma_start3A_117 = arith.constant 0 : i32
        %dma_start3A_118 = tpu.memref_slice %arg6[%dma_start3A_115, %dma_start3A_116, %dma_start3A_117] : memref<157x2x128xi32, #tpu.memory_space<vmem>> -> memref<1x2x128xi32, #tpu.memory_space<vmem>>
        %dma_start3A_119 = arith.constant 0 : i32
        %dma_start3A_120 = arith.constant 0 : i32
        %dma_start3A_121 = tpu.memref_slice %arg3[%add3A_107, %dma_start3A_119, %dma_start3A_120] : memref<2500x2x128xi32, #tpu.memory_space<hbm>> -> memref<1x2x128xi32, #tpu.memory_space<hbm>>
        tpu.enqueue_dma source(%dma_start3A_121 : memref<1x2x128xi32, #tpu.memory_space<hbm>>) target(%dma_start3A_118 : memref<1x2x128xi32, #tpu.memory_space<vmem>>) target_semaphore(%run_scoped3A : memref<!tpu.dma_semaphore, #tpu.memory_space<semaphore_mem>>)
        %dma_wait3A_122 = arith.constant 156 : i32
        %dma_wait3A_123 = arith.constant 0 : i32
        %dma_wait3A_124 = arith.constant 0 : i32
        %dma_wait3A_125 = tpu.memref_slice %arg6[%dma_wait3A_122, %dma_wait3A_123, %dma_wait3A_124] : memref<157x2x128xi32, #tpu.memory_space<vmem>> -> memref<1x2x128xi32, #tpu.memory_space<vmem>>
        %dma_wait3A_126 = arith.constant 0 : i32
        %dma_wait3A_127 = arith.constant 0 : i32
        %dma_wait3A_128 = tpu.memref_slice %arg3[%add3A_107, %dma_wait3A_126, %dma_wait3A_127] : memref<2500x2x128xi32, #tpu.memory_space<hbm>> -> memref<1x2x128xi32, #tpu.memory_space<hbm>>
        %dma_wait3A_129 = arith.constant 156 : i32
        %dma_wait3A_130 = arith.constant 0 : i32
        %dma_wait3A_131 = arith.constant 0 : i32
        %dma_wait3A_132 = tpu.memref_slice %arg6[%dma_wait3A_129, %dma_wait3A_130, %dma_wait3A_131] : memref<157x2x128xi32, #tpu.memory_space<vmem>> -> memref<1x2x128xi32, #tpu.memory_space<vmem>>
        %dma_wait3A_133 = arith.constant 0 : i32
        %dma_wait3A_134 = arith.constant 0 : i32
        %dma_wait3A_135 = tpu.memref_slice %arg3[%add3A_107, %dma_wait3A_133, %dma_wait3A_134] : memref<2500x2x128xi32, #tpu.memory_space<hbm>> -> memref<1x2x128xi32, #tpu.memory_space<hbm>>
        tpu.wait_dma2 semaphore(%run_scoped3A : memref<!tpu.dma_semaphore, #tpu.memory_space<semaphore_mem>>) src(%dma_wait3A_135 : memref<1x2x128xi32, #tpu.memory_space<hbm>>) dst(%dma_wait3A_132 : memref<1x2x128xi32, #tpu.memory_space<vmem>>)
        tpu.yield
      }) : () -> ()
    } else {
    }
    %scan3A = arith.constant 0 : i32
    %scan3A_7 = arith.constant 157 : i32
    %scan3A_8 = arith.addi %scan3A, %scan3A_7 : i32
    %scan3A_9 = arith.constant 1 : i32
    scf.for %scan3A_107 = %scan3A to %scan3A_8 step %scan3A_9  : i32 {
      %mul3A_108 = arith.constant 1 : i32
      %mul3A_109 = arith.muli %scan3A_107, %mul3A_108 : i32
      %add3A = arith.constant 0 : i32
      %add3A_110 = arith.addi %add3A, %mul3A_109 : i32
      %get3A = arith.constant 0 : i32
      %get3A_111 = arith.index_cast %add3A_110 : i32 to index
      %get3A_112 = arith.index_cast %get3A : i32 to index
      %get3A_113 = arith.constant 0 : index
      %get3A_114 = tpu.vector_load %arg6[%get3A_111, %get3A_112, %get3A_113] {strides = array<i32>} : memref<157x2x128xi32, #tpu.memory_space<vmem>>, vector<1x1x16xi32>,
      %get3A_115 = vector.shape_cast %get3A_114 : vector<1x1x16xi32> to vector<16xi32>
      %add3A_116 = arith.addi %get3A_115, %get3A_115 : vector<16xi32>
      %swap3A = arith.constant 0 : i32
      %swap3A_117 = arith.index_cast %add3A_110 : i32 to index
      %swap3A_118 = arith.index_cast %swap3A : i32 to index
      %swap3A_119 = arith.constant 0 : index
      %swap3A_120 = tpu.vector_load %arg6[%swap3A_117, %swap3A_118, %swap3A_119] {strides = array<i32>} : memref<157x2x128xi32, #tpu.memory_space<vmem>>, vector<1x1x16xi32>,
      %swap3A_121 = vector.shape_cast %swap3A_120 : vector<1x1x16xi32> to vector<16xi32>
      %swap3A_122 = vector.shape_cast %add3A_116 : vector<16xi32> to vector<1x1x16xi32>
      tpu.vector_store %arg6[%swap3A_117, %swap3A_118, %swap3A_119], %swap3A_122 {strides = array<i32>} : memref<157x2x128xi32, #tpu.memory_space<vmem>>, vector<1x1x16xi32>,
      %get3A_123 = arith.constant 0 : i32
      %get3A_124 = arith.index_cast %add3A_110 : i32 to index
      %get3A_125 = arith.index_cast %get3A_123 : i32 to index
      %get3A_126 = arith.constant 16 : index
      %get3A_127 = tpu.vector_load %arg6[%get3A_124, %get3A_125, %get3A_126] {strides = array<i32>} : memref<157x2x128xi32, #tpu.memory_space<vmem>>, vector<1x1x16xi32>,
      %get3A_128 = vector.shape_cast %get3A_127 : vector<1x1x16xi32> to vector<16xi32>
      %add3A_129 = arith.addi %get3A_128, %get3A_128 : vector<16xi32>
      %swap3A_130 = arith.constant 0 : i32
      %swap3A_131 = arith.index_cast %add3A_110 : i32 to index
      %swap3A_132 = arith.index_cast %swap3A_130 : i32 to index
      %swap3A_133 = arith.constant 16 : index
      %swap3A_134 = tpu.vector_load %arg6[%swap3A_131, %swap3A_132, %swap3A_133] {strides = array<i32>} : memref<157x2x128xi32, #tpu.memory_space<vmem>>, vector<1x1x16xi32>,
      %swap3A_135 = vector.shape_cast %swap3A_134 : vector<1x1x16xi32> to vector<16xi32>
      %swap3A_136 = vector.shape_cast %add3A_129 : vector<16xi32> to vector<1x1x16xi32>
      tpu.vector_store %arg6[%swap3A_131, %swap3A_132, %swap3A_133], %swap3A_136 {strides = array<i32>} : memref<157x2x128xi32, #tpu.memory_space<vmem>>, vector<1x1x16xi32>,
      %get3A_137 = arith.constant 0 : i32
      %get3A_138 = arith.index_cast %add3A_110 : i32 to index
      %get3A_139 = arith.index_cast %get3A_137 : i32 to index
      %get3A_140 = arith.constant 32 : index
      %get3A_141 = tpu.vector_load %arg6[%get3A_138, %get3A_139, %get3A_140] {strides = array<i32>} : memref<157x2x128xi32, #tpu.memory_space<vmem>>, vector<1x1x16xi32>,
      %get3A_142 = vector.shape_cast %get3A_141 : vector<1x1x16xi32> to vector<16xi32>
      %add3A_143 = arith.addi %get3A_142, %get3A_142 : vector<16xi32>
      %swap3A_144 = arith.constant 0 : i32
      %swap3A_145 = arith.index_cast %add3A_110 : i32 to index
      %swap3A_146 = arith.index_cast %swap3A_144 : i32 to index
      %swap3A_147 = arith.constant 32 : index
      %swap3A_148 = tpu.vector_load %arg6[%swap3A_145, %swap3A_146, %swap3A_147] {strides = array<i32>} : memref<157x2x128xi32, #tpu.memory_space<vmem>>, vector<1x1x16xi32>,
      %swap3A_149 = vector.shape_cast %swap3A_148 : vector<1x1x16xi32> to vector<16xi32>
      %swap3A_150 = vector.shape_cast %add3A_143 : vector<16xi32> to vector<1x1x16xi32>
      tpu.vector_store %arg6[%swap3A_145, %swap3A_146, %swap3A_147], %swap3A_150 {strides = array<i32>} : memref<157x2x128xi32, #tpu.memory_space<vmem>>, vector<1x1x16xi32>,
      %get3A_151 = arith.constant 0 : i32
      %get3A_152 = arith.index_cast %add3A_110 : i32 to index
      %get3A_153 = arith.index_cast %get3A_151 : i32 to index
      %get3A_154 = arith.constant 48 : index
      %get3A_155 = tpu.vector_load %arg6[%get3A_152, %get3A_153, %get3A_154] {strides = array<i32>} : memref<157x2x128xi32, #tpu.memory_space<vmem>>, vector<1x1x16xi32>,
      %get3A_156 = vector.shape_cast %get3A_155 : vector<1x1x16xi32> to vector<16xi32>
      %add3A_157 = arith.addi %get3A_156, %get3A_156 : vector<16xi32>
      %swap3A_158 = arith.constant 0 : i32
      %swap3A_159 = arith.index_cast %add3A_110 : i32 to index
      %swap3A_160 = arith.index_cast %swap3A_158 : i32 to index
      %swap3A_161 = arith.constant 48 : index
      %swap3A_162 = tpu.vector_load %arg6[%swap3A_159, %swap3A_160, %swap3A_161] {strides = array<i32>} : memref<157x2x128xi32, #tpu.memory_space<vmem>>, vector<1x1x16xi32>,
      %swap3A_163 = vector.shape_cast %swap3A_162 : vector<1x1x16xi32> to vector<16xi32>
      %swap3A_164 = vector.shape_cast %add3A_157 : vector<16xi32> to vector<1x1x16xi32>
      tpu.vector_store %arg6[%swap3A_159, %swap3A_160, %swap3A_161], %swap3A_164 {strides = array<i32>} : memref<157x2x128xi32, #tpu.memory_space<vmem>>, vector<1x1x16xi32>,
      %get3A_165 = arith.constant 0 : i32
      %get3A_166 = arith.index_cast %add3A_110 : i32 to index
      %get3A_167 = arith.index_cast %get3A_165 : i32 to index
      %get3A_168 = arith.constant 64 : index
      %get3A_169 = tpu.vector_load %arg6[%get3A_166, %get3A_167, %get3A_168] {strides = array<i32>} : memref<157x2x128xi32, #tpu.memory_space<vmem>>, vector<1x1x16xi32>,
      %get3A_170 = vector.shape_cast %get3A_169 : vector<1x1x16xi32> to vector<16xi32>
      %add3A_171 = arith.addi %get3A_170, %get3A_170 : vector<16xi32>
      %swap3A_172 = arith.constant 0 : i32
      %swap3A_173 = arith.index_cast %add3A_110 : i32 to index
      %swap3A_174 = arith.index_cast %swap3A_172 : i32 to index
      %swap3A_175 = arith.constant 64 : index
      %swap3A_176 = tpu.vector_load %arg6[%swap3A_173, %swap3A_174, %swap3A_175] {strides = array<i32>} : memref<157x2x128xi32, #tpu.memory_space<vmem>>, vector<1x1x16xi32>,
      %swap3A_177 = vector.shape_cast %swap3A_176 : vector<1x1x16xi32> to vector<16xi32>
      %swap3A_178 = vector.shape_cast %add3A_171 : vector<16xi32> to vector<1x1x16xi32>
      tpu.vector_store %arg6[%swap3A_173, %swap3A_174, %swap3A_175], %swap3A_178 {strides = array<i32>} : memref<157x2x128xi32, #tpu.memory_space<vmem>>, vector<1x1x16xi32>,
      %get3A_179 = arith.constant 0 : i32
      %get3A_180 = arith.index_cast %add3A_110 : i32 to index
      %get3A_181 = arith.index_cast %get3A_179 : i32 to index
      %get3A_182 = arith.constant 80 : index
      %get3A_183 = tpu.vector_load %arg6[%get3A_180, %get3A_181, %get3A_182] {strides = array<i32>} : memref<157x2x128xi32, #tpu.memory_space<vmem>>, vector<1x1x16xi32>,
      %get3A_184 = vector.shape_cast %get3A_183 : vector<1x1x16xi32> to vector<16xi32>
      %add3A_185 = arith.addi %get3A_184, %get3A_184 : vector<16xi32>
      %swap3A_186 = arith.constant 0 : i32
      %swap3A_187 = arith.index_cast %add3A_110 : i32 to index
      %swap3A_188 = arith.index_cast %swap3A_186 : i32 to index
      %swap3A_189 = arith.constant 80 : index
      %swap3A_190 = tpu.vector_load %arg6[%swap3A_187, %swap3A_188, %swap3A_189] {strides = array<i32>} : memref<157x2x128xi32, #tpu.memory_space<vmem>>, vector<1x1x16xi32>,
      %swap3A_191 = vector.shape_cast %swap3A_190 : vector<1x1x16xi32> to vector<16xi32>
      %swap3A_192 = vector.shape_cast %add3A_185 : vector<16xi32> to vector<1x1x16xi32>
      tpu.vector_store %arg6[%swap3A_187, %swap3A_188, %swap3A_189], %swap3A_192 {strides = array<i32>} : memref<157x2x128xi32, #tpu.memory_space<vmem>>, vector<1x1x16xi32>,
      %get3A_193 = arith.constant 0 : i32
      %get3A_194 = arith.index_cast %add3A_110 : i32 to index
      %get3A_195 = arith.index_cast %get3A_193 : i32 to index
      %get3A_196 = arith.constant 96 : index
      %get3A_197 = tpu.vector_load %arg6[%get3A_194, %get3A_195, %get3A_196] {strides = array<i32>} : memref<157x2x128xi32, #tpu.memory_space<vmem>>, vector<1x1x16xi32>,
      %get3A_198 = vector.shape_cast %get3A_197 : vector<1x1x16xi32> to vector<16xi32>
      %add3A_199 = arith.addi %get3A_198, %get3A_198 : vector<16xi32>
      %swap3A_200 = arith.constant 0 : i32
      %swap3A_201 = arith.index_cast %add3A_110 : i32 to index
      %swap3A_202 = arith.index_cast %swap3A_200 : i32 to index
      %swap3A_203 = arith.constant 96 : index
      %swap3A_204 = tpu.vector_load %arg6[%swap3A_201, %swap3A_202, %swap3A_203] {strides = array<i32>} : memref<157x2x128xi32, #tpu.memory_space<vmem>>, vector<1x1x16xi32>,
      %swap3A_205 = vector.shape_cast %swap3A_204 : vector<1x1x16xi32> to vector<16xi32>
      %swap3A_206 = vector.shape_cast %add3A_199 : vector<16xi32> to vector<1x1x16xi32>
      tpu.vector_store %arg6[%swap3A_201, %swap3A_202, %swap3A_203], %swap3A_206 {strides = array<i32>} : memref<157x2x128xi32, #tpu.memory_space<vmem>>, vector<1x1x16xi32>,
      %get3A_207 = arith.constant 0 : i32
      %get3A_208 = arith.index_cast %add3A_110 : i32 to index
      %get3A_209 = arith.index_cast %get3A_207 : i32 to index
      %get3A_210 = arith.constant 112 : index
      %get3A_211 = tpu.vector_load %arg6[%get3A_208, %get3A_209, %get3A_210] {strides = array<i32>} : memref<157x2x128xi32, #tpu.memory_space<vmem>>, vector<1x1x16xi32>,
      %get3A_212 = vector.shape_cast %get3A_211 : vector<1x1x16xi32> to vector<16xi32>
      %add3A_213 = arith.addi %get3A_212, %get3A_212 : vector<16xi32>
      %swap3A_214 = arith.constant 0 : i32
      %swap3A_215 = arith.index_cast %add3A_110 : i32 to index
      %swap3A_216 = arith.index_cast %swap3A_214 : i32 to index
      %swap3A_217 = arith.constant 112 : index
      %swap3A_218 = tpu.vector_load %arg6[%swap3A_215, %swap3A_216, %swap3A_217] {strides = array<i32>} : memref<157x2x128xi32, #tpu.memory_space<vmem>>, vector<1x1x16xi32>,
      %swap3A_219 = vector.shape_cast %swap3A_218 : vector<1x1x16xi32> to vector<16xi32>
      %swap3A_220 = vector.shape_cast %add3A_213 : vector<16xi32> to vector<1x1x16xi32>
      tpu.vector_store %arg6[%swap3A_215, %swap3A_216, %swap3A_217], %swap3A_220 {strides = array<i32>} : memref<157x2x128xi32, #tpu.memory_space<vmem>>, vector<1x1x16xi32>,
    }
    %scan3A_10 = arith.constant 157 : i32
    %dma_start3A = arith.constant 0 : i32
    %dma_start3A_11 = arith.constant 0 : i32
    %dma_start3A_12 = arith.constant 0 : i32
    %dma_start3A_13 = arith.constant 0 : i32
    %dma_start3A_14 = arith.constant 0 : i32
    %dma_start3A_15 = tpu.memref_slice %arg7[%dma_start3A_12, %dma_start3A_13, %dma_start3A_14] : memref<6x128x64xbf16, #tpu.memory_space<vmem>> -> memref<1x128x64xbf16, #tpu.memory_space<vmem>>
    %dma_start3A_16 = tpu.memref_squeeze %dma_start3A_15 : memref<1x128x64xbf16, #tpu.memory_space<vmem>> -> memref<128x64xbf16, #tpu.memory_space<vmem>>
    %dma_start3A_17 = arith.constant 0 : i32
    %dma_start3A_18 = tpu.memref_slice %arg6[%dma_start3A, %dma_start3A_11, %dma_start3A_17] : memref<157x2x128xi32, #tpu.memory_space<vmem>> -> memref<1x1x128xi32, #tpu.memory_space<vmem>>
    %dma_start3A_19 = tpu.memref_squeeze %dma_start3A_18 : memref<1x1x128xi32, #tpu.memory_space<vmem>> -> memref<128xi32, #tpu.memory_space<vmem>>
    %dma_start3A_20 = arith.constant 0 : i32
    %dma_start3A_21 = tpu.memref_slice %arg2[%arg0, %dma_start3A_20] : memref<20000x64xbf16, #tpu.memory_space<hbm>> -> memref<19999x64xbf16, #tpu.memory_space<hbm>>
    %dma_start3A_22 = arith.constant 0 : i32
    %dma_start3A_23 = arith.constant 0 : i32
    %dma_start3A_24 = tpu.memref_slice %dma_start3A_21[%dma_start3A_22, %dma_start3A_23] : memref<19999x64xbf16, #tpu.memory_space<hbm>> -> memref<19999x64xbf16, #tpu.memory_space<hbm>>
    tpu.enqueue_indirect_dma source(%dma_start3A_24 : memref<19999x64xbf16, #tpu.memory_space<hbm>>) target(%dma_start3A_16 : memref<128x64xbf16, #tpu.memory_space<vmem>>) offsets(%dma_start3A_19 : memref<128xi32, #tpu.memory_space<vmem>>) semaphore(%arg9 : memref<!tpu.dma_semaphore, #tpu.memory_space<semaphore_mem>>)
    %dma_start3A_25 = arith.constant 1 : i32
    %dma_start3A_26 = arith.constant 0 : i32
    %dma_start3A_27 = arith.constant 1 : i32
    %dma_start3A_28 = arith.constant 0 : i32
    %dma_start3A_29 = arith.constant 0 : i32
    %dma_start3A_30 = tpu.memref_slice %arg7[%dma_start3A_27, %dma_start3A_28, %dma_start3A_29] : memref<6x128x64xbf16, #tpu.memory_space<vmem>> -> memref<1x128x64xbf16, #tpu.memory_space<vmem>>
    %dma_start3A_31 = tpu.memref_squeeze %dma_start3A_30 : memref<1x128x64xbf16, #tpu.memory_space<vmem>> -> memref<128x64xbf16, #tpu.memory_space<vmem>>
    %dma_start3A_32 = arith.constant 0 : i32
    %dma_start3A_33 = tpu.memref_slice %arg6[%dma_start3A_25, %dma_start3A_26, %dma_start3A_32] : memref<157x2x128xi32, #tpu.memory_space<vmem>> -> memref<1x1x128xi32, #tpu.memory_space<vmem>>
    %dma_start3A_34 = tpu.memref_squeeze %dma_start3A_33 : memref<1x1x128xi32, #tpu.memory_space<vmem>> -> memref<128xi32, #tpu.memory_space<vmem>>
    %dma_start3A_35 = arith.constant 0 : i32
    %dma_start3A_36 = tpu.memref_slice %arg2[%arg0, %dma_start3A_35] : memref<20000x64xbf16, #tpu.memory_space<hbm>> -> memref<19999x64xbf16, #tpu.memory_space<hbm>>
    %dma_start3A_37 = arith.constant 0 : i32
    %dma_start3A_38 = arith.constant 0 : i32
    %dma_start3A_39 = tpu.memref_slice %dma_start3A_36[%dma_start3A_37, %dma_start3A_38] : memref<19999x64xbf16, #tpu.memory_space<hbm>> -> memref<19999x64xbf16, #tpu.memory_space<hbm>>
    tpu.enqueue_indirect_dma source(%dma_start3A_39 : memref<19999x64xbf16, #tpu.memory_space<hbm>>) target(%dma_start3A_31 : memref<128x64xbf16, #tpu.memory_space<vmem>>) offsets(%dma_start3A_34 : memref<128xi32, #tpu.memory_space<vmem>>) semaphore(%arg10 : memref<!tpu.dma_semaphore, #tpu.memory_space<semaphore_mem>>)
    %dma_start3A_40 = arith.constant 2 : i32
    %dma_start3A_41 = arith.constant 0 : i32
    %dma_start3A_42 = arith.constant 2 : i32
    %dma_start3A_43 = arith.constant 0 : i32
    %dma_start3A_44 = arith.constant 0 : i32
    %dma_start3A_45 = tpu.memref_slice %arg7[%dma_start3A_42, %dma_start3A_43, %dma_start3A_44] : memref<6x128x64xbf16, #tpu.memory_space<vmem>> -> memref<1x128x64xbf16, #tpu.memory_space<vmem>>
    %dma_start3A_46 = tpu.memref_squeeze %dma_start3A_45 : memref<1x128x64xbf16, #tpu.memory_space<vmem>> -> memref<128x64xbf16, #tpu.memory_space<vmem>>
    %dma_start3A_47 = arith.constant 0 : i32
    %dma_start3A_48 = tpu.memref_slice %arg6[%dma_start3A_40, %dma_start3A_41, %dma_start3A_47] : memref<157x2x128xi32, #tpu.memory_space<vmem>> -> memref<1x1x128xi32, #tpu.memory_space<vmem>>
    %dma_start3A_49 = tpu.memref_squeeze %dma_start3A_48 : memref<1x1x128xi32, #tpu.memory_space<vmem>> -> memref<128xi32, #tpu.memory_space<vmem>>
    %dma_start3A_50 = arith.constant 0 : i32
    %dma_start3A_51 = tpu.memref_slice %arg2[%arg0, %dma_start3A_50] : memref<20000x64xbf16, #tpu.memory_space<hbm>> -> memref<19999x64xbf16, #tpu.memory_space<hbm>>
    %dma_start3A_52 = arith.constant 0 : i32
    %dma_start3A_53 = arith.constant 0 : i32
    %dma_start3A_54 = tpu.memref_slice %dma_start3A_51[%dma_start3A_52, %dma_start3A_53] : memref<19999x64xbf16, #tpu.memory_space<hbm>> -> memref<19999x64xbf16, #tpu.memory_space<hbm>>
    tpu.enqueue_indirect_dma source(%dma_start3A_54 : memref<19999x64xbf16, #tpu.memory_space<hbm>>) target(%dma_start3A_46 : memref<128x64xbf16, #tpu.memory_space<vmem>>) offsets(%dma_start3A_49 : memref<128xi32, #tpu.memory_space<vmem>>) semaphore(%arg11 : memref<!tpu.dma_semaphore, #tpu.memory_space<semaphore_mem>>)
    %scan3A_55 = arith.constant 0 : i32
    %scan3A_56 = arith.constant 26 : i32
    %scan3A_57 = arith.addi %scan3A_55, %scan3A_56 : i32
    %scan3A_58 = arith.constant 1 : i32
    scf.for %scan3A_107 = %scan3A_55 to %scan3A_57 step %scan3A_58  : i32 {
      %mul3A_108 = arith.constant 6 : i32
      %mul3A_109 = arith.muli %scan3A_107, %mul3A_108 : i32
      %add3A = arith.constant 0 : i32
      %add3A_110 = arith.addi %add3A, %mul3A_109 : i32
      %add3A_111 = arith.constant 0 : i32
      %add3A_112 = arith.addi %add3A_110, %add3A_111 : i32
      %dma_wait3A_113 = arith.constant 0 : i32
      %dma_wait3A_114 = arith.constant 0 : i32
      %dma_wait3A_115 = arith.constant 0 : i32
      %dma_wait3A_116 = arith.constant 0 : i32
      %dma_wait3A_117 = tpu.memref_slice %arg7[%dma_wait3A_114, %dma_wait3A_115, %dma_wait3A_116] : memref<6x128x64xbf16, #tpu.memory_space<vmem>> -> memref<1x128x64xbf16, #tpu.memory_space<vmem>>
      %dma_wait3A_118 = tpu.memref_squeeze %dma_wait3A_117 : memref<1x128x64xbf16, #tpu.memory_space<vmem>> -> memref<128x64xbf16, #tpu.memory_space<vmem>>
      %dma_wait3A_119 = arith.constant 0 : i32
      %dma_wait3A_120 = tpu.memref_slice %arg6[%add3A_112, %dma_wait3A_113, %dma_wait3A_119] : memref<157x2x128xi32, #tpu.memory_space<vmem>> -> memref<1x1x128xi32, #tpu.memory_space<vmem>>
      %dma_wait3A_121 = tpu.memref_squeeze %dma_wait3A_120 : memref<1x1x128xi32, #tpu.memory_space<vmem>> -> memref<128xi32, #tpu.memory_space<vmem>>
      %dma_wait3A_122 = arith.constant 0 : i32
      %dma_wait3A_123 = tpu.memref_slice %arg2[%arg0, %dma_wait3A_122] : memref<20000x64xbf16, #tpu.memory_space<hbm>> -> memref<19999x64xbf16, #tpu.memory_space<hbm>>
      %dma_wait3A_124 = arith.constant 0 : i32
      %dma_wait3A_125 = arith.constant 0 : i32
      %dma_wait3A_126 = tpu.memref_slice %dma_wait3A_123[%dma_wait3A_124, %dma_wait3A_125] : memref<19999x64xbf16, #tpu.memory_space<hbm>> -> memref<19999x64xbf16, #tpu.memory_space<hbm>>
      tpu.wait_indirect_dma semaphore(%arg9 : memref<!tpu.dma_semaphore, #tpu.memory_space<semaphore_mem>>) src(%dma_wait3A_126 : memref<19999x64xbf16, #tpu.memory_space<hbm>>) dst(%dma_wait3A_118 : memref<128x64xbf16, #tpu.memory_space<vmem>>)
      %dma_start3A_127 = arith.constant 0 : i32
      %dma_start3A_128 = arith.constant 1 : i32
      %dma_start3A_129 = arith.constant 0 : i32
      %dma_start3A_130 = arith.constant 0 : i32
      %dma_start3A_131 = tpu.memref_slice %arg7[%dma_start3A_127, %dma_start3A_129, %dma_start3A_130] : memref<6x128x64xbf16, #tpu.memory_space<vmem>> -> memref<1x128x64xbf16, #tpu.memory_space<vmem>>
      %dma_start3A_132 = tpu.memref_squeeze %dma_start3A_131 : memref<1x128x64xbf16, #tpu.memory_space<vmem>> -> memref<128x64xbf16, #tpu.memory_space<vmem>>
      %dma_start3A_133 = arith.constant 0 : i32
      %dma_start3A_134 = tpu.memref_slice %arg6[%add3A_112, %dma_start3A_128, %dma_start3A_133] : memref<157x2x128xi32, #tpu.memory_space<vmem>> -> memref<1x1x128xi32, #tpu.memory_space<vmem>>
      %dma_start3A_135 = tpu.memref_squeeze %dma_start3A_134 : memref<1x1x128xi32, #tpu.memory_space<vmem>> -> memref<128xi32, #tpu.memory_space<vmem>>
      %dma_start3A_136 = arith.constant 0 : i32
      %dma_start3A_137 = arith.constant 0 : i32
      %dma_start3A_138 = tpu.memref_slice %arg8[%dma_start3A_136, %dma_start3A_137] : memref<10000x64xbf16, #tpu.memory_space<vmem_shared>> -> memref<10000x64xbf16, #tpu.memory_space<vmem_shared>>
      tpu.enqueue_indirect_dma source(%dma_start3A_132 : memref<128x64xbf16, #tpu.memory_space<vmem>>) target(%dma_start3A_138 : memref<10000x64xbf16, #tpu.memory_space<vmem_shared>>) offsets(%dma_start3A_135 : memref<128xi32, #tpu.memory_space<vmem>>) semaphore(%arg15 : memref<!tpu.dma_semaphore, #tpu.memory_space<semaphore_mem>>) {add = true}
      %ge3A = arith.constant 3 : i32
      %ge3A_139 = arith.cmpi sge, %add3A_112, %ge3A : i32
      %convert_element_type3A_140 = arith.extui %ge3A_139 : i1 to i32
      %cond3A_141 = arith.constant 0 : i32
      %cond3A_142 = arith.cmpi ne, %convert_element_type3A_140, %cond3A_141 : i32
      scf.if %cond3A_142 {
        %sub3A = arith.constant 3 : i32
        %sub3A_350 = arith.subi %add3A_112, %sub3A : i32
        %dma_wait3A_351 = arith.constant 3 : i32
        %dma_wait3A_352 = arith.constant 1 : i32
        %dma_wait3A_353 = arith.constant 0 : i32
        %dma_wait3A_354 = arith.constant 0 : i32
        %dma_wait3A_355 = tpu.memref_slice %arg7[%dma_wait3A_351, %dma_wait3A_353, %dma_wait3A_354] : memref<6x128x64xbf16, #tpu.memory_space<vmem>> -> memref<1x128x64xbf16, #tpu.memory_space<vmem>>
        %dma_wait3A_356 = tpu.memref_squeeze %dma_wait3A_355 : memref<1x128x64xbf16, #tpu.memory_space<vmem>> -> memref<128x64xbf16, #tpu.memory_space<vmem>>
        %dma_wait3A_357 = arith.constant 0 : i32
        %dma_wait3A_358 = tpu.memref_slice %arg6[%sub3A_350, %dma_wait3A_352, %dma_wait3A_357] : memref<157x2x128xi32, #tpu.memory_space<vmem>> -> memref<1x1x128xi32, #tpu.memory_space<vmem>>
        %dma_wait3A_359 = tpu.memref_squeeze %dma_wait3A_358 : memref<1x1x128xi32, #tpu.memory_space<vmem>> -> memref<128xi32, #tpu.memory_space<vmem>>
        %dma_wait3A_360 = arith.constant 0 : i32
        %dma_wait3A_361 = arith.constant 0 : i32
        %dma_wait3A_362 = tpu.memref_slice %arg8[%dma_wait3A_360, %dma_wait3A_361] : memref<10000x64xbf16, #tpu.memory_space<vmem_shared>> -> memref<10000x64xbf16, #tpu.memory_space<vmem_shared>>
        tpu.wait_indirect_dma semaphore(%arg18 : memref<!tpu.dma_semaphore, #tpu.memory_space<semaphore_mem>>) src(%dma_wait3A_356 : memref<128x64xbf16, #tpu.memory_space<vmem>>) dst(%dma_wait3A_362 : memref<10000x64xbf16, #tpu.memory_space<vmem_shared>>)
      } else {
      }
      %add3A_143 = arith.constant 3 : i32
      %add3A_144 = arith.addi %add3A_112, %add3A_143 : i32
      %lt3A_145 = arith.constant 156 : i32
      %lt3A_146 = arith.cmpi slt, %add3A_144, %lt3A_145 : i32
      %convert_element_type3A_147 = arith.extui %lt3A_146 : i1 to i32
      %cond3A_148 = arith.constant 0 : i32
      %cond3A_149 = arith.cmpi ne, %convert_element_type3A_147, %cond3A_148 : i32
      scf.if %cond3A_149 {
        %add3A_350 = arith.constant 3 : i32
        %add3A_351 = arith.addi %add3A_112, %add3A_350 : i32
        %dma_start3A_352 = arith.constant 0 : i32
        %dma_start3A_353 = arith.constant 3 : i32
        %dma_start3A_354 = arith.constant 0 : i32
        %dma_start3A_355 = arith.constant 0 : i32
        %dma_start3A_356 = tpu.memref_slice %arg7[%dma_start3A_353, %dma_start3A_354, %dma_start3A_355] : memref<6x128x64xbf16, #tpu.memory_space<vmem>> -> memref<1x128x64xbf16, #tpu.memory_space<vmem>>
        %dma_start3A_357 = tpu.memref_squeeze %dma_start3A_356 : memref<1x128x64xbf16, #tpu.memory_space<vmem>> -> memref<128x64xbf16, #tpu.memory_space<vmem>>
        %dma_start3A_358 = arith.constant 0 : i32
        %dma_start3A_359 = tpu.memref_slice %arg6[%add3A_351, %dma_start3A_352, %dma_start3A_358] : memref<157x2x128xi32, #tpu.memory_space<vmem>> -> memref<1x1x128xi32, #tpu.memory_space<vmem>>
        %dma_start3A_360 = tpu.memref_squeeze %dma_start3A_359 : memref<1x1x128xi32, #tpu.memory_space<vmem>> -> memref<128xi32, #tpu.memory_space<vmem>>
        %dma_start3A_361 = arith.constant 0 : i32
        %dma_start3A_362 = tpu.memref_slice %arg2[%arg0, %dma_start3A_361] : memref<20000x64xbf16, #tpu.memory_space<hbm>> -> memref<19999x64xbf16, #tpu.memory_space<hbm>>
        %dma_start3A_363 = arith.constant 0 : i32
        %dma_start3A_364 = arith.constant 0 : i32
        %dma_start3A_365 = tpu.memref_slice %dma_start3A_362[%dma_start3A_363, %dma_start3A_364] : memref<19999x64xbf16, #tpu.memory_space<hbm>> -> memref<19999x64xbf16, #tpu.memory_space<hbm>>
        tpu.enqueue_indirect_dma source(%dma_start3A_365 : memref<19999x64xbf16, #tpu.memory_space<hbm>>) target(%dma_start3A_357 : memref<128x64xbf16, #tpu.memory_space<vmem>>) offsets(%dma_start3A_360 : memref<128xi32, #tpu.memory_space<vmem>>) semaphore(%arg12 : memref<!tpu.dma_semaphore, #tpu.memory_space<semaphore_mem>>)
      } else {
      }
      %add3A_150 = arith.constant 1 : i32
      %add3A_151 = arith.addi %add3A_110, %add3A_150 : i32
      %dma_wait3A_152 = arith.constant 0 : i32
      %dma_wait3A_153 = arith.constant 1 : i32
      %dma_wait3A_154 = arith.constant 0 : i32
      %dma_wait3A_155 = arith.constant 0 : i32
      %dma_wait3A_156 = tpu.memref_slice %arg7[%dma_wait3A_153, %dma_wait3A_154, %dma_wait3A_155] : memref<6x128x64xbf16, #tpu.memory_space<vmem>> -> memref<1x128x64xbf16, #tpu.memory_space<vmem>>
      %dma_wait3A_157 = tpu.memref_squeeze %dma_wait3A_156 : memref<1x128x64xbf16, #tpu.memory_space<vmem>> -> memref<128x64xbf16, #tpu.memory_space<vmem>>
      %dma_wait3A_158 = arith.constant 0 : i32
      %dma_wait3A_159 = tpu.memref_slice %arg6[%add3A_151, %dma_wait3A_152, %dma_wait3A_158] : memref<157x2x128xi32, #tpu.memory_space<vmem>> -> memref<1x1x128xi32, #tpu.memory_space<vmem>>
      %dma_wait3A_160 = tpu.memref_squeeze %dma_wait3A_159 : memref<1x1x128xi32, #tpu.memory_space<vmem>> -> memref<128xi32, #tpu.memory_space<vmem>>
      %dma_wait3A_161 = arith.constant 0 : i32
      %dma_wait3A_162 = tpu.memref_slice %arg2[%arg0, %dma_wait3A_161] : memref<20000x64xbf16, #tpu.memory_space<hbm>> -> memref<19999x64xbf16, #tpu.memory_space<hbm>>
      %dma_wait3A_163 = arith.constant 0 : i32
      %dma_wait3A_164 = arith.constant 0 : i32
      %dma_wait3A_165 = tpu.memref_slice %dma_wait3A_162[%dma_wait3A_163, %dma_wait3A_164] : memref<19999x64xbf16, #tpu.memory_space<hbm>> -> memref<19999x64xbf16, #tpu.memory_space<hbm>>
      tpu.wait_indirect_dma semaphore(%arg10 : memref<!tpu.dma_semaphore, #tpu.memory_space<semaphore_mem>>) src(%dma_wait3A_165 : memref<19999x64xbf16, #tpu.memory_space<hbm>>) dst(%dma_wait3A_157 : memref<128x64xbf16, #tpu.memory_space<vmem>>)
      %dma_start3A_166 = arith.constant 1 : i32
      %dma_start3A_167 = arith.constant 1 : i32
      %dma_start3A_168 = arith.constant 0 : i32
      %dma_start3A_169 = arith.constant 0 : i32
      %dma_start3A_170 = tpu.memref_slice %arg7[%dma_start3A_166, %dma_start3A_168, %dma_start3A_169] : memref<6x128x64xbf16, #tpu.memory_space<vmem>> -> memref<1x128x64xbf16, #tpu.memory_space<vmem>>
      %dma_start3A_171 = tpu.memref_squeeze %dma_start3A_170 : memref<1x128x64xbf16, #tpu.memory_space<vmem>> -> memref<128x64xbf16, #tpu.memory_space<vmem>>
      %dma_start3A_172 = arith.constant 0 : i32
      %dma_start3A_173 = tpu.memref_slice %arg6[%add3A_151, %dma_start3A_167, %dma_start3A_172] : memref<157x2x128xi32, #tpu.memory_space<vmem>> -> memref<1x1x128xi32, #tpu.memory_space<vmem>>
      %dma_start3A_174 = tpu.memref_squeeze %dma_start3A_173 : memref<1x1x128xi32, #tpu.memory_space<vmem>> -> memref<128xi32, #tpu.memory_space<vmem>>
      %dma_start3A_175 = arith.constant 0 : i32
      %dma_start3A_176 = arith.constant 0 : i32
      %dma_start3A_177 = tpu.memref_slice %arg8[%dma_start3A_175, %dma_start3A_176] : memref<10000x64xbf16, #tpu.memory_space<vmem_shared>> -> memref<10000x64xbf16, #tpu.memory_space<vmem_shared>>
      tpu.enqueue_indirect_dma source(%dma_start3A_171 : memref<128x64xbf16, #tpu.memory_space<vmem>>) target(%dma_start3A_177 : memref<10000x64xbf16, #tpu.memory_space<vmem_shared>>) offsets(%dma_start3A_174 : memref<128xi32, #tpu.memory_space<vmem>>) semaphore(%arg16 : memref<!tpu.dma_semaphore, #tpu.memory_space<semaphore_mem>>) {add = true}
      %ge3A_178 = arith.constant 3 : i32
      %ge3A_179 = arith.cmpi sge, %add3A_151, %ge3A_178 : i32
      %convert_element_type3A_180 = arith.extui %ge3A_179 : i1 to i32
      %cond3A_181 = arith.constant 0 : i32
      %cond3A_182 = arith.cmpi ne, %convert_element_type3A_180, %cond3A_181 : i32
      scf.if %cond3A_182 {
        %sub3A = arith.constant 3 : i32
        %sub3A_350 = arith.subi %add3A_151, %sub3A : i32
        %dma_wait3A_351 = arith.constant 4 : i32
        %dma_wait3A_352 = arith.constant 1 : i32
        %dma_wait3A_353 = arith.constant 0 : i32
        %dma_wait3A_354 = arith.constant 0 : i32
        %dma_wait3A_355 = tpu.memref_slice %arg7[%dma_wait3A_351, %dma_wait3A_353, %dma_wait3A_354] : memref<6x128x64xbf16, #tpu.memory_space<vmem>> -> memref<1x128x64xbf16, #tpu.memory_space<vmem>>
        %dma_wait3A_356 = tpu.memref_squeeze %dma_wait3A_355 : memref<1x128x64xbf16, #tpu.memory_space<vmem>> -> memref<128x64xbf16, #tpu.memory_space<vmem>>
        %dma_wait3A_357 = arith.constant 0 : i32
        %dma_wait3A_358 = tpu.memref_slice %arg6[%sub3A_350, %dma_wait3A_352, %dma_wait3A_357] : memref<157x2x128xi32, #tpu.memory_space<vmem>> -> memref<1x1x128xi32, #tpu.memory_space<vmem>>
        %dma_wait3A_359 = tpu.memref_squeeze %dma_wait3A_358 : memref<1x1x128xi32, #tpu.memory_space<vmem>> -> memref<128xi32, #tpu.memory_space<vmem>>
        %dma_wait3A_360 = arith.constant 0 : i32
        %dma_wait3A_361 = arith.constant 0 : i32
        %dma_wait3A_362 = tpu.memref_slice %arg8[%dma_wait3A_360, %dma_wait3A_361] : memref<10000x64xbf16, #tpu.memory_space<vmem_shared>> -> memref<10000x64xbf16, #tpu.memory_space<vmem_shared>>
        tpu.wait_indirect_dma semaphore(%arg19 : memref<!tpu.dma_semaphore, #tpu.memory_space<semaphore_mem>>) src(%dma_wait3A_356 : memref<128x64xbf16, #tpu.memory_space<vmem>>) dst(%dma_wait3A_362 : memref<10000x64xbf16, #tpu.memory_space<vmem_shared>>)
      } else {
      }
      %add3A_183 = arith.constant 3 : i32
      %add3A_184 = arith.addi %add3A_151, %add3A_183 : i32
      %lt3A_185 = arith.constant 156 : i32
      %lt3A_186 = arith.cmpi slt, %add3A_184, %lt3A_185 : i32
      %convert_element_type3A_187 = arith.extui %lt3A_186 : i1 to i32
      %cond3A_188 = arith.constant 0 : i32
      %cond3A_189 = arith.cmpi ne, %convert_element_type3A_187, %cond3A_188 : i32
      scf.if %cond3A_189 {
        %add3A_350 = arith.constant 3 : i32
        %add3A_351 = arith.addi %add3A_151, %add3A_350 : i32
        %dma_start3A_352 = arith.constant 0 : i32
        %dma_start3A_353 = arith.constant 4 : i32
        %dma_start3A_354 = arith.constant 0 : i32
        %dma_start3A_355 = arith.constant 0 : i32
        %dma_start3A_356 = tpu.memref_slice %arg7[%dma_start3A_353, %dma_start3A_354, %dma_start3A_355] : memref<6x128x64xbf16, #tpu.memory_space<vmem>> -> memref<1x128x64xbf16, #tpu.memory_space<vmem>>
        %dma_start3A_357 = tpu.memref_squeeze %dma_start3A_356 : memref<1x128x64xbf16, #tpu.memory_space<vmem>> -> memref<128x64xbf16, #tpu.memory_space<vmem>>
        %dma_start3A_358 = arith.constant 0 : i32
        %dma_start3A_359 = tpu.memref_slice %arg6[%add3A_351, %dma_start3A_352, %dma_start3A_358] : memref<157x2x128xi32, #tpu.memory_space<vmem>> -> memref<1x1x128xi32, #tpu.memory_space<vmem>>
        %dma_start3A_360 = tpu.memref_squeeze %dma_start3A_359 : memref<1x1x128xi32, #tpu.memory_space<vmem>> -> memref<128xi32, #tpu.memory_space<vmem>>
        %dma_start3A_361 = arith.constant 0 : i32
        %dma_start3A_362 = tpu.memref_slice %arg2[%arg0, %dma_start3A_361] : memref<20000x64xbf16, #tpu.memory_space<hbm>> -> memref<19999x64xbf16, #tpu.memory_space<hbm>>
        %dma_start3A_363 = arith.constant 0 : i32
        %dma_start3A_364 = arith.constant 0 : i32
        %dma_start3A_365 = tpu.memref_slice %dma_start3A_362[%dma_start3A_363, %dma_start3A_364] : memref<19999x64xbf16, #tpu.memory_space<hbm>> -> memref<19999x64xbf16, #tpu.memory_space<hbm>>
        tpu.enqueue_indirect_dma source(%dma_start3A_365 : memref<19999x64xbf16, #tpu.memory_space<hbm>>) target(%dma_start3A_357 : memref<128x64xbf16, #tpu.memory_space<vmem>>) offsets(%dma_start3A_360 : memref<128xi32, #tpu.memory_space<vmem>>) semaphore(%arg13 : memref<!tpu.dma_semaphore, #tpu.memory_space<semaphore_mem>>)
      } else {
      }
      %add3A_190 = arith.constant 2 : i32
      %add3A_191 = arith.addi %add3A_110, %add3A_190 : i32
      %dma_wait3A_192 = arith.constant 0 : i32
      %dma_wait3A_193 = arith.constant 2 : i32
      %dma_wait3A_194 = arith.constant 0 : i32
      %dma_wait3A_195 = arith.constant 0 : i32
      %dma_wait3A_196 = tpu.memref_slice %arg7[%dma_wait3A_193, %dma_wait3A_194, %dma_wait3A_195] : memref<6x128x64xbf16, #tpu.memory_space<vmem>> -> memref<1x128x64xbf16, #tpu.memory_space<vmem>>
      %dma_wait3A_197 = tpu.memref_squeeze %dma_wait3A_196 : memref<1x128x64xbf16, #tpu.memory_space<vmem>> -> memref<128x64xbf16, #tpu.memory_space<vmem>>
      %dma_wait3A_198 = arith.constant 0 : i32
      %dma_wait3A_199 = tpu.memref_slice %arg6[%add3A_191, %dma_wait3A_192, %dma_wait3A_198] : memref<157x2x128xi32, #tpu.memory_space<vmem>> -> memref<1x1x128xi32, #tpu.memory_space<vmem>>
      %dma_wait3A_200 = tpu.memref_squeeze %dma_wait3A_199 : memref<1x1x128xi32, #tpu.memory_space<vmem>> -> memref<128xi32, #tpu.memory_space<vmem>>
      %dma_wait3A_201 = arith.constant 0 : i32
      %dma_wait3A_202 = tpu.memref_slice %arg2[%arg0, %dma_wait3A_201] : memref<20000x64xbf16, #tpu.memory_space<hbm>> -> memref<19999x64xbf16, #tpu.memory_space<hbm>>
      %dma_wait3A_203 = arith.constant 0 : i32
      %dma_wait3A_204 = arith.constant 0 : i32
      %dma_wait3A_205 = tpu.memref_slice %dma_wait3A_202[%dma_wait3A_203, %dma_wait3A_204] : memref<19999x64xbf16, #tpu.memory_space<hbm>> -> memref<19999x64xbf16, #tpu.memory_space<hbm>>
      tpu.wait_indirect_dma semaphore(%arg11 : memref<!tpu.dma_semaphore, #tpu.memory_space<semaphore_mem>>) src(%dma_wait3A_205 : memref<19999x64xbf16, #tpu.memory_space<hbm>>) dst(%dma_wait3A_197 : memref<128x64xbf16, #tpu.memory_space<vmem>>)
      %dma_start3A_206 = arith.constant 2 : i32
      %dma_start3A_207 = arith.constant 1 : i32
      %dma_start3A_208 = arith.constant 0 : i32
      %dma_start3A_209 = arith.constant 0 : i32
      %dma_start3A_210 = tpu.memref_slice %arg7[%dma_start3A_206, %dma_start3A_208, %dma_start3A_209] : memref<6x128x64xbf16, #tpu.memory_space<vmem>> -> memref<1x128x64xbf16, #tpu.memory_space<vmem>>
      %dma_start3A_211 = tpu.memref_squeeze %dma_start3A_210 : memref<1x128x64xbf16, #tpu.memory_space<vmem>> -> memref<128x64xbf16, #tpu.memory_space<vmem>>
      %dma_start3A_212 = arith.constant 0 : i32
      %dma_start3A_213 = tpu.memref_slice %arg6[%add3A_191, %dma_start3A_207, %dma_start3A_212] : memref<157x2x128xi32, #tpu.memory_space<vmem>> -> memref<1x1x128xi32, #tpu.memory_space<vmem>>
      %dma_start3A_214 = tpu.memref_squeeze %dma_start3A_213 : memref<1x1x128xi32, #tpu.memory_space<vmem>> -> memref<128xi32, #tpu.memory_space<vmem>>
      %dma_start3A_215 = arith.constant 0 : i32
      %dma_start3A_216 = arith.constant 0 : i32
      %dma_start3A_217 = tpu.memref_slice %arg8[%dma_start3A_215, %dma_start3A_216] : memref<10000x64xbf16, #tpu.memory_space<vmem_shared>> -> memref<10000x64xbf16, #tpu.memory_space<vmem_shared>>
      tpu.enqueue_indirect_dma source(%dma_start3A_211 : memref<128x64xbf16, #tpu.memory_space<vmem>>) target(%dma_start3A_217 : memref<10000x64xbf16, #tpu.memory_space<vmem_shared>>) offsets(%dma_start3A_214 : memref<128xi32, #tpu.memory_space<vmem>>) semaphore(%arg17 : memref<!tpu.dma_semaphore, #tpu.memory_space<semaphore_mem>>) {add = true}
      %ge3A_218 = arith.constant 3 : i32
      %ge3A_219 = arith.cmpi sge, %add3A_191, %ge3A_218 : i32
      %convert_element_type3A_220 = arith.extui %ge3A_219 : i1 to i32
      %cond3A_221 = arith.constant 0 : i32
      %cond3A_222 = arith.cmpi ne, %convert_element_type3A_220, %cond3A_221 : i32
      scf.if %cond3A_222 {
        %sub3A = arith.constant 3 : i32
        %sub3A_350 = arith.subi %add3A_191, %sub3A : i32
        %dma_wait3A_351 = arith.constant 5 : i32
        %dma_wait3A_352 = arith.constant 1 : i32
        %dma_wait3A_353 = arith.constant 0 : i32
        %dma_wait3A_354 = arith.constant 0 : i32
        %dma_wait3A_355 = tpu.memref_slice %arg7[%dma_wait3A_351, %dma_wait3A_353, %dma_wait3A_354] : memref<6x128x64xbf16, #tpu.memory_space<vmem>> -> memref<1x128x64xbf16, #tpu.memory_space<vmem>>
        %dma_wait3A_356 = tpu.memref_squeeze %dma_wait3A_355 : memref<1x128x64xbf16, #tpu.memory_space<vmem>> -> memref<128x64xbf16, #tpu.memory_space<vmem>>
        %dma_wait3A_357 = arith.constant 0 : i32
        %dma_wait3A_358 = tpu.memref_slice %arg6[%sub3A_350, %dma_wait3A_352, %dma_wait3A_357] : memref<157x2x128xi32, #tpu.memory_space<vmem>> -> memref<1x1x128xi32, #tpu.memory_space<vmem>>
        %dma_wait3A_359 = tpu.memref_squeeze %dma_wait3A_358 : memref<1x1x128xi32, #tpu.memory_space<vmem>> -> memref<128xi32, #tpu.memory_space<vmem>>
        %dma_wait3A_360 = arith.constant 0 : i32
        %dma_wait3A_361 = arith.constant 0 : i32
        %dma_wait3A_362 = tpu.memref_slice %arg8[%dma_wait3A_360, %dma_wait3A_361] : memref<10000x64xbf16, #tpu.memory_space<vmem_shared>> -> memref<10000x64xbf16, #tpu.memory_space<vmem_shared>>
        tpu.wait_indirect_dma semaphore(%arg20 : memref<!tpu.dma_semaphore, #tpu.memory_space<semaphore_mem>>) src(%dma_wait3A_356 : memref<128x64xbf16, #tpu.memory_space<vmem>>) dst(%dma_wait3A_362 : memref<10000x64xbf16, #tpu.memory_space<vmem_shared>>)
      } else {
      }
      %add3A_223 = arith.constant 3 : i32
      %add3A_224 = arith.addi %add3A_191, %add3A_223 : i32
      %lt3A_225 = arith.constant 156 : i32
      %lt3A_226 = arith.cmpi slt, %add3A_224, %lt3A_225 : i32
      %convert_element_type3A_227 = arith.extui %lt3A_226 : i1 to i32
      %cond3A_228 = arith.constant 0 : i32
      %cond3A_229 = arith.cmpi ne, %convert_element_type3A_227, %cond3A_228 : i32
      scf.if %cond3A_229 {
        %add3A_350 = arith.constant 3 : i32
        %add3A_351 = arith.addi %add3A_191, %add3A_350 : i32
        %dma_start3A_352 = arith.constant 0 : i32
        %dma_start3A_353 = arith.constant 5 : i32
        %dma_start3A_354 = arith.constant 0 : i32
        %dma_start3A_355 = arith.constant 0 : i32
        %dma_start3A_356 = tpu.memref_slice %arg7[%dma_start3A_353, %dma_start3A_354, %dma_start3A_355] : memref<6x128x64xbf16, #tpu.memory_space<vmem>> -> memref<1x128x64xbf16, #tpu.memory_space<vmem>>
        %dma_start3A_357 = tpu.memref_squeeze %dma_start3A_356 : memref<1x128x64xbf16, #tpu.memory_space<vmem>> -> memref<128x64xbf16, #tpu.memory_space<vmem>>
        %dma_start3A_358 = arith.constant 0 : i32
        %dma_start3A_359 = tpu.memref_slice %arg6[%add3A_351, %dma_start3A_352, %dma_start3A_358] : memref<157x2x128xi32, #tpu.memory_space<vmem>> -> memref<1x1x128xi32, #tpu.memory_space<vmem>>
        %dma_start3A_360 = tpu.memref_squeeze %dma_start3A_359 : memref<1x1x128xi32, #tpu.memory_space<vmem>> -> memref<128xi32, #tpu.memory_space<vmem>>
        %dma_start3A_361 = arith.constant 0 : i32
        %dma_start3A_362 = tpu.memref_slice %arg2[%arg0, %dma_start3A_361] : memref<20000x64xbf16, #tpu.memory_space<hbm>> -> memref<19999x64xbf16, #tpu.memory_space<hbm>>
        %dma_start3A_363 = arith.constant 0 : i32
        %dma_start3A_364 = arith.constant 0 : i32
        %dma_start3A_365 = tpu.memref_slice %dma_start3A_362[%dma_start3A_363, %dma_start3A_364] : memref<19999x64xbf16, #tpu.memory_space<hbm>> -> memref<19999x64xbf16, #tpu.memory_space<hbm>>
        tpu.enqueue_indirect_dma source(%dma_start3A_365 : memref<19999x64xbf16, #tpu.memory_space<hbm>>) target(%dma_start3A_357 : memref<128x64xbf16, #tpu.memory_space<vmem>>) offsets(%dma_start3A_360 : memref<128xi32, #tpu.memory_space<vmem>>) semaphore(%arg14 : memref<!tpu.dma_semaphore, #tpu.memory_space<semaphore_mem>>)
      } else {
      }
      %add3A_230 = arith.constant 3 : i32
      %add3A_231 = arith.addi %add3A_110, %add3A_230 : i32
      %dma_wait3A_232 = arith.constant 0 : i32
      %dma_wait3A_233 = arith.constant 3 : i32
      %dma_wait3A_234 = arith.constant 0 : i32
      %dma_wait3A_235 = arith.constant 0 : i32
      %dma_wait3A_236 = tpu.memref_slice %arg7[%dma_wait3A_233, %dma_wait3A_234, %dma_wait3A_235] : memref<6x128x64xbf16, #tpu.memory_space<vmem>> -> memref<1x128x64xbf16, #tpu.memory_space<vmem>>
      %dma_wait3A_237 = tpu.memref_squeeze %dma_wait3A_236 : memref<1x128x64xbf16, #tpu.memory_space<vmem>> -> memref<128x64xbf16, #tpu.memory_space<vmem>>
      %dma_wait3A_238 = arith.constant 0 : i32
      %dma_wait3A_239 = tpu.memref_slice %arg6[%add3A_231, %dma_wait3A_232, %dma_wait3A_238] : memref<157x2x128xi32, #tpu.memory_space<vmem>> -> memref<1x1x128xi32, #tpu.memory_space<vmem>>
      %dma_wait3A_240 = tpu.memref_squeeze %dma_wait3A_239 : memref<1x1x128xi32, #tpu.memory_space<vmem>> -> memref<128xi32, #tpu.memory_space<vmem>>
      %dma_wait3A_241 = arith.constant 0 : i32
      %dma_wait3A_242 = tpu.memref_slice %arg2[%arg0, %dma_wait3A_241] : memref<20000x64xbf16, #tpu.memory_space<hbm>> -> memref<19999x64xbf16, #tpu.memory_space<hbm>>
      %dma_wait3A_243 = arith.constant 0 : i32
      %dma_wait3A_244 = arith.constant 0 : i32
      %dma_wait3A_245 = tpu.memref_slice %dma_wait3A_242[%dma_wait3A_243, %dma_wait3A_244] : memref<19999x64xbf16, #tpu.memory_space<hbm>> -> memref<19999x64xbf16, #tpu.memory_space<hbm>>
      tpu.wait_indirect_dma semaphore(%arg12 : memref<!tpu.dma_semaphore, #tpu.memory_space<semaphore_mem>>) src(%dma_wait3A_245 : memref<19999x64xbf16, #tpu.memory_space<hbm>>) dst(%dma_wait3A_237 : memref<128x64xbf16, #tpu.memory_space<vmem>>)
      %dma_start3A_246 = arith.constant 3 : i32
      %dma_start3A_247 = arith.constant 1 : i32
      %dma_start3A_248 = arith.constant 0 : i32
      %dma_start3A_249 = arith.constant 0 : i32
      %dma_start3A_250 = tpu.memref_slice %arg7[%dma_start3A_246, %dma_start3A_248, %dma_start3A_249] : memref<6x128x64xbf16, #tpu.memory_space<vmem>> -> memref<1x128x64xbf16, #tpu.memory_space<vmem>>
      %dma_start3A_251 = tpu.memref_squeeze %dma_start3A_250 : memref<1x128x64xbf16, #tpu.memory_space<vmem>> -> memref<128x64xbf16, #tpu.memory_space<vmem>>
      %dma_start3A_252 = arith.constant 0 : i32
      %dma_start3A_253 = tpu.memref_slice %arg6[%add3A_231, %dma_start3A_247, %dma_start3A_252] : memref<157x2x128xi32, #tpu.memory_space<vmem>> -> memref<1x1x128xi32, #tpu.memory_space<vmem>>
      %dma_start3A_254 = tpu.memref_squeeze %dma_start3A_253 : memref<1x1x128xi32, #tpu.memory_space<vmem>> -> memref<128xi32, #tpu.memory_space<vmem>>
      %dma_start3A_255 = arith.constant 0 : i32
      %dma_start3A_256 = arith.constant 0 : i32
      %dma_start3A_257 = tpu.memref_slice %arg8[%dma_start3A_255, %dma_start3A_256] : memref<10000x64xbf16, #tpu.memory_space<vmem_shared>> -> memref<10000x64xbf16, #tpu.memory_space<vmem_shared>>
      tpu.enqueue_indirect_dma source(%dma_start3A_251 : memref<128x64xbf16, #tpu.memory_space<vmem>>) target(%dma_start3A_257 : memref<10000x64xbf16, #tpu.memory_space<vmem_shared>>) offsets(%dma_start3A_254 : memref<128xi32, #tpu.memory_space<vmem>>) semaphore(%arg18 : memref<!tpu.dma_semaphore, #tpu.memory_space<semaphore_mem>>) {add = true}
      %ge3A_258 = arith.constant 3 : i32
      %ge3A_259 = arith.cmpi sge, %add3A_231, %ge3A_258 : i32
      %convert_element_type3A_260 = arith.extui %ge3A_259 : i1 to i32
      %cond3A_261 = arith.constant 0 : i32
      %cond3A_262 = arith.cmpi ne, %convert_element_type3A_260, %cond3A_261 : i32
      scf.if %cond3A_262 {
        %sub3A = arith.constant 3 : i32
        %sub3A_350 = arith.subi %add3A_231, %sub3A : i32
        %dma_wait3A_351 = arith.constant 0 : i32
        %dma_wait3A_352 = arith.constant 1 : i32
        %dma_wait3A_353 = arith.constant 0 : i32
        %dma_wait3A_354 = arith.constant 0 : i32
        %dma_wait3A_355 = tpu.memref_slice %arg7[%dma_wait3A_351, %dma_wait3A_353, %dma_wait3A_354] : memref<6x128x64xbf16, #tpu.memory_space<vmem>> -> memref<1x128x64xbf16, #tpu.memory_space<vmem>>
        %dma_wait3A_356 = tpu.memref_squeeze %dma_wait3A_355 : memref<1x128x64xbf16, #tpu.memory_space<vmem>> -> memref<128x64xbf16, #tpu.memory_space<vmem>>
        %dma_wait3A_357 = arith.constant 0 : i32
        %dma_wait3A_358 = tpu.memref_slice %arg6[%sub3A_350, %dma_wait3A_352, %dma_wait3A_357] : memref<157x2x128xi32, #tpu.memory_space<vmem>> -> memref<1x1x128xi32, #tpu.memory_space<vmem>>
        %dma_wait3A_359 = tpu.memref_squeeze %dma_wait3A_358 : memref<1x1x128xi32, #tpu.memory_space<vmem>> -> memref<128xi32, #tpu.memory_space<vmem>>
        %dma_wait3A_360 = arith.constant 0 : i32
        %dma_wait3A_361 = arith.constant 0 : i32
        %dma_wait3A_362 = tpu.memref_slice %arg8[%dma_wait3A_360, %dma_wait3A_361] : memref<10000x64xbf16, #tpu.memory_space<vmem_shared>> -> memref<10000x64xbf16, #tpu.memory_space<vmem_shared>>
        tpu.wait_indirect_dma semaphore(%arg15 : memref<!tpu.dma_semaphore, #tpu.memory_space<semaphore_mem>>) src(%dma_wait3A_356 : memref<128x64xbf16, #tpu.memory_space<vmem>>) dst(%dma_wait3A_362 : memref<10000x64xbf16, #tpu.memory_space<vmem_shared>>)
      } else {
      }
      %add3A_263 = arith.constant 3 : i32
      %add3A_264 = arith.addi %add3A_231, %add3A_263 : i32
      %lt3A_265 = arith.constant 156 : i32
      %lt3A_266 = arith.cmpi slt, %add3A_264, %lt3A_265 : i32
      %convert_element_type3A_267 = arith.extui %lt3A_266 : i1 to i32
      %cond3A_268 = arith.constant 0 : i32
      %cond3A_269 = arith.cmpi ne, %convert_element_type3A_267, %cond3A_268 : i32
      scf.if %cond3A_269 {
        %add3A_350 = arith.constant 3 : i32
        %add3A_351 = arith.addi %add3A_231, %add3A_350 : i32
        %dma_start3A_352 = arith.constant 0 : i32
        %dma_start3A_353 = arith.constant 0 : i32
        %dma_start3A_354 = arith.constant 0 : i32
        %dma_start3A_355 = arith.constant 0 : i32
        %dma_start3A_356 = tpu.memref_slice %arg7[%dma_start3A_353, %dma_start3A_354, %dma_start3A_355] : memref<6x128x64xbf16, #tpu.memory_space<vmem>> -> memref<1x128x64xbf16, #tpu.memory_space<vmem>>
        %dma_start3A_357 = tpu.memref_squeeze %dma_start3A_356 : memref<1x128x64xbf16, #tpu.memory_space<vmem>> -> memref<128x64xbf16, #tpu.memory_space<vmem>>
        %dma_start3A_358 = arith.constant 0 : i32
        %dma_start3A_359 = tpu.memref_slice %arg6[%add3A_351, %dma_start3A_352, %dma_start3A_358] : memref<157x2x128xi32, #tpu.memory_space<vmem>> -> memref<1x1x128xi32, #tpu.memory_space<vmem>>
        %dma_start3A_360 = tpu.memref_squeeze %dma_start3A_359 : memref<1x1x128xi32, #tpu.memory_space<vmem>> -> memref<128xi32, #tpu.memory_space<vmem>>
        %dma_start3A_361 = arith.constant 0 : i32
        %dma_start3A_362 = tpu.memref_slice %arg2[%arg0, %dma_start3A_361] : memref<20000x64xbf16, #tpu.memory_space<hbm>> -> memref<19999x64xbf16, #tpu.memory_space<hbm>>
        %dma_start3A_363 = arith.constant 0 : i32
        %dma_start3A_364 = arith.constant 0 : i32
        %dma_start3A_365 = tpu.memref_slice %dma_start3A_362[%dma_start3A_363, %dma_start3A_364] : memref<19999x64xbf16, #tpu.memory_space<hbm>> -> memref<19999x64xbf16, #tpu.memory_space<hbm>>
        tpu.enqueue_indirect_dma source(%dma_start3A_365 : memref<19999x64xbf16, #tpu.memory_space<hbm>>) target(%dma_start3A_357 : memref<128x64xbf16, #tpu.memory_space<vmem>>) offsets(%dma_start3A_360 : memref<128xi32, #tpu.memory_space<vmem>>) semaphore(%arg9 : memref<!tpu.dma_semaphore, #tpu.memory_space<semaphore_mem>>)
      } else {
      }
      %add3A_270 = arith.constant 4 : i32
      %add3A_271 = arith.addi %add3A_110, %add3A_270 : i32
      %dma_wait3A_272 = arith.constant 0 : i32
      %dma_wait3A_273 = arith.constant 4 : i32
      %dma_wait3A_274 = arith.constant 0 : i32
      %dma_wait3A_275 = arith.constant 0 : i32
      %dma_wait3A_276 = tpu.memref_slice %arg7[%dma_wait3A_273, %dma_wait3A_274, %dma_wait3A_275] : memref<6x128x64xbf16, #tpu.memory_space<vmem>> -> memref<1x128x64xbf16, #tpu.memory_space<vmem>>
      %dma_wait3A_277 = tpu.memref_squeeze %dma_wait3A_276 : memref<1x128x64xbf16, #tpu.memory_space<vmem>> -> memref<128x64xbf16, #tpu.memory_space<vmem>>
      %dma_wait3A_278 = arith.constant 0 : i32
      %dma_wait3A_279 = tpu.memref_slice %arg6[%add3A_271, %dma_wait3A_272, %dma_wait3A_278] : memref<157x2x128xi32, #tpu.memory_space<vmem>> -> memref<1x1x128xi32, #tpu.memory_space<vmem>>
      %dma_wait3A_280 = tpu.memref_squeeze %dma_wait3A_279 : memref<1x1x128xi32, #tpu.memory_space<vmem>> -> memref<128xi32, #tpu.memory_space<vmem>>
      %dma_wait3A_281 = arith.constant 0 : i32
      %dma_wait3A_282 = tpu.memref_slice %arg2[%arg0, %dma_wait3A_281] : memref<20000x64xbf16, #tpu.memory_space<hbm>> -> memref<19999x64xbf16, #tpu.memory_space<hbm>>
      %dma_wait3A_283 = arith.constant 0 : i32
      %dma_wait3A_284 = arith.constant 0 : i32
      %dma_wait3A_285 = tpu.memref_slice %dma_wait3A_282[%dma_wait3A_283, %dma_wait3A_284] : memref<19999x64xbf16, #tpu.memory_space<hbm>> -> memref<19999x64xbf16, #tpu.memory_space<hbm>>
      tpu.wait_indirect_dma semaphore(%arg13 : memref<!tpu.dma_semaphore, #tpu.memory_space<semaphore_mem>>) src(%dma_wait3A_285 : memref<19999x64xbf16, #tpu.memory_space<hbm>>) dst(%dma_wait3A_277 : memref<128x64xbf16, #tpu.memory_space<vmem>>)
      %dma_start3A_286 = arith.constant 4 : i32
      %dma_start3A_287 = arith.constant 1 : i32
      %dma_start3A_288 = arith.constant 0 : i32
      %dma_start3A_289 = arith.constant 0 : i32
      %dma_start3A_290 = tpu.memref_slice %arg7[%dma_start3A_286, %dma_start3A_288, %dma_start3A_289] : memref<6x128x64xbf16, #tpu.memory_space<vmem>> -> memref<1x128x64xbf16, #tpu.memory_space<vmem>>
      %dma_start3A_291 = tpu.memref_squeeze %dma_start3A_290 : memref<1x128x64xbf16, #tpu.memory_space<vmem>> -> memref<128x64xbf16, #tpu.memory_space<vmem>>
      %dma_start3A_292 = arith.constant 0 : i32
      %dma_start3A_293 = tpu.memref_slice %arg6[%add3A_271, %dma_start3A_287, %dma_start3A_292] : memref<157x2x128xi32, #tpu.memory_space<vmem>> -> memref<1x1x128xi32, #tpu.memory_space<vmem>>
      %dma_start3A_294 = tpu.memref_squeeze %dma_start3A_293 : memref<1x1x128xi32, #tpu.memory_space<vmem>> -> memref<128xi32, #tpu.memory_space<vmem>>
      %dma_start3A_295 = arith.constant 0 : i32
      %dma_start3A_296 = arith.constant 0 : i32
      %dma_start3A_297 = tpu.memref_slice %arg8[%dma_start3A_295, %dma_start3A_296] : memref<10000x64xbf16, #tpu.memory_space<vmem_shared>> -> memref<10000x64xbf16, #tpu.memory_space<vmem_shared>>
      tpu.enqueue_indirect_dma source(%dma_start3A_291 : memref<128x64xbf16, #tpu.memory_space<vmem>>) target(%dma_start3A_297 : memref<10000x64xbf16, #tpu.memory_space<vmem_shared>>) offsets(%dma_start3A_294 : memref<128xi32, #tpu.memory_space<vmem>>) semaphore(%arg19 : memref<!tpu.dma_semaphore, #tpu.memory_space<semaphore_mem>>) {add = true}
      %ge3A_298 = arith.constant 3 : i32
      %ge3A_299 = arith.cmpi sge, %add3A_271, %ge3A_298 : i32
      %convert_element_type3A_300 = arith.extui %ge3A_299 : i1 to i32
      %cond3A_301 = arith.constant 0 : i32
      %cond3A_302 = arith.cmpi ne, %convert_element_type3A_300, %cond3A_301 : i32
      scf.if %cond3A_302 {
        %sub3A = arith.constant 3 : i32
        %sub3A_350 = arith.subi %add3A_271, %sub3A : i32
        %dma_wait3A_351 = arith.constant 1 : i32
        %dma_wait3A_352 = arith.constant 1 : i32
        %dma_wait3A_353 = arith.constant 0 : i32
        %dma_wait3A_354 = arith.constant 0 : i32
        %dma_wait3A_355 = tpu.memref_slice %arg7[%dma_wait3A_351, %dma_wait3A_353, %dma_wait3A_354] : memref<6x128x64xbf16, #tpu.memory_space<vmem>> -> memref<1x128x64xbf16, #tpu.memory_space<vmem>>
        %dma_wait3A_356 = tpu.memref_squeeze %dma_wait3A_355 : memref<1x128x64xbf16, #tpu.memory_space<vmem>> -> memref<128x64xbf16, #tpu.memory_space<vmem>>
        %dma_wait3A_357 = arith.constant 0 : i32
        %dma_wait3A_358 = tpu.memref_slice %arg6[%sub3A_350, %dma_wait3A_352, %dma_wait3A_357] : memref<157x2x128xi32, #tpu.memory_space<vmem>> -> memref<1x1x128xi32, #tpu.memory_space<vmem>>
        %dma_wait3A_359 = tpu.memref_squeeze %dma_wait3A_358 : memref<1x1x128xi32, #tpu.memory_space<vmem>> -> memref<128xi32, #tpu.memory_space<vmem>>
        %dma_wait3A_360 = arith.constant 0 : i32
        %dma_wait3A_361 = arith.constant 0 : i32
        %dma_wait3A_362 = tpu.memref_slice %arg8[%dma_wait3A_360, %dma_wait3A_361] : memref<10000x64xbf16, #tpu.memory_space<vmem_shared>> -> memref<10000x64xbf16, #tpu.memory_space<vmem_shared>>
        tpu.wait_indirect_dma semaphore(%arg16 : memref<!tpu.dma_semaphore, #tpu.memory_space<semaphore_mem>>) src(%dma_wait3A_356 : memref<128x64xbf16, #tpu.memory_space<vmem>>) dst(%dma_wait3A_362 : memref<10000x64xbf16, #tpu.memory_space<vmem_shared>>)
      } else {
      }
      %add3A_303 = arith.constant 3 : i32
      %add3A_304 = arith.addi %add3A_271, %add3A_303 : i32
      %lt3A_305 = arith.constant 156 : i32
      %lt3A_306 = arith.cmpi slt, %add3A_304, %lt3A_305 : i32
      %convert_element_type3A_307 = arith.extui %lt3A_306 : i1 to i32
      %cond3A_308 = arith.constant 0 : i32
      %cond3A_309 = arith.cmpi ne, %convert_element_type3A_307, %cond3A_308 : i32
      scf.if %cond3A_309 {
        %add3A_350 = arith.constant 3 : i32
        %add3A_351 = arith.addi %add3A_271, %add3A_350 : i32
        %dma_start3A_352 = arith.constant 0 : i32
        %dma_start3A_353 = arith.constant 1 : i32
        %dma_start3A_354 = arith.constant 0 : i32
        %dma_start3A_355 = arith.constant 0 : i32
        %dma_start3A_356 = tpu.memref_slice %arg7[%dma_start3A_353, %dma_start3A_354, %dma_start3A_355] : memref<6x128x64xbf16, #tpu.memory_space<vmem>> -> memref<1x128x64xbf16, #tpu.memory_space<vmem>>
        %dma_start3A_357 = tpu.memref_squeeze %dma_start3A_356 : memref<1x128x64xbf16, #tpu.memory_space<vmem>> -> memref<128x64xbf16, #tpu.memory_space<vmem>>
        %dma_start3A_358 = arith.constant 0 : i32
        %dma_start3A_359 = tpu.memref_slice %arg6[%add3A_351, %dma_start3A_352, %dma_start3A_358] : memref<157x2x128xi32, #tpu.memory_space<vmem>> -> memref<1x1x128xi32, #tpu.memory_space<vmem>>
        %dma_start3A_360 = tpu.memref_squeeze %dma_start3A_359 : memref<1x1x128xi32, #tpu.memory_space<vmem>> -> memref<128xi32, #tpu.memory_space<vmem>>
        %dma_start3A_361 = arith.constant 0 : i32
        %dma_start3A_362 = tpu.memref_slice %arg2[%arg0, %dma_start3A_361] : memref<20000x64xbf16, #tpu.memory_space<hbm>> -> memref<19999x64xbf16, #tpu.memory_space<hbm>>
        %dma_start3A_363 = arith.constant 0 : i32
        %dma_start3A_364 = arith.constant 0 : i32
        %dma_start3A_365 = tpu.memref_slice %dma_start3A_362[%dma_start3A_363, %dma_start3A_364] : memref<19999x64xbf16, #tpu.memory_space<hbm>> -> memref<19999x64xbf16, #tpu.memory_space<hbm>>
        tpu.enqueue_indirect_dma source(%dma_start3A_365 : memref<19999x64xbf16, #tpu.memory_space<hbm>>) target(%dma_start3A_357 : memref<128x64xbf16, #tpu.memory_space<vmem>>) offsets(%dma_start3A_360 : memref<128xi32, #tpu.memory_space<vmem>>) semaphore(%arg10 : memref<!tpu.dma_semaphore, #tpu.memory_space<semaphore_mem>>)
      } else {
      }
      %add3A_310 = arith.constant 5 : i32
      %add3A_311 = arith.addi %add3A_110, %add3A_310 : i32
      %dma_wait3A_312 = arith.constant 0 : i32
      %dma_wait3A_313 = arith.constant 5 : i32
      %dma_wait3A_314 = arith.constant 0 : i32
      %dma_wait3A_315 = arith.constant 0 : i32
      %dma_wait3A_316 = tpu.memref_slice %arg7[%dma_wait3A_313, %dma_wait3A_314, %dma_wait3A_315] : memref<6x128x64xbf16, #tpu.memory_space<vmem>> -> memref<1x128x64xbf16, #tpu.memory_space<vmem>>
      %dma_wait3A_317 = tpu.memref_squeeze %dma_wait3A_316 : memref<1x128x64xbf16, #tpu.memory_space<vmem>> -> memref<128x64xbf16, #tpu.memory_space<vmem>>
      %dma_wait3A_318 = arith.constant 0 : i32
      %dma_wait3A_319 = tpu.memref_slice %arg6[%add3A_311, %dma_wait3A_312, %dma_wait3A_318] : memref<157x2x128xi32, #tpu.memory_space<vmem>> -> memref<1x1x128xi32, #tpu.memory_space<vmem>>
      %dma_wait3A_320 = tpu.memref_squeeze %dma_wait3A_319 : memref<1x1x128xi32, #tpu.memory_space<vmem>> -> memref<128xi32, #tpu.memory_space<vmem>>
      %dma_wait3A_321 = arith.constant 0 : i32
      %dma_wait3A_322 = tpu.memref_slice %arg2[%arg0, %dma_wait3A_321] : memref<20000x64xbf16, #tpu.memory_space<hbm>> -> memref<19999x64xbf16, #tpu.memory_space<hbm>>
      %dma_wait3A_323 = arith.constant 0 : i32
      %dma_wait3A_324 = arith.constant 0 : i32
      %dma_wait3A_325 = tpu.memref_slice %dma_wait3A_322[%dma_wait3A_323, %dma_wait3A_324] : memref<19999x64xbf16, #tpu.memory_space<hbm>> -> memref<19999x64xbf16, #tpu.memory_space<hbm>>
      tpu.wait_indirect_dma semaphore(%arg14 : memref<!tpu.dma_semaphore, #tpu.memory_space<semaphore_mem>>) src(%dma_wait3A_325 : memref<19999x64xbf16, #tpu.memory_space<hbm>>) dst(%dma_wait3A_317 : memref<128x64xbf16, #tpu.memory_space<vmem>>)
      %dma_start3A_326 = arith.constant 5 : i32
      %dma_start3A_327 = arith.constant 1 : i32
      %dma_start3A_328 = arith.constant 0 : i32
      %dma_start3A_329 = arith.constant 0 : i32
      %dma_start3A_330 = tpu.memref_slice %arg7[%dma_start3A_326, %dma_start3A_328, %dma_start3A_329] : memref<6x128x64xbf16, #tpu.memory_space<vmem>> -> memref<1x128x64xbf16, #tpu.memory_space<vmem>>
      %dma_start3A_331 = tpu.memref_squeeze %dma_start3A_330 : memref<1x128x64xbf16, #tpu.memory_space<vmem>> -> memref<128x64xbf16, #tpu.memory_space<vmem>>
      %dma_start3A_332 = arith.constant 0 : i32
      %dma_start3A_333 = tpu.memref_slice %arg6[%add3A_311, %dma_start3A_327, %dma_start3A_332] : memref<157x2x128xi32, #tpu.memory_space<vmem>> -> memref<1x1x128xi32, #tpu.memory_space<vmem>>
      %dma_start3A_334 = tpu.memref_squeeze %dma_start3A_333 : memref<1x1x128xi32, #tpu.memory_space<vmem>> -> memref<128xi32, #tpu.memory_space<vmem>>
      %dma_start3A_335 = arith.constant 0 : i32
      %dma_start3A_336 = arith.constant 0 : i32
      %dma_start3A_337 = tpu.memref_slice %arg8[%dma_start3A_335, %dma_start3A_336] : memref<10000x64xbf16, #tpu.memory_space<vmem_shared>> -> memref<10000x64xbf16, #tpu.memory_space<vmem_shared>>
      tpu.enqueue_indirect_dma source(%dma_start3A_331 : memref<128x64xbf16, #tpu.memory_space<vmem>>) target(%dma_start3A_337 : memref<10000x64xbf16, #tpu.memory_space<vmem_shared>>) offsets(%dma_start3A_334 : memref<128xi32, #tpu.memory_space<vmem>>) semaphore(%arg20 : memref<!tpu.dma_semaphore, #tpu.memory_space<semaphore_mem>>) {add = true}
      %ge3A_338 = arith.constant 3 : i32
      %ge3A_339 = arith.cmpi sge, %add3A_311, %ge3A_338 : i32
      %convert_element_type3A_340 = arith.extui %ge3A_339 : i1 to i32
      %cond3A_341 = arith.constant 0 : i32
      %cond3A_342 = arith.cmpi ne, %convert_element_type3A_340, %cond3A_341 : i32
      scf.if %cond3A_342 {
        %sub3A = arith.constant 3 : i32
        %sub3A_350 = arith.subi %add3A_311, %sub3A : i32
        %dma_wait3A_351 = arith.constant 2 : i32
        %dma_wait3A_352 = arith.constant 1 : i32
        %dma_wait3A_353 = arith.constant 0 : i32
        %dma_wait3A_354 = arith.constant 0 : i32
        %dma_wait3A_355 = tpu.memref_slice %arg7[%dma_wait3A_351, %dma_wait3A_353, %dma_wait3A_354] : memref<6x128x64xbf16, #tpu.memory_space<vmem>> -> memref<1x128x64xbf16, #tpu.memory_space<vmem>>
        %dma_wait3A_356 = tpu.memref_squeeze %dma_wait3A_355 : memref<1x128x64xbf16, #tpu.memory_space<vmem>> -> memref<128x64xbf16, #tpu.memory_space<vmem>>
        %dma_wait3A_357 = arith.constant 0 : i32
        %dma_wait3A_358 = tpu.memref_slice %arg6[%sub3A_350, %dma_wait3A_352, %dma_wait3A_357] : memref<157x2x128xi32, #tpu.memory_space<vmem>> -> memref<1x1x128xi32, #tpu.memory_space<vmem>>
        %dma_wait3A_359 = tpu.memref_squeeze %dma_wait3A_358 : memref<1x1x128xi32, #tpu.memory_space<vmem>> -> memref<128xi32, #tpu.memory_space<vmem>>
        %dma_wait3A_360 = arith.constant 0 : i32
        %dma_wait3A_361 = arith.constant 0 : i32
        %dma_wait3A_362 = tpu.memref_slice %arg8[%dma_wait3A_360, %dma_wait3A_361] : memref<10000x64xbf16, #tpu.memory_space<vmem_shared>> -> memref<10000x64xbf16, #tpu.memory_space<vmem_shared>>
        tpu.wait_indirect_dma semaphore(%arg17 : memref<!tpu.dma_semaphore, #tpu.memory_space<semaphore_mem>>) src(%dma_wait3A_356 : memref<128x64xbf16, #tpu.memory_space<vmem>>) dst(%dma_wait3A_362 : memref<10000x64xbf16, #tpu.memory_space<vmem_shared>>)
      } else {
      }
      %add3A_343 = arith.constant 3 : i32
      %add3A_344 = arith.addi %add3A_311, %add3A_343 : i32
      %lt3A_345 = arith.constant 156 : i32
      %lt3A_346 = arith.cmpi slt, %add3A_344, %lt3A_345 : i32
      %convert_element_type3A_347 = arith.extui %lt3A_346 : i1 to i32
      %cond3A_348 = arith.constant 0 : i32
      %cond3A_349 = arith.cmpi ne, %convert_element_type3A_347, %cond3A_348 : i32
      scf.if %cond3A_349 {
        %add3A_350 = arith.constant 3 : i32
        %add3A_351 = arith.addi %add3A_311, %add3A_350 : i32
        %dma_start3A_352 = arith.constant 0 : i32
        %dma_start3A_353 = arith.constant 2 : i32
        %dma_start3A_354 = arith.constant 0 : i32
        %dma_start3A_355 = arith.constant 0 : i32
        %dma_start3A_356 = tpu.memref_slice %arg7[%dma_start3A_353, %dma_start3A_354, %dma_start3A_355] : memref<6x128x64xbf16, #tpu.memory_space<vmem>> -> memref<1x128x64xbf16, #tpu.memory_space<vmem>>
        %dma_start3A_357 = tpu.memref_squeeze %dma_start3A_356 : memref<1x128x64xbf16, #tpu.memory_space<vmem>> -> memref<128x64xbf16, #tpu.memory_space<vmem>>
        %dma_start3A_358 = arith.constant 0 : i32
        %dma_start3A_359 = tpu.memref_slice %arg6[%add3A_351, %dma_start3A_352, %dma_start3A_358] : memref<157x2x128xi32, #tpu.memory_space<vmem>> -> memref<1x1x128xi32, #tpu.memory_space<vmem>>
        %dma_start3A_360 = tpu.memref_squeeze %dma_start3A_359 : memref<1x1x128xi32, #tpu.memory_space<vmem>> -> memref<128xi32, #tpu.memory_space<vmem>>
        %dma_start3A_361 = arith.constant 0 : i32
        %dma_start3A_362 = tpu.memref_slice %arg2[%arg0, %dma_start3A_361] : memref<20000x64xbf16, #tpu.memory_space<hbm>> -> memref<19999x64xbf16, #tpu.memory_space<hbm>>
        %dma_start3A_363 = arith.constant 0 : i32
        %dma_start3A_364 = arith.constant 0 : i32
        %dma_start3A_365 = tpu.memref_slice %dma_start3A_362[%dma_start3A_363, %dma_start3A_364] : memref<19999x64xbf16, #tpu.memory_space<hbm>> -> memref<19999x64xbf16, #tpu.memory_space<hbm>>
        tpu.enqueue_indirect_dma source(%dma_start3A_365 : memref<19999x64xbf16, #tpu.memory_space<hbm>>) target(%dma_start3A_357 : memref<128x64xbf16, #tpu.memory_space<vmem>>) offsets(%dma_start3A_360 : memref<128xi32, #tpu.memory_space<vmem>>) semaphore(%arg11 : memref<!tpu.dma_semaphore, #tpu.memory_space<semaphore_mem>>)
      } else {
      }
    }
    %scan3A_59 = arith.constant 26 : i32
    %dma_wait3A = arith.constant 3 : i32
    %dma_wait3A_60 = arith.constant 153 : i32
    %dma_wait3A_61 = arith.constant 1 : i32
    %dma_wait3A_62 = arith.constant 0 : i32
    %dma_wait3A_63 = arith.constant 0 : i32
    %dma_wait3A_64 = tpu.memref_slice %arg7[%dma_wait3A, %dma_wait3A_62, %dma_wait3A_63] : memref<6x128x64xbf16, #tpu.memory_space<vmem>> -> memref<1x128x64xbf16, #tpu.memory_space<vmem>>
    %dma_wait3A_65 = tpu.memref_squeeze %dma_wait3A_64 : memref<1x128x64xbf16, #tpu.memory_space<vmem>> -> memref<128x64xbf16, #tpu.memory_space<vmem>>
    %dma_wait3A_66 = arith.constant 0 : i32
    %dma_wait3A_67 = tpu.memref_slice %arg6[%dma_wait3A_60, %dma_wait3A_61, %dma_wait3A_66] : memref<157x2x128xi32, #tpu.memory_space<vmem>> -> memref<1x1x128xi32, #tpu.memory_space<vmem>>
    %dma_wait3A_68 = tpu.memref_squeeze %dma_wait3A_67 : memref<1x1x128xi32, #tpu.memory_space<vmem>> -> memref<128xi32, #tpu.memory_space<vmem>>
    %dma_wait3A_69 = arith.constant 0 : i32
    %dma_wait3A_70 = arith.constant 0 : i32
    %dma_wait3A_71 = tpu.memref_slice %arg8[%dma_wait3A_69, %dma_wait3A_70] : memref<10000x64xbf16, #tpu.memory_space<vmem_shared>> -> memref<10000x64xbf16, #tpu.memory_space<vmem_shared>>
    tpu.wait_indirect_dma semaphore(%arg18 : memref<!tpu.dma_semaphore, #tpu.memory_space<semaphore_mem>>) src(%dma_wait3A_65 : memref<128x64xbf16, #tpu.memory_space<vmem>>) dst(%dma_wait3A_71 : memref<10000x64xbf16, #tpu.memory_space<vmem_shared>>)
    %dma_wait3A_72 = arith.constant 4 : i32
    %dma_wait3A_73 = arith.constant 154 : i32
    %dma_wait3A_74 = arith.constant 1 : i32
    %dma_wait3A_75 = arith.constant 0 : i32
    %dma_wait3A_76 = arith.constant 0 : i32
    %dma_wait3A_77 = tpu.memref_slice %arg7[%dma_wait3A_72, %dma_wait3A_75, %dma_wait3A_76] : memref<6x128x64xbf16, #tpu.memory_space<vmem>> -> memref<1x128x64xbf16, #tpu.memory_space<vmem>>
    %dma_wait3A_78 = tpu.memref_squeeze %dma_wait3A_77 : memref<1x128x64xbf16, #tpu.memory_space<vmem>> -> memref<128x64xbf16, #tpu.memory_space<vmem>>
    %dma_wait3A_79 = arith.constant 0 : i32
    %dma_wait3A_80 = tpu.memref_slice %arg6[%dma_wait3A_73, %dma_wait3A_74, %dma_wait3A_79] : memref<157x2x128xi32, #tpu.memory_space<vmem>> -> memref<1x1x128xi32, #tpu.memory_space<vmem>>
    %dma_wait3A_81 = tpu.memref_squeeze %dma_wait3A_80 : memref<1x1x128xi32, #tpu.memory_space<vmem>> -> memref<128xi32, #tpu.memory_space<vmem>>
    %dma_wait3A_82 = arith.constant 0 : i32
    %dma_wait3A_83 = arith.constant 0 : i32
    %dma_wait3A_84 = tpu.memref_slice %arg8[%dma_wait3A_82, %dma_wait3A_83] : memref<10000x64xbf16, #tpu.memory_space<vmem_shared>> -> memref<10000x64xbf16, #tpu.memory_space<vmem_shared>>
    tpu.wait_indirect_dma semaphore(%arg19 : memref<!tpu.dma_semaphore, #tpu.memory_space<semaphore_mem>>) src(%dma_wait3A_78 : memref<128x64xbf16, #tpu.memory_space<vmem>>) dst(%dma_wait3A_84 : memref<10000x64xbf16, #tpu.memory_space<vmem_shared>>)
    %dma_wait3A_85 = arith.constant 5 : i32
    %dma_wait3A_86 = arith.constant 155 : i32
    %dma_wait3A_87 = arith.constant 1 : i32
    %dma_wait3A_88 = arith.constant 0 : i32
    %dma_wait3A_89 = arith.constant 0 : i32
    %dma_wait3A_90 = tpu.memref_slice %arg7[%dma_wait3A_85, %dma_wait3A_88, %dma_wait3A_89] : memref<6x128x64xbf16, #tpu.memory_space<vmem>> -> memref<1x128x64xbf16, #tpu.memory_space<vmem>>
    %dma_wait3A_91 = tpu.memref_squeeze %dma_wait3A_90 : memref<1x128x64xbf16, #tpu.memory_space<vmem>> -> memref<128x64xbf16, #tpu.memory_space<vmem>>
    %dma_wait3A_92 = arith.constant 0 : i32
    %dma_wait3A_93 = tpu.memref_slice %arg6[%dma_wait3A_86, %dma_wait3A_87, %dma_wait3A_92] : memref<157x2x128xi32, #tpu.memory_space<vmem>> -> memref<1x1x128xi32, #tpu.memory_space<vmem>>
    %dma_wait3A_94 = tpu.memref_squeeze %dma_wait3A_93 : memref<1x1x128xi32, #tpu.memory_space<vmem>> -> memref<128xi32, #tpu.memory_space<vmem>>
    %dma_wait3A_95 = arith.constant 0 : i32
    %dma_wait3A_96 = arith.constant 0 : i32
    %dma_wait3A_97 = tpu.memref_slice %arg8[%dma_wait3A_95, %dma_wait3A_96] : memref<10000x64xbf16, #tpu.memory_space<vmem_shared>> -> memref<10000x64xbf16, #tpu.memory_space<vmem_shared>>
    tpu.wait_indirect_dma semaphore(%arg20 : memref<!tpu.dma_semaphore, #tpu.memory_space<semaphore_mem>>) src(%dma_wait3A_91 : memref<128x64xbf16, #tpu.memory_space<vmem>>) dst(%dma_wait3A_97 : memref<10000x64xbf16, #tpu.memory_space<vmem_shared>>)
    %convert_element_type3A_98 = arith.extui %lt3A_0 : i1 to i32
    %cond3A_99 = arith.constant 0 : i32
    %cond3A_100 = arith.cmpi ne, %convert_element_type3A_98, %cond3A_99 : i32
    scf.if %cond3A_100 {
      %dma_start3A_107 = arith.constant 156 : i32
      %dma_start3A_108 = arith.constant 0 : i32
      %dma_start3A_109 = arith.constant 0 : i32
      %dma_start3A_110 = arith.constant 0 : i32
      %dma_start3A_111 = arith.constant 0 : i32
      %dma_start3A_112 = tpu.memref_slice %arg7[%dma_start3A_109, %dma_start3A_110, %dma_start3A_111] : memref<6x128x64xbf16, #tpu.memory_space<vmem>> -> memref<1x128x64xbf16, #tpu.memory_space<vmem>>
      %dma_start3A_113 = tpu.memref_squeeze %dma_start3A_112 : memref<1x128x64xbf16, #tpu.memory_space<vmem>> -> memref<128x64xbf16, #tpu.memory_space<vmem>>
      %dma_start3A_114 = arith.constant 0 : i32
      %dma_start3A_115 = tpu.memref_slice %arg6[%dma_start3A_107, %dma_start3A_108, %dma_start3A_114] : memref<157x2x128xi32, #tpu.memory_space<vmem>> -> memref<1x1x128xi32, #tpu.memory_space<vmem>>
      %dma_start3A_116 = tpu.memref_squeeze %dma_start3A_115 : memref<1x1x128xi32, #tpu.memory_space<vmem>> -> memref<128xi32, #tpu.memory_space<vmem>>
      %dma_start3A_117 = arith.constant 0 : i32
      %dma_start3A_118 = tpu.memref_slice %arg2[%arg0, %dma_start3A_117] : memref<20000x64xbf16, #tpu.memory_space<hbm>> -> memref<19999x64xbf16, #tpu.memory_space<hbm>>
      %dma_start3A_119 = arith.constant 0 : i32
      %dma_start3A_120 = arith.constant 0 : i32
      %dma_start3A_121 = tpu.memref_slice %dma_start3A_118[%dma_start3A_119, %dma_start3A_120] : memref<19999x64xbf16, #tpu.memory_space<hbm>> -> memref<19999x64xbf16, #tpu.memory_space<hbm>>
      tpu.enqueue_indirect_dma source(%dma_start3A_121 : memref<19999x64xbf16, #tpu.memory_space<hbm>>) target(%dma_start3A_113 : memref<128x64xbf16, #tpu.memory_space<vmem>>) offsets(%dma_start3A_116 : memref<128xi32, #tpu.memory_space<vmem>>) semaphore(%arg9 : memref<!tpu.dma_semaphore, #tpu.memory_space<semaphore_mem>>)
      %dma_wait3A_122 = arith.constant 156 : i32
      %dma_wait3A_123 = arith.constant 0 : i32
      %dma_wait3A_124 = arith.constant 0 : i32
      %dma_wait3A_125 = arith.constant 0 : i32
      %dma_wait3A_126 = arith.constant 0 : i32
      %dma_wait3A_127 = tpu.memref_slice %arg7[%dma_wait3A_124, %dma_wait3A_125, %dma_wait3A_126] : memref<6x128x64xbf16, #tpu.memory_space<vmem>> -> memref<1x128x64xbf16, #tpu.memory_space<vmem>>
      %dma_wait3A_128 = tpu.memref_squeeze %dma_wait3A_127 : memref<1x128x64xbf16, #tpu.memory_space<vmem>> -> memref<128x64xbf16, #tpu.memory_space<vmem>>
      %dma_wait3A_129 = arith.constant 0 : i32
      %dma_wait3A_130 = tpu.memref_slice %arg6[%dma_wait3A_122, %dma_wait3A_123, %dma_wait3A_129] : memref<157x2x128xi32, #tpu.memory_space<vmem>> -> memref<1x1x128xi32, #tpu.memory_space<vmem>>
      %dma_wait3A_131 = tpu.memref_squeeze %dma_wait3A_130 : memref<1x1x128xi32, #tpu.memory_space<vmem>> -> memref<128xi32, #tpu.memory_space<vmem>>
      %dma_wait3A_132 = arith.constant 0 : i32
      %dma_wait3A_133 = tpu.memref_slice %arg2[%arg0, %dma_wait3A_132] : memref<20000x64xbf16, #tpu.memory_space<hbm>> -> memref<19999x64xbf16, #tpu.memory_space<hbm>>
      %dma_wait3A_134 = arith.constant 0 : i32
      %dma_wait3A_135 = arith.constant 0 : i32
      %dma_wait3A_136 = tpu.memref_slice %dma_wait3A_133[%dma_wait3A_134, %dma_wait3A_135] : memref<19999x64xbf16, #tpu.memory_space<hbm>> -> memref<19999x64xbf16, #tpu.memory_space<hbm>>
      tpu.wait_indirect_dma semaphore(%arg9 : memref<!tpu.dma_semaphore, #tpu.memory_space<semaphore_mem>>) src(%dma_wait3A_136 : memref<19999x64xbf16, #tpu.memory_space<hbm>>) dst(%dma_wait3A_128 : memref<128x64xbf16, #tpu.memory_space<vmem>>)
      %dma_start3A_137 = arith.constant 0 : i32
      %dma_start3A_138 = arith.constant 156 : i32
      %dma_start3A_139 = arith.constant 1 : i32
      %dma_start3A_140 = arith.constant 0 : i32
      %dma_start3A_141 = arith.constant 0 : i32
      %dma_start3A_142 = tpu.memref_slice %arg7[%dma_start3A_137, %dma_start3A_140, %dma_start3A_141] : memref<6x128x64xbf16, #tpu.memory_space<vmem>> -> memref<1x128x64xbf16, #tpu.memory_space<vmem>>
      %dma_start3A_143 = tpu.memref_squeeze %dma_start3A_142 : memref<1x128x64xbf16, #tpu.memory_space<vmem>> -> memref<128x64xbf16, #tpu.memory_space<vmem>>
      %dma_start3A_144 = arith.constant 0 : i32
      %dma_start3A_145 = tpu.memref_slice %arg6[%dma_start3A_138, %dma_start3A_139, %dma_start3A_144] : memref<157x2x128xi32, #tpu.memory_space<vmem>> -> memref<1x1x128xi32, #tpu.memory_space<vmem>>
      %dma_start3A_146 = tpu.memref_squeeze %dma_start3A_145 : memref<1x1x128xi32, #tpu.memory_space<vmem>> -> memref<128xi32, #tpu.memory_space<vmem>>
      %dma_start3A_147 = arith.constant 0 : i32
      %dma_start3A_148 = arith.constant 0 : i32
      %dma_start3A_149 = tpu.memref_slice %arg8[%dma_start3A_147, %dma_start3A_148] : memref<10000x64xbf16, #tpu.memory_space<vmem_shared>> -> memref<10000x64xbf16, #tpu.memory_space<vmem_shared>>
      tpu.enqueue_indirect_dma source(%dma_start3A_143 : memref<128x64xbf16, #tpu.memory_space<vmem>>) target(%dma_start3A_149 : memref<10000x64xbf16, #tpu.memory_space<vmem_shared>>) offsets(%dma_start3A_146 : memref<128xi32, #tpu.memory_space<vmem>>) semaphore(%arg15 : memref<!tpu.dma_semaphore, #tpu.memory_space<semaphore_mem>>) {add = true}
      %dma_wait3A_150 = arith.constant 0 : i32
      %dma_wait3A_151 = arith.constant 156 : i32
      %dma_wait3A_152 = arith.constant 1 : i32
      %dma_wait3A_153 = arith.constant 0 : i32
      %dma_wait3A_154 = arith.constant 0 : i32
      %dma_wait3A_155 = tpu.memref_slice %arg7[%dma_wait3A_150, %dma_wait3A_153, %dma_wait3A_154] : memref<6x128x64xbf16, #tpu.memory_space<vmem>> -> memref<1x128x64xbf16, #tpu.memory_space<vmem>>
      %dma_wait3A_156 = tpu.memref_squeeze %dma_wait3A_155 : memref<1x128x64xbf16, #tpu.memory_space<vmem>> -> memref<128x64xbf16, #tpu.memory_space<vmem>>
      %dma_wait3A_157 = arith.constant 0 : i32
      %dma_wait3A_158 = tpu.memref_slice %arg6[%dma_wait3A_151, %dma_wait3A_152, %dma_wait3A_157] : memref<157x2x128xi32, #tpu.memory_space<vmem>> -> memref<1x1x128xi32, #tpu.memory_space<vmem>>
      %dma_wait3A_159 = tpu.memref_squeeze %dma_wait3A_158 : memref<1x1x128xi32, #tpu.memory_space<vmem>> -> memref<128xi32, #tpu.memory_space<vmem>>
      %dma_wait3A_160 = arith.constant 0 : i32
      %dma_wait3A_161 = arith.constant 0 : i32
      %dma_wait3A_162 = tpu.memref_slice %arg8[%dma_wait3A_160, %dma_wait3A_161] : memref<10000x64xbf16, #tpu.memory_space<vmem_shared>> -> memref<10000x64xbf16, #tpu.memory_space<vmem_shared>>
      tpu.wait_indirect_dma semaphore(%arg15 : memref<!tpu.dma_semaphore, #tpu.memory_space<semaphore_mem>>) src(%dma_wait3A_156 : memref<128x64xbf16, #tpu.memory_space<vmem>>) dst(%dma_wait3A_162 : memref<10000x64xbf16, #tpu.memory_space<vmem_shared>>)
    } else {
    }
    %barrier3A_101 = arith.constant 0 : index
    tpu.barrier barrier_id(%barrier3A_101)
    %lt3A_102 = arith.constant 10 : i32
    %lt3A_103 = arith.cmpi slt, %arg1, %lt3A_102 : i32
    %convert_element_type3A_104 = arith.extui %lt3A_103 : i1 to i32
    %cond3A_105 = arith.constant 0 : i32
    %cond3A_106 = arith.cmpi ne, %convert_element_type3A_104, %cond3A_105 : i32
    scf.if %cond3A_106 {
      %mul3A_107 = arith.constant 1000 : i32
      %mul3A_108 = arith.muli %arg1, %mul3A_107 : i32
      %mul3A_109 = arith.constant 64 : i32
      %mul3A_110 = arith.muli %arg0, %mul3A_109 : i32
      "tpu.region"() ({
        %run_scoped3A = tpu.sem_alloc : memref<!tpu.dma_semaphore, #tpu.memory_space<semaphore_mem>>
        %dma_start3A_111 = tpu.memref_slice %arg5[%mul3A_108, %mul3A_110] : memref<10000x128xbf16, #tpu.memory_space<hbm>> -> memref<1000x64xbf16, #tpu.memory_space<hbm>>
        %dma_start3A_112 = arith.constant 0 : i32
        %dma_start3A_113 = tpu.memref_slice %arg8[%mul3A_108, %dma_start3A_112] : memref<10000x64xbf16, #tpu.memory_space<vmem_shared>> -> memref<1000x64xbf16, #tpu.memory_space<vmem_shared>>
        tpu.enqueue_dma source(%dma_start3A_113 : memref<1000x64xbf16, #tpu.memory_space<vmem_shared>>) target(%dma_start3A_111 : memref<1000x64xbf16, #tpu.memory_space<hbm>>) target_semaphore(%run_scoped3A : memref<!tpu.dma_semaphore, #tpu.memory_space<semaphore_mem>>)
        %dma_wait3A_114 = tpu.memref_slice %arg5[%mul3A_108, %mul3A_110] : memref<10000x128xbf16, #tpu.memory_space<hbm>> -> memref<1000x64xbf16, #tpu.memory_space<hbm>>
        %dma_wait3A_115 = arith.constant 0 : i32
        %dma_wait3A_116 = tpu.memref_slice %arg8[%mul3A_108, %dma_wait3A_115] : memref<10000x64xbf16, #tpu.memory_space<vmem_shared>> -> memref<1000x64xbf16, #tpu.memory_space<vmem_shared>>
        tpu.wait_dma2 semaphore(%run_scoped3A : memref<!tpu.dma_semaphore, #tpu.memory_space<semaphore_mem>>) src(%dma_wait3A_116 : memref<1000x64xbf16, #tpu.memory_space<vmem_shared>>) dst(%dma_wait3A_114 : memref<1000x64xbf16, #tpu.memory_space<hbm>>)
        tpu.yield
      }) : () -> ()
    } else {
    }
    return
  }
}

module attributes {stable_mosaic.version = 14 : i64} {
  func.func @body(%arg0: i32, %arg1: memref<1000x128xf32, #tpu.memory_space<vmem>>, %arg2: memref<1000x128xbf16, #tpu.memory_space<vmem>>, %arg3: memref<1000x8xf32, #tpu.memory_space<vmem>>, %arg4: memref<128x128xf32, #tpu.memory_space<vmem>>, %arg5: memref<1x128xf32, #tpu.memory_space<vmem>>, %arg6: memref<1000x128xf32, #tpu.memory_space<vmem>>) attributes {dimension_semantics = [#tpu.dimension_semantics<arbitrary>], iteration_bounds = array<i64: 10>, scalar_prefetch = 0 : i64, scratch_operands = 0 : i64, tpu.core_type = #tpu.core_type<tc>, window_params = [{transform_indices = @transform_0, window_bounds = array<i64: 1000, 128>}, {transform_indices = @transform_1, window_bounds = array<i64: 1000, 128>}, {transform_indices = @transform_2, window_bounds = array<i64: 1000, 8>}, {pipeline_mode = #tpu.pipeline_mode<synchronous>, transform_indices = @transform_3, window_bounds = array<i64: 128, 128>}, {pipeline_mode = #tpu.pipeline_mode<synchronous>, transform_indices = @transform_4, window_bounds = array<i64: 1, 128>}, {transform_indices = @transform_5, window_bounds = array<i64: 1000, 128>}]} {
    %get3A = arith.constant 0 : index
    %get3A_0 = arith.constant 0 : index
    %get3A_1 = vector.load %arg3[%get3A, %get3A_0] : memref<1000x8xf32, #tpu.memory_space<vmem>>, vector<1000x1xf32>
    %gt3A = arith.constant 0.000000e+00 : f32
    %gt3A_2 = vector.broadcast %gt3A : f32 to vector<1000x1xf32>
    %gt3A_3 = arith.cmpf ogt, %get3A_1, %gt3A_2 : vector<1000x1xf32>
    %max3A = arith.constant 1.000000e+00 : f32
    %max3A_4 = vector.broadcast %max3A : f32 to vector<1000x1xf32>
    %max3A_5 = arith.maximumf %get3A_1, %max3A_4 : vector<1000x1xf32>
    %div3A = arith.constant 1.000000e+00 : f32
    %div3A_6 = vector.broadcast %div3A : f32 to vector<1000x1xf32>
    %div3A_7 = arith.divf %div3A_6, %max3A_5 : vector<1000x1xf32>
    %jit3A = arith.constant 0.000000e+00 : f32
    %broadcast_in_dim3A = vector.broadcast %jit3A : f32 to vector<1000x1xf32>
    %select_n3A = arith.select %gt3A_3, %div3A_7, %broadcast_in_dim3A : vector<1000x1xi1>, vector<1000x1xf32>
    %get3A_8 = arith.constant 0 : index
    %get3A_9 = arith.constant 0 : index
    %get3A_10 = vector.load %arg1[%get3A_8, %get3A_9] : memref<1000x128xf32, #tpu.memory_space<vmem>>, vector<1000x128xf32>
    %get3A_11 = arith.constant 0 : index
    %get3A_12 = arith.constant 0 : index
    %get3A_13 = vector.load %arg2[%get3A_11, %get3A_12] : memref<1000x128xbf16, #tpu.memory_space<vmem>>, vector<1000x128xbf16>
    %convert_element_type3A = arith.extf %get3A_13 : vector<1000x128xbf16> to vector<1000x128xf32>
    %mul3A = vector.broadcast %select_n3A : vector<1000x1xf32> to vector<1000x128xf32>
    %mul3A_14 = arith.mulf %convert_element_type3A, %mul3A : vector<1000x128xf32>
    %add3A = arith.addf %get3A_10, %mul3A_14 : vector<1000x128xf32>
    %get3A_15 = arith.constant 0 : index
    %get3A_16 = arith.constant 0 : index
    %get3A_17 = vector.load %arg4[%get3A_15, %get3A_16] : memref<128x128xf32, #tpu.memory_space<vmem>>, vector<128x128xf32>
    %dot_general3A = arith.constant dense<0.000000e+00> : vector<1000x128xf32>
    %dot_general3A_18 = tpu.matmul %add3A, %get3A_17, %dot_general3A {dimension_numbers = #tpu.dot_dimension_numbers<[1], [1], [0], [0], [0, 0, 1, 0], [], []>, transpose_lhs_hint = false} : vector<1000x128xf32>, vector<128x128xf32>, vector<1000x128xf32> -> vector<1000x128xf32>
    %get3A_19 = arith.constant 0 : index
    %get3A_20 = arith.constant 0 : index
    %get3A_21 = vector.load %arg5[%get3A_19, %get3A_20] : memref<1x128xf32, #tpu.memory_space<vmem>>, vector<1x128xf32>
    %add3A_22 = vector.broadcast %get3A_21 : vector<1x128xf32> to vector<1000x128xf32>
    %add3A_23 = arith.addf %dot_general3A_18, %add3A_22 : vector<1000x128xf32>
    %max3A_24 = arith.constant 0.000000e+00 : f32
    %max3A_25 = vector.broadcast %max3A_24 : f32 to vector<1000x128xf32>
    %max3A_26 = arith.maximumf %add3A_23, %max3A_25 : vector<1000x128xf32>
    %swap3A = arith.constant 0 : index
    %swap3A_27 = arith.constant 0 : index
    %swap3A_28 = vector.load %arg6[%swap3A, %swap3A_27] : memref<1000x128xf32, #tpu.memory_space<vmem>>, vector<1000x128xf32>
    tpu.vector_store %arg6[%swap3A, %swap3A_27], %max3A_26 {strides = array<i32>} : memref<1000x128xf32, #tpu.memory_space<vmem>>, vector<1000x128xf32>,
    return
  }
  func.func @transform_0(%arg0: i32) -> (i32, i32) {
    %c0_i32 = arith.constant 0 : i32
    %c0_i32_0 = arith.constant 0 : i32
    return %arg0, %c0_i32 : i32, i32
  }
  func.func @transform_1(%arg0: i32) -> (i32, i32) {
    %c0_i32 = arith.constant 0 : i32
    %c0_i32_0 = arith.constant 0 : i32
    return %arg0, %c0_i32 : i32, i32
  }
  func.func @transform_2(%arg0: i32) -> (i32, i32) {
    %c0_i32 = arith.constant 0 : i32
    %c0_i32_0 = arith.constant 0 : i32
    return %arg0, %c0_i32 : i32, i32
  }
  func.func @transform_3(%arg0: i32) -> (i32, i32) {
    %c0_i32 = arith.constant 0 : i32
    %c0_i32_0 = arith.constant 0 : i32
    %c0_i32_1 = arith.constant 0 : i32
    return %c0_i32, %c0_i32_0 : i32, i32
  }
  func.func @transform_4(%arg0: i32) -> (i32, i32) {
    %c0_i32 = arith.constant 0 : i32
    %c0_i32_0 = arith.constant 0 : i32
    %c0_i32_1 = arith.constant 0 : i32
    return %c0_i32, %c0_i32_0 : i32, i32
  }
  func.func @transform_5(%arg0: i32) -> (i32, i32) {
    %c0_i32 = arith.constant 0 : i32
    %c0_i32_0 = arith.constant 0 : i32
    return %arg0, %c0_i32 : i32, i32
  }
}

module attributes {stable_mosaic.version = 14 : i64} {
  func.func @body(%arg0: i32, %arg1: memref<1000x128xf32, #tpu.memory_space<vmem>>, %arg2: memref<1000x128xbf16, #tpu.memory_space<vmem>>, %arg3: memref<1000x8xf32, #tpu.memory_space<vmem>>, %arg4: memref<128x128xf32, #tpu.memory_space<vmem>>, %arg5: memref<1x128xf32, #tpu.memory_space<vmem>>, %arg6: memref<1000x128xf32, #tpu.memory_space<vmem>>) attributes {dimension_semantics = [#tpu.dimension_semantics<arbitrary>], iteration_bounds = array<i64: 10>, scalar_prefetch = 0 : i64, scratch_operands = 0 : i64, tpu.core_type = #tpu.core_type<tc>, window_params = [{transform_indices = @transform_0, window_bounds = array<i64: 1000, 128>}, {transform_indices = @transform_1, window_bounds = array<i64: 1000, 128>}, {transform_indices = @transform_2, window_bounds = array<i64: 1000, 8>}, {pipeline_mode = #tpu.pipeline_mode<synchronous>, transform_indices = @transform_3, window_bounds = array<i64: 128, 128>}, {pipeline_mode = #tpu.pipeline_mode<synchronous>, transform_indices = @transform_4, window_bounds = array<i64: 1, 128>}, {transform_indices = @transform_5, window_bounds = array<i64: 1000, 128>}]} {
    %get3A = arith.constant 0 : index
    %get3A_0 = arith.constant 0 : index
    %get3A_1 = vector.load %arg3[%get3A, %get3A_0] : memref<1000x8xf32, #tpu.memory_space<vmem>>, vector<1000x1xf32>
    %gt3A = arith.constant 0.000000e+00 : f32
    %gt3A_2 = vector.broadcast %gt3A : f32 to vector<1000x1xf32>
    %gt3A_3 = arith.cmpf ogt, %get3A_1, %gt3A_2 : vector<1000x1xf32>
    %max3A = arith.constant 1.000000e+00 : f32
    %max3A_4 = vector.broadcast %max3A : f32 to vector<1000x1xf32>
    %max3A_5 = arith.maximumf %get3A_1, %max3A_4 : vector<1000x1xf32>
    %div3A = arith.constant 1.000000e+00 : f32
    %div3A_6 = vector.broadcast %div3A : f32 to vector<1000x1xf32>
    %div3A_7 = arith.divf %div3A_6, %max3A_5 : vector<1000x1xf32>
    %jit3A = arith.constant 0.000000e+00 : f32
    %broadcast_in_dim3A = vector.broadcast %jit3A : f32 to vector<1000x1xf32>
    %select_n3A = arith.select %gt3A_3, %div3A_7, %broadcast_in_dim3A : vector<1000x1xi1>, vector<1000x1xf32>
    %get3A_8 = arith.constant 0 : index
    %get3A_9 = arith.constant 0 : index
    %get3A_10 = vector.load %arg1[%get3A_8, %get3A_9] : memref<1000x128xf32, #tpu.memory_space<vmem>>, vector<1000x128xf32>
    %get3A_11 = arith.constant 0 : index
    %get3A_12 = arith.constant 0 : index
    %get3A_13 = vector.load %arg2[%get3A_11, %get3A_12] : memref<1000x128xbf16, #tpu.memory_space<vmem>>, vector<1000x128xbf16>
    %convert_element_type3A = arith.extf %get3A_13 : vector<1000x128xbf16> to vector<1000x128xf32>
    %mul3A = vector.broadcast %select_n3A : vector<1000x1xf32> to vector<1000x128xf32>
    %mul3A_14 = arith.mulf %convert_element_type3A, %mul3A : vector<1000x128xf32>
    %add3A = arith.addf %get3A_10, %mul3A_14 : vector<1000x128xf32>
    %get3A_15 = arith.constant 0 : index
    %get3A_16 = arith.constant 0 : index
    %get3A_17 = vector.load %arg4[%get3A_15, %get3A_16] : memref<128x128xf32, #tpu.memory_space<vmem>>, vector<128x128xf32>
    %dot_general3A = arith.constant dense<0.000000e+00> : vector<1000x128xf32>
    %dot_general3A_18 = tpu.matmul %add3A, %get3A_17, %dot_general3A {dimension_numbers = #tpu.dot_dimension_numbers<[1], [1], [0], [0], [0, 0, 1, 0], [], []>, transpose_lhs_hint = false} : vector<1000x128xf32>, vector<128x128xf32>, vector<1000x128xf32> -> vector<1000x128xf32>
    %get3A_19 = arith.constant 0 : index
    %get3A_20 = arith.constant 0 : index
    %get3A_21 = vector.load %arg5[%get3A_19, %get3A_20] : memref<1x128xf32, #tpu.memory_space<vmem>>, vector<1x128xf32>
    %add3A_22 = vector.broadcast %get3A_21 : vector<1x128xf32> to vector<1000x128xf32>
    %add3A_23 = arith.addf %dot_general3A_18, %add3A_22 : vector<1000x128xf32>
    %max3A_24 = arith.constant 0.000000e+00 : f32
    %max3A_25 = vector.broadcast %max3A_24 : f32 to vector<1000x128xf32>
    %max3A_26 = arith.maximumf %add3A_23, %max3A_25 : vector<1000x128xf32>
    %swap3A = arith.constant 0 : index
    %swap3A_27 = arith.constant 0 : index
    %swap3A_28 = vector.load %arg6[%swap3A, %swap3A_27] : memref<1000x128xf32, #tpu.memory_space<vmem>>, vector<1000x128xf32>
    tpu.vector_store %arg6[%swap3A, %swap3A_27], %max3A_26 {strides = array<i32>} : memref<1000x128xf32, #tpu.memory_space<vmem>>, vector<1000x128xf32>,
    return
  }
  func.func @transform_0(%arg0: i32) -> (i32, i32) {
    %c0_i32 = arith.constant 0 : i32
    %c0_i32_0 = arith.constant 0 : i32
    return %arg0, %c0_i32 : i32, i32
  }
  func.func @transform_1(%arg0: i32) -> (i32, i32) {
    %c0_i32 = arith.constant 0 : i32
    %c0_i32_0 = arith.constant 0 : i32
    return %arg0, %c0_i32 : i32, i32
  }
  func.func @transform_2(%arg0: i32) -> (i32, i32) {
    %c0_i32 = arith.constant 0 : i32
    %c0_i32_0 = arith.constant 0 : i32
    return %arg0, %c0_i32 : i32, i32
  }
  func.func @transform_3(%arg0: i32) -> (i32, i32) {
    %c0_i32 = arith.constant 0 : i32
    %c0_i32_0 = arith.constant 0 : i32
    %c0_i32_1 = arith.constant 0 : i32
    return %c0_i32, %c0_i32_0 : i32, i32
  }
  func.func @transform_4(%arg0: i32) -> (i32, i32) {
    %c0_i32 = arith.constant 0 : i32
    %c0_i32_0 = arith.constant 0 : i32
    %c0_i32_1 = arith.constant 0 : i32
    return %c0_i32, %c0_i32_0 : i32, i32
  }
  func.func @transform_5(%arg0: i32) -> (i32, i32) {
    %c0_i32 = arith.constant 0 : i32
    %c0_i32_0 = arith.constant 0 : i32
    return %arg0, %c0_i32 : i32, i32
  }
}

</mosaic_0001>

<sc_bundles>
// kernel: kernel.6.cloned.1.call-start
scs
__scs_entry_jumppad:
0x0: {  	(pc) =	sbr.rel $0x88, $3  }
0x1: {  	(tag) =	ssettag $0x0;
	lr =	simm.s32 $0x1  }
0x2: {  	[smem:$0x3F9B] =	sst lr;
	_ =	strace $0xD0000000  }
0x3: {  	_ = 	snop  }
0x4: {  	_ = 	snop  }
0x5: {  	_ = 	snop  }
0x6: {  	_ = 	snop  }
0x7: {  	_ = 	snop  }
__scs_overlays_trampoline_lowered:
0x8: {  	[smem:$0x3FAA] =	sst s0  }
0x9: {  	[smem:$0x3FAB] =	sst s1  }
0xa: {  	[smem:$0x3FAC] =	sst s2  }
0xb: {  	[smem:$0x3FAD] =	sst s3  }
0xc: {  	[smem:$0x3FAE] =	sst s4  }
0xd: {  	[smem:$0x3FAF] =	sst s5  }
0xe: {  	[smem:$0x3FB0] =	sst s6  }
0xf: {  	[smem:$0x3FB1] =	sst s7  }
0x10: {  	[smem:$0x3FB2] =	sst s8  }
0x11: {  	[smem:$0x3FB3] =	sst s9;
	s0 =	simm.s32 @!p0 $0x0  }
0x12: {  	s1 =	sld [smem:$0x3F99];
	s0 =	simm.s32 @p0 $0x1  }
0x13: {  	[smem:$0x3FB4] =	sst s0;
	s0 =	simm.s32 @!p1 $0x0  }
0x14: {  	s2 =	sld [smem:$0x3F98];
	s0 =	simm.s32 @p1 $0x1  }
0x15: {  	[smem:$0x3FB5] =	sst s0;
	s0 =	simm.s32 @!p2 $0x0  }
0x16: {  	s3 =	sld [smem:$0x3FDB];
	s0 =	simm.s32 @p2 $0x1  }
0x17: {  	s4 =	simm.s32 $0x1BF5;
	[smem:$0x3FB7] =	sst s0  }
0x18: {  	s0 =	sld [smem:$0x3F9A];
	_ =	swait.ge [sflag:s4], $0x0  }
0x19: {  	s7 =	sld [smem:$0x3F9B]  }
0x1a: {  	s8 =	sadd.s32 $0xFFFFE003, lr  }
0x1b: {  	s9 =	sadd.s32 $0xFFFFFEF7, lr;
	s5 =	simm.s32 $0xFFFFFFFF;
	p2 =	slt.u32 s8, $0xFFFFF086  }
0x1c: {  	p1 =	slt.u32 s9, $0xF7A;
	s5 =	simm.s32 @!p2 $0x0  }
0x1d: {  	s5 =	simm.s32 @p1 $0x1;
	p0 =	seq.s32 s7, s2  }
0x1e: {  	s7 =	smul.u32 @!p0 $0xF7A, s2;
	p2 =	seq.s32 @!p0 s5, $0x0  }
0x1f: {  	s9 =	smul.u32 $0xF7A, s1;
	s8 =	simm.s32 @!p0 $0x1BF5;
	p2 =	por !p2, p0  }
0x20: {  	[sflag:s8] =	ssyncset.s32 @!p0 $0xFFFFF086;
	s6 =	sadd.s32 @!p0 s3, s7;
	s7 =	simm.s32 @!p0 $0x108  }
0x21: {  	s3 =	sadd.s32 s3, s9;
	s6 =	sadd.s32 @!p0 $0x88, s6;
	s7 =	simm.s32 @p2 $0x1082  }
0x22: {  	[simem:s7], [sflag:s8] =	dma.local @!p0 [hbm:s6], $0xF7A  }
0x23: {  	s9 =	sor.u32 $0xD0000000, s2;
	s6 =	simm.s32 $0x108;
	_ =	swait.ge @!p0 [sflag:s8], $0x0  }
0x24: {  	s3 =	sadd.s32 $0x88, s3;
	s6 =	simm.s32 @!p1 $0x1082;
	[sflag:s4] =	ssyncset.s32 $0xFFFFF086  }
0x25: {  	[simem:s6], [sflag:s4] =	dma.local [hbm:s3], $0xF7A  }
0x26: {  	[smem:$0x3F9B] =	sst s1;
	(tag) =	ssettag s2;
	_ =	strace s9  }
0x27: {  	s1 =	sld [smem:$0x3FAB]  }
0x28: {  	s2 =	sld [smem:$0x3FAC]  }
0x29: {  	s4 =	sld [smem:$0x3FAE]  }
0x2a: {  	p0 =	seq.s32 s5, $0x0;
	s5 =	sld [smem:$0x3FAF]  }
0x2b: {  	s6 =	sld [smem:$0x3FB0]  }
0x2c: {  	s7 =	sld [smem:$0x3FB1]  }
0x2d: {  	s3 =	simm.s32 $0x108;
	s8 =	sld [smem:$0x3FB2]  }
0x2e: {  	s3 =	simm.s32 @!p0 $0x1082;
	s9 =	sld [smem:$0x3FB3]  }
0x2f: {  	lr =	sadd.s32 s0, s3;
	s0 =	sld [smem:$0x3FAA]  }
0x30: {  	s3 =	sld [smem:$0x3FAD]  }
0x31: {  	[smem:$0x3FB6] =	sst s10  }
0x32: {  	s10 =	sld [smem:$0x3FB4];
	_ =	sdelay $0x3  }
0x33: {  	p0 =	seq.s32 s10, $0x1;
	s10 =	sld [smem:$0x3FB6];
	_ =	sdelay $0x3  }
0x34: {  	[smem:$0x3FB6] =	sst s10  }
0x35: {  	s10 =	sld [smem:$0x3FB5];
	_ =	sdelay $0x3  }
0x36: {  	p1 =	seq.s32 s10, $0x1;
	s10 =	sld [smem:$0x3FB6];
	_ =	sdelay $0x3  }
0x37: {  	[smem:$0x3FB6] =	sst s10  }
0x38: {  	s10 =	sld [smem:$0x3FB7]  }
0x39: {  	_ = 	snop;
	(pc) =	sbr.ind lr, $3  }
0x3a: {  	_ = 	snop  }
0x3b: {  	_ = 	snop  }
0x3c: {  	p2 =	seq.s32 s10, $0x1;
	s10 =	sld [smem:$0x3FB6]  }
0x3d: {  	_ =	shalt  }
0x3e: {  	_ =	shalt  }
0x3f: {  	_ =	shalt  }
0x40: {  	_ =	shalt  }
0x41: {  	_ =	shalt  }
0x42: {  	_ =	shalt  }
0x43: {  	_ =	shalt  }
0x44: {  	_ =	shalt  }
0x45: {  	_ =	shalt  }
0x46: {  	_ =	shalt  }
0x47: {  	_ =	shalt  }
0x48: {  	_ =	shalt  }
0x49: {  	_ =	shalt  }
0x4a: {  	_ =	shalt  }
0x4b: {  	_ =	shalt  }
0x4c: {  	_ =	shalt  }
0x4d: {  	_ =	shalt  }
0x4e: {  	_ =	shalt  }
0x4f: {  	_ =	shalt  }
0x50: {  	_ =	shalt  }
0x51: {  	_ =	shalt  }
0x52: {  	_ =	shalt  }
0x53: {  	_ =	shalt  }
0x54: {  	_ =	shalt  }
0x55: {  	_ =	shalt  }
0x56: {  	_ =	shalt  }
0x57: {  	_ =	shalt  }
0x58: {  	_ =	shalt  }
0x59: {  	_ =	shalt  }
0x5a: {  	_ =	shalt  }
0x5b: {  	_ =	shalt  }
0x5c: {  	_ =	shalt  }
0x5d: {  	_ =	shalt  }
0x5e: {  	_ =	shalt  }
0x5f: {  	_ =	shalt  }
0x60: {  	_ =	shalt  }
0x61: {  	_ =	shalt  }
0x62: {  	_ =	shalt  }
0x63: {  	_ =	shalt  }
0x64: {  	_ =	shalt  }
0x65: {  	_ =	shalt  }
0x66: {  	_ =	shalt  }
0x67: {  	_ =	shalt  }
0x68: {  	_ =	shalt  }
0x69: {  	_ =	shalt  }
0x6a: {  	_ =	shalt  }
0x6b: {  	_ =	shalt  }
0x6c: {  	_ =	shalt  }
0x6d: {  	_ =	shalt  }
0x6e: {  	_ =	shalt  }
0x6f: {  	_ =	shalt  }
0x70: {  	_ =	shalt  }
0x71: {  	_ =	shalt  }
0x72: {  	_ =	shalt  }
0x73: {  	_ =	shalt  }
0x74: {  	_ =	shalt  }
0x75: {  	_ =	shalt  }
0x76: {  	_ =	shalt  }
0x77: {  	_ =	shalt  }
0x78: {  	_ =	shalt  }
0x79: {  	_ =	shalt  }
0x7a: {  	_ =	shalt  }
0x7b: {  	_ =	shalt  }
0x7c: {  	_ =	shalt  }
0x7d: {  	_ =	shalt  }
0x7e: {  	_ =	shalt  }
0x7f: {  	_ =	shalt  }
0x80: {  	_ =	shalt  }
0x81: {  	_ =	shalt  }
0x82: {  	_ =	shalt  }
0x83: {  	_ =	shalt  }
0x84: {  	_ =	shalt  }
0x85: {  	_ =	shalt  }
0x86: {  	_ =	shalt  }
0x87: {  	_ =	shalt  }
.Lfunc_end0:
.L_simem_size_0:
called_computation_lowered:
.L_overlay_start_0:
0x88: {  	s2 =	sld [smem:$0x3FD9]  }
0x89: {  	s3 =	sld [smem:$0x3FFE];
	_ =	sdelay $0x1  }
0x8a: {  	s1 =	srdreg.scid  }
0x8b: {  	s0 =	sand.u32 $0x1, s1  }
0x8c: {  	s17 =	sshll.u32 s0, $0xA;
	s2 =	sadd.s32 s3, s2  }
0x8d: {  	s2 =	sadd.s32 s2, s17  }
0x8e: {  	[smem:$0x3FC2] =	sst s2  }
0x8f: {  	_ = 	snop  }
0x90: {  	s2 =	sld [smem:$0x3FC8]  }
0x91: {  	s18 =	sld [smem:$0x3FD0];
	(tm) =	ssettm $0x1  }
0x92: {  	s4 =	sld [smem:$0x3FFB];
	_ =	sdelay $0x3  }
0x93: {  	_ =	strace s4  }
0x94: {  	s4 =	sld [smem:$0x3FFC];
	_ =	sdelay $0x3  }
0x95: {  	_ =	strace s4  }
0x96: {  	s4 =	sld [smem:$0x3FFD];
	_ =	sdelay $0x3  }
0x97: {  	_ =	strace s4  }
0x98: {  	_ =	strace $0x8FFFFFFF  }
0x99: {  	s19 =	sld [smem:$0x3FDB];
	_ =	sdelay $0x1  }
0x9a: {  	s5 =	simm.s32 $_scs_section_size  }
0x9b: {  	s6 =	simm.s32 $_size__tile_overlayer_lowered;
	s7 =	simm.s32 $_tile_overlayer_lowered  }
0x9c: {  	s22 =	simm.s32 $0x1BFF;
	s21 =	sshll.u32 s7, $0x1;
	s4 =	sadd.s32 s5, s19  }
0x9d: {  	s8 =	simm.s32 $0x0;
	s20 =	sshll.u32 s6, $0x1;
	s6 =	sadd.s32 s21, s4  }
0x9e: {  	[timem:s8], [sflag:s22] =	dma.local [hbm:s6], s20  }
0x9f: {  	_ =	swait.ge [sflag:s22], s20  }
0xa0: {  	s5 =	ssub.s32 $0x0, s20;
	[sflag:s22] =	ssyncset.done $0x0  }
0xa1: {  	[sflag:s22] =	ssyncadd.s32 s5;
	_ =	sdelay $0x1  }
0xa2: {  	s23 =	simm.s32 $0x1B8B  }
0xa3: {  	_ =	swait.ge [sflag:s23], $0x1  }
0xa4: {  	[sflag:s23] =	ssyncset.done $0x0  }
0xa5: {  	s25 =	simm.s32 $0x1B8E;
	s24 =	sld [smem:$0x3FFE];
	[sflag:s23] =	ssyncadd.s32 $0xFFFFFFFF  }
0xa6: {  	s26 =	simm.s32 $execute0_lowered;
	[smem:$0x3FD2] =	sst s25  }
0xa7: {  	s6 =	sshll.u32 s26, $0x1;
	_ =	strace $0x80000046;
	[dreg:$0x1] =	wrdreg $0xFFFFFFFF  }
0xa8: {  	s28 =	simm.s32 $_size_execute0_lowered;
	s4 =	sadd.s32 s4, s6;
	[dreg:$0x0] =	wrdreg $0x0  }
0xa9: {  	s6 =	sshll.u32 s28, $0x1;
	[dreg:$0x2] =	wrdreg s4  }
0xaa: {  	[dreg:$0x3] =	wrdreg s6  }
0xab: {  	[dreg:$0x4] =	wrdreg $0xC0  }
0xac: {  	_ =	task [dreg:s8], $0x5FFFF  }
0xad: {  	[dreg:$0x1] =	wrdreg $0xFFFFFFFF  }
0xae: {  	[dreg:$0x0] =	wrdreg $0x60  }
0xaf: {  	[dreg:$0x2] =	wrdreg s18  }
0xb0: {  	[dreg:$0x3] =	wrdreg s2  }
0xb1: {  	[dreg:$0x4] =	wrdreg s24  }
0xb2: {  	[dreg:$0x5] =	wrdreg $0xFD000  }
0xb3: {  	[dreg:$0x6] =	wrdreg $0x14F200  }
0xb4: {  	[dreg:$0x7] =	wrdreg $0x9  }
0xb5: {  	_ =	task.clear_ibuf [dreg:s8], $0x8FFFF;
	_ =	strace $0x90000046  }
0xb6: {  	s29 =	simm.s32 $0x9;
	_ =	strace $0x80000048  }
0xb7: {  	_ =	swait.ge [sflag:s29], $0x1  }
0xb8: {  	[sflag:s29] =	ssyncadd.s32 $0xFFFFFFFF  }
0xb9: {  	_ =	strace $0x90000048  }
0xba: {  	_ =	sfence  }
0xbb: {  	s30 =	sld [smem:$0x0];
	_ =	sdelay $0x2  }
0xbc: {  	s31 =	sshll.u32 s1, $0xD;
	s1 =	sshrl.u32 s1, $0x2  }
0xbd: {  	s3 =	sand.u32 $0x4000, s31;
	s1 =	sadd.s32 s1, s30  }
0xbe: {  	s0 =	sor.u32 s3, s0;
	s1 =	sshll.u32 s1, $0x11  }
0xbf: {  	s0 =	sor.u32 s1, s0  }
0xc0: {  	s0 =	sadd.s32 $0x8F2B, s0  }
0xc1: {  	[sflag:s0] =	ssyncadd.remote.s32 $0x1  }
0xc2: {  	_ =	sfence.sel $0xFFFF  }
0xc3: {  	[dreg:$0x0] =	wrdreg $0xFFFFFFFF;
	(pc) =	sbr.abs _section_cstart, $3  }
0xc4: {  	[dreg:$0x1] =	wrdreg $0xFFFFFFFF  }
0xc5: {  	_ =	task.clear_ibuf [dreg:s8], $0x2FFFF;
	_ =	strace $0x9FFFFFFF  }
0xc6: {  	(tm) =	ssettm $0x7FFFFFFF  }
0xc7: {  	_ =	shalt  }
tec
execute0_lowered:
.L_overlay_start_1:
0x0: {  	(tag) =	ssettag $0x1  }
0x1: {  	s0 =	rddreg [dreg:$0x0]  }
0x2: {  	s3 =	rddreg [dreg:$0x1]  }
0x3: {  	s4 =	rddreg [dreg:$0x2]  }
0x4: {  	s1 =	rddreg [dreg:$0x3]  }
0x5: {  	s2 =	rddreg [dreg:$0x4]  }
0x6: {  	s6 =	simm.s32 $0x0;
	s5 =	srdreg.scid;
	s13 =	stileid.u32  }
0x7: {  	s28 =	simm.s32 $0xCD00;
	s29 =	simm.s32 $0x2;
	s30 =	simm.s32 $0xDD00  }
0x8: {  	s31 =	simm.s32 $0x3;
	[smem:$0x7FF] =	sst s6;
	s15 =	smul.u32 $0x1F400, s13  }
0x9: {  	s5 =	sand.u32 $0x1, s5;
	s8 =	smul.u32 $0x1F40, s13;
	s9 =	sadd.s32 $0x1800, s4  }
0xa: {  	s16 =	sadd.s32 $0xB800, s4;
	s17 =	sadd.s32 $0xB600, s4;
	s11 =	smul.u32 $0x1380, s13  }
0xb: {  	s12 =	sshll.u32 s13, $0x5;
	_ =	strace $0x80000047;
	[dreg:$0x6] =	wrdreg s9  }
0xc: {  	p0 =	sne.s32 s13, $0x0;
	p2 =	sgt.u32 s13, $0x3;
	[dreg:$0x7] =	wrdreg s16  }
0xd: {  	p4 =	sgt.u32 s13, $0x9;
	s7 =	sshll.u32 s5, $0x6;
	[dreg:$0x8] =	wrdreg s17  }
0xe: {  	s19 =	ssub.s32 $0x2, s5;
	s20 =	sadd.s32 s12, s3;
	s21 =	sshll.u32 s5, $0x2  }
0xf: {  	p1 =	sne.s32 @!p0 s5, $0x0;
	s17 =	simm.s32 $0xE;
	p3 =	sne.s32 s5, $0x0  }
0x10: {  	s16 =	simm.s32 $0x7;
	s12 =	simm.s32 $0x9;
	s5 =	simm.s32 $0x0  }
0x11: {  	s7 =	sor.u32 s7, s15;
	s18 =	sshrl.u32 s8, $0x3;
	s10 =	sshrl.u32 s19, $0x1  }
0x12: {  	s3 =	sadd.s32 s3, s11;
	s22 =	sadd.s32 $0x13800, s20;
	s24 =	sshrl.u32 s15, $0x2  }
0x13: {  	p1 =	por p1, p0;
	s20 =	simm.s32 $0x5;
	s11 =	simm.s32 $0x6  }
0x14: {  	s7 =	sshrl.u32 s7, $0x4;
	s9 =	ssub.s32 s19, s10;
	[dreg:$0x9] =	wrdreg s3  }
0x15: {  	[dreg:$0xa] =	wrdreg s22;
	s10 =	sadd.s32 s0, s21;
	s0 =	sadd.s32 s24, s1  }
0x16: {  	s3 =	sadd.s32 s8, s2;
	s19 =	simm.s32 $0x9D00;
	s21 =	simm.s32 $0xAD00  }
0x17: {  	s22 =	simm.s32 $0x8;
	s7 =	sadd.s32 s7, s4;
	s26 =	smax.u32 s9, $0x1  }
0x18: {  	s4 =	sadd.s32 s18, s4;
	s0 =	sshrl.u32 s0, $0x3;
	[dreg:$0xd] =	wrdreg s26  }
0x19: {  	s18 =	simm.s32 $0x80;
	s23 =	sadd.s32 $0xE000, s7;
	[dreg:$0x10] =	wrdreg s0  }
.Ltmp0:
0x1a: {  	s25 =	sadd.s32 $0x21A00, s4;
	[dreg:$0xb] =	wrdreg s23;
	(pc) =	sbr.rel .LBB2_1-.Ltmp0, $4  }
0x1b: {  	s4 =	sshrl.u32 @!p0 s1, $0x3;
	s0 =	sshrl.u32 @!p3 s3, $0x3;
	[dreg:$0xc] =	wrdreg s25  }
0x1c: {  	s26 =	simm.s32 $0x1;
	s3 =	simm.s32 $0xC;
	[dreg:$0xe] =	wrdreg s4  }
0x1d: {  	s4 =	sshrl.u32 @!p1 s2, $0x3;
	s23 =	simm.s32 $0xBD00;
	[dreg:$0x11] =	wrdreg s0  }
0x1e: {  	s0 =	simm.s32 $0xED00;
	[dreg:$0xf] =	wrdreg s4;
	s4 =	simm.s32 $0x4  }
.LBB2_7:
0x1f: {  	s6 =	simm.s32 $0x9C00  }
0x20: {  	[tilespmem:s19], [sflag:$0x1] =	stream.indirect.gather [hbm4b:s10+s18], $0x20, s6, s18, $0xb8;
	[tilespmem:$0x162A8] =	vst v63  }
0x21: {  	_ =	swait.ge [sflag:s26], $0x1000  }
0x22: {  	[sflag:s26] =	ssyncset.done $0x0  }
0x23: {  	s25 =	simm.s32 $0x9C80;
	[sflag:s26] =	ssyncadd.s32 $0xFFFFF000  }
0x24: {  	[spmem:s1] =	stream.indirect.scatter.add.bf16 [tilespmem:s19], [sflag:$0x7], $0x20, s25, s18, $0xb8;
	[tilespmem:$0x162A8] =	vst v63  }
0x25: {  	s7 =	simm.s32 @!p3 $0x9C80;
	s8 =	simm.s32 @!p3 $0x14B20;
	s6 =	simm.s32 @!p3 $0x80  }
0x26: {  	[spmem:s2] =	stream.indirect.scatter.add.f32 @!p3 [tilespmem:s8], [sflag:$0xD], $0x8, s7, s6, $0xb8;
	[tilespmem:$0x162A8] =	vst v63  }
0x27: {  	s6 =	simm.s32 @!p3 $0xD  }
0x28: {  	_ =	swait.ge @!p3 [sflag:s6], $0x400  }
0x29: {  	[sflag:s6] =	ssyncset.done @!p3 $0x0  }
0x2a: {  	[sflag:s6] =	ssyncadd.s32 @!p3 $0xFFFFFC00  }
0x2b: {  	_ =	swait.ge [sflag:s16], $0x1000  }
0x2c: {  	[sflag:s16] =	ssyncset.done $0x0  }
0x2d: {  	[sflag:s16] =	ssyncadd.s32 $0xFFFFF000  }
0x2e: {  	[bflag:$0x0] =	sbarrier.arrive $0xFFFF  }
.LBB2_9:
0x2f: {  	s6 =	stileid.u32  }
0x30: {  	s7 =	rddreg [dreg:$0xb];
	s6 =	sshll.u32 s6, $0x6  }
0x31: {  	s8 =	rddreg [dreg:$0x10];
	s6 =	sor.u32 $0x1C0E, s6  }
0x32: {  	[hbm:s7@s22], [sflag:s6] =	dma.strided [spmem:s8@s4], $0xFA0, s26, $0x4   }
0x33: {  	_ =	swait.ge [sflag:s17], $0xFA0  }
0x34: {  	[sflag:s17] =	ssyncset.done $0x0;
	s7 =	rddreg [dreg:$0xc]  }
0x35: {  	s8 =	rddreg [dreg:$0x11];
	[sflag:s17] =	ssyncadd.s32 $0xFFFFF060  }
0x36: {  	[hbm:s7], [sflag:s6] =	dma.local @!p3 [spmem:s8], $0x3E8  }
0x37: {  	s6 =	simm.s32 @!p3 $0xE  }
0x38: {  	_ =	swait.ge @!p3 [sflag:s6], $0x3E8  }
0x39: {  	[sflag:s6] =	ssyncset.done @!p3 $0x0  }
0x3a: {  	[sflag:s6] =	ssyncadd.s32 @!p3 $0xFFFFFC18  }
.LBB2_10:
0x3b: {  	s5 =	sadd.s32 $0x1, s5;
	s6 =	rddreg [dreg:$0xd]  }
0x3c: {  	p5 =	sne.s32 s5, s6  }
.Ltmp1:
0x3d: {  	_ = 	snop;
	(pc) =	sbr.rel @!p5 .LBB2_11-.Ltmp1, $1  }
0x3e: {  	_ =	sdelay $0x3  }
.LBB2_1:
0x3f: {  	s7 =	rddreg [dreg:$0x6]  }
0x40: {  	s6 =	simm.s32 @!p0 $0x1C0E;
	s8 =	rddreg [dreg:$0xe]  }
0x41: {  	[spmem:s8], [sflag:s6] =	dma.local @!p0 [hbm:s7], $0x9C40  }
0x42: {  	s7 =	simm.s32 @!p0 $0xE  }
0x43: {  	_ =	swait.ge @!p0 [sflag:s7], $0x9C40  }
0x44: {  	[sflag:s7] =	ssyncset.done @!p0 $0x0;
	s8 =	rddreg [dreg:$0xf]  }
0x45: {  	[sflag:s7] =	ssyncadd.s32 @!p0 $0xFFFF63C0;
	s7 =	rddreg [dreg:$0x7]  }
0x46: {  	[spmem:s8], [sflag:s6] =	dma.local @!p1 [hbm:s7], $0x2710  }
0x47: {  	s6 =	simm.s32 @!p1 $0xE  }
0x48: {  	_ =	swait.ge @!p1 [sflag:s6], $0x2710  }
0x49: {  	[sflag:s6] =	ssyncset.done @!p1 $0x0  }
0x4a: {  	[sflag:s6] =	ssyncadd.s32 @!p1 $0xFFFFD8F0  }
0x4b: {  	[bflag:$0x0] =	sbarrier.arrive $0xFFFF  }
0x4c: {  	s14 =	simm.s32 $0x0;
	s24 =	simm.s32 $0x14B20;
	s15 =	rddreg [dreg:$0x8]  }
0x4d: {  	[tilespmem:s24], [sflag:$0xE] =	stream.linear.gather [hbm4b:s15+s14], $0x400, $0x38;
	[tilespmem:$0x162A8] =	vst v63  }
0x4e: {  	_ =	swait.ge [sflag:s17], $0x400  }
0x4f: {  	[sflag:s17] =	ssyncset.done $0x0  }
0x50: {  	s25 =	rddreg [dreg:$0x9];
	[sflag:s17] =	ssyncadd.s32 $0xFFFFFC00  }
0x51: {  	[tilespmem:s14], [sflag:$0xE] =	stream.linear.gather [hbm4b:s25+s14], $0x9C00, $0x38;
	[tilespmem:$0x162A8] =	vst v63  }
0x52: {  	_ =	swait.ge [sflag:s17], $0x9C00  }
0x53: {  	s7 =	simm.s32 @!p2 $0x9C00;
	[sflag:s17] =	ssyncset.done $0x0  }
0x54: {  	s6 =	simm.s32 @!p2 $0x0;
	s8 =	rddreg [dreg:$0xa];
	[sflag:s17] =	ssyncadd.s32 $0xFFFF6400  }
0x55: {  	[tilespmem:s7], [sflag:$0xE] =	stream.linear.gather @!p2 [hbm4b:s8+s6], $0x100, $0x38;
	[tilespmem:$0x162A8] =	vst v63  }
0x56: {  	s6 =	simm.s32 @!p2 $0xE  }
0x57: {  	_ =	swait.ge @!p2 [sflag:s6], $0x100  }
0x58: {  	[sflag:s6] =	ssyncset.done @!p2 $0x0  }
0x59: {  	[sflag:s6] =	ssyncadd.s32 @!p2 $0xFFFFFF00;
	s6 =	simm.s32 $0x0  }
0x5a: {  	v2 =	vld [tilespmem:s6+$0x0]  }
0x5b: {  	v4 =	vld [tilespmem:s6+$0x10]  }
0x5c: {  	v3 =	vld [tilespmem:s6+$0x20]  }
0x5d: {  	v1 =	vld [tilespmem:s6+$0x30]  }
0x5e: {  	v0 =	vld [tilespmem:s6+$0x40]  }
0x5f: {  	v5 =	vshll.u32 v2, $0x1;
	v2 =	vld [tilespmem:s6+$0x50]  }
0x60: {  	s7 =	simm.s32 $0x400;
	[tilespmem:s6+$0x0] =	vst v5;
	v5 =	vshll.u32 v4, $0x1;
	v4 =	vld [tilespmem:s6+$0x60]  }
.LBB2_2:
0x61: {  	s8 =	sshra.s32 s7, $0x2;
	p5 =	sne.s32 s7, $0x27000;
	[tilespmem:s6+$0x10] =	vst v5;
	v3 =	vshll.u32 v3, $0x1;
	v5 =	vld [tilespmem:s6+$0x70]  }
0x62: {  	v6 =	vld [tilespmem:s8+$0x0];
	[tilespmem:s6+$0x20] =	vst v3;
	v1 =	vshll.u32 v1, $0x1  }
0x63: {  	v7 =	vld [tilespmem:s8+$0x10];
	[tilespmem:s6+$0x30] =	vst v1;
	v0 =	vshll.u32 v0, $0x1  }
.Ltmp2:
0x64: {  	v3 =	vld [tilespmem:s8+$0x20];
	[tilespmem:s6+$0x40] =	vst v0;
	v0 =	vshll.u32 v2, $0x1;
	(pc) =	sbr.rel @p5 .LBB2_2-.Ltmp2, $4  }
0x65: {  	v1 =	vld [tilespmem:s8+$0x30];
	[tilespmem:s6+$0x50] =	vst v0;
	v2 =	vshll.u32 v4, $0x1  }
0x66: {  	v0 =	vld [tilespmem:s8+$0x40];
	[tilespmem:s6+$0x60] =	vst v2;
	v4 =	vshll.u32 v5, $0x1  }
0x67: {  	v5 =	vshll.u32 v6, $0x1;
	v2 =	vld [tilespmem:s8+$0x50];
	[tilespmem:s6+$0x70] =	vst v4;
	s6 =	smov.u32 s8  }
0x68: {  	s7 =	sadd.s32 $0x400, s7;
	[tilespmem:s6+$0x0] =	vst v5;
	v5 =	vshll.u32 v7, $0x1;
	v4 =	vld [tilespmem:s6+$0x60]  }
0x69: {  	[tilespmem:s6+$0x10] =	vst v5;
	v3 =	vshll.u32 v3, $0x1;
	v60 =	vld [tilespmem:s6+$0x70]  }
0x6a: {  	[tilespmem:s6+$0x20] =	vst v3;
	v1 =	vshll.u32 v1, $0x1  }
0x6b: {  	[tilespmem:s6+$0x30] =	vst v1;
	v0 =	vshll.u32 v0, $0x1  }
0x6c: {  	[tilespmem:s6+$0x40] =	vst v0;
	v61 =	vshll.u32 v2, $0x1  }
0x6d: {  	[tilespmem:s6+$0x50] =	vst v61;
	v62 =	vshll.u32 v4, $0x1  }
0x6e: {  	[tilespmem:s6+$0x60] =	vst v62;
	v63 =	vshll.u32 v60, $0x1  }
0x6f: {  	[tilespmem:s6+$0x70] =	vst v63;
	s6 =	simm.s32 $0x0  }
0x70: {  	[tilespmem:s19], [sflag:$0x1] =	stream.indirect.gather [hbm4b:s10+s18], $0x20, s6, s18, $0xb8;
	[tilespmem:$0x162A8] =	vst v63  }
0x71: {  	s7 =	simm.s32 $0x100  }
0x72: {  	[tilespmem:s21], [sflag:$0x2] =	stream.indirect.gather [hbm4b:s10+s18], $0x20, s7, s18, $0xb8;
	[tilespmem:$0x162A8] =	vst v63  }
0x73: {  	s25 =	simm.s32 $0x200  }
0x74: {  	[tilespmem:s23], [sflag:$0x3] =	stream.indirect.gather [hbm4b:s10+s18], $0x20, s25, s18, $0xb8;
	[tilespmem:$0x162A8] =	vst v63  }
.LBB2_4:
0x75: {  	_ =	swait.ge [sflag:s26], $0x1000  }
0x76: {  	s7 =	sshra.s32 s6, $0x2;
	[sflag:s26] =	ssyncset.done $0x0  }
0x77: {  	s9 =	sadd.s32 $0x80, s7;
	[sflag:s26] =	ssyncadd.s32 $0xFFFFF000  }
0x78: {  	[spmem:s1] =	stream.indirect.scatter.add.bf16 [tilespmem:s19], [sflag:$0x7], $0x20, s9, s18, $0xb8;
	[tilespmem:$0x162A8] =	vst v63  }
0x79: {  	s8 =	simm.s32 @!p3 $0x80;
	s13 =	simm.s32 @!p3 $0x14B20  }
0x7a: {  	[spmem:s2] =	stream.indirect.scatter.add.f32 @!p3 [tilespmem:s13], [sflag:$0xD], $0x8, s9, s8, $0xb8;
	[tilespmem:$0x162A8] =	vst v63  }
0x7b: {  	s9 =	simm.s32 @!p3 $0xD  }
0x7c: {  	_ =	swait.ge @!p3 [sflag:s9], $0x400  }
0x7d: {  	p5 =	seq.s32 s6, $0x0;
	[sflag:s9] =	ssyncset.done @!p3 $0x0  }
0x7e: {  	s14 =	simm.s32 @!p5 $0xA;
	[sflag:s9] =	ssyncadd.s32 @!p3 $0xFFFFFC00  }
0x7f: {  	_ =	swait.ge @!p5 [sflag:s14], $0x1000  }
0x80: {  	[sflag:s14] =	ssyncset.done @!p5 $0x0  }
0x81: {  	s15 =	sadd.s32 $0x300, s7;
	[sflag:s14] =	ssyncadd.s32 @!p5 $0xFFFFF000  }
0x82: {  	[tilespmem:s28], [sflag:$0x4] =	stream.indirect.gather [hbm4b:s10+s18], $0x20, s15, s18, $0xb8;
	[tilespmem:$0x162A8] =	vst v63  }
0x83: {  	_ =	swait.ge [sflag:s29], $0x1000  }
0x84: {  	[sflag:s29] =	ssyncset.done $0x0  }
0x85: {  	s14 =	sadd.s32 $0x180, s7;
	[sflag:s29] =	ssyncadd.s32 $0xFFFFF000  }
0x86: {  	[spmem:s1] =	stream.indirect.scatter.add.bf16 [tilespmem:s21], [sflag:$0x8], $0x20, s14, s18, $0xb8;
	[tilespmem:$0x162A8] =	vst v63  }
0x87: {  	_ = 	snop  }
0x88: {  	[spmem:s2] =	stream.indirect.scatter.add.f32 @!p3 [tilespmem:s13], [sflag:$0xD], $0x8, s14, s8, $0xb8;
	[tilespmem:$0x162A8] =	vst v63  }
0x89: {  	_ =	swait.ge @!p3 [sflag:s9], $0x400  }
0x8a: {  	[sflag:s9] =	ssyncset.done @!p3 $0x0  }
0x8b: {  	s14 =	simm.s32 @!p5 $0xB;
	[sflag:s9] =	ssyncadd.s32 @!p3 $0xFFFFFC00  }
0x8c: {  	_ =	swait.ge @!p5 [sflag:s14], $0x1000  }
0x8d: {  	[sflag:s14] =	ssyncset.done @!p5 $0x0  }
0x8e: {  	s24 =	sadd.s32 $0x400, s7;
	[sflag:s14] =	ssyncadd.s32 @!p5 $0xFFFFF000  }
0x8f: {  	[tilespmem:s30], [sflag:$0x5] =	stream.indirect.gather [hbm4b:s10+s18], $0x20, s24, s18, $0xb8;
	[tilespmem:$0x162A8] =	vst v63  }
0x90: {  	_ =	swait.ge [sflag:s31], $0x1000  }
0x91: {  	[sflag:s31] =	ssyncset.done $0x0  }
0x92: {  	s14 =	sadd.s32 $0x280, s7;
	[sflag:s31] =	ssyncadd.s32 $0xFFFFF000  }
0x93: {  	[spmem:s1] =	stream.indirect.scatter.add.bf16 [tilespmem:s23], [sflag:$0x9], $0x20, s14, s18, $0xb8;
	[tilespmem:$0x162A8] =	vst v63  }
0x94: {  	_ = 	snop  }
0x95: {  	[spmem:s2] =	stream.indirect.scatter.add.f32 @!p3 [tilespmem:s13], [sflag:$0xD], $0x8, s14, s8, $0xb8;
	[tilespmem:$0x162A8] =	vst v63  }
0x96: {  	_ =	swait.ge @!p3 [sflag:s9], $0x400  }
0x97: {  	[sflag:s9] =	ssyncset.done @!p3 $0x0  }
0x98: {  	s14 =	simm.s32 @!p5 $0xC;
	[sflag:s9] =	ssyncadd.s32 @!p3 $0xFFFFFC00  }
0x99: {  	_ =	swait.ge @!p5 [sflag:s14], $0x1000  }
0x9a: {  	[sflag:s14] =	ssyncset.done @!p5 $0x0  }
0x9b: {  	s25 =	sadd.s32 $0x500, s7;
	[sflag:s14] =	ssyncadd.s32 @!p5 $0xFFFFF000  }
0x9c: {  	[tilespmem:s0], [sflag:$0x6] =	stream.indirect.gather [hbm4b:s10+s18], $0x20, s25, s18, $0xb8;
	[tilespmem:$0x162A8] =	vst v63  }
0x9d: {  	_ =	swait.ge [sflag:s4], $0x1000  }
0x9e: {  	[sflag:s4] =	ssyncset.done $0x0  }
0x9f: {  	s14 =	sadd.s32 $0x380, s7;
	[sflag:s4] =	ssyncadd.s32 $0xFFFFF000  }
0xa0: {  	[spmem:s1] =	stream.indirect.scatter.add.bf16 [tilespmem:s28], [sflag:$0xA], $0x20, s14, s18, $0xb8;
	[tilespmem:$0x162A8] =	vst v63  }
0xa1: {  	_ = 	snop  }
0xa2: {  	[spmem:s2] =	stream.indirect.scatter.add.f32 @!p3 [tilespmem:s13], [sflag:$0xD], $0x8, s14, s8, $0xb8;
	[tilespmem:$0x162A8] =	vst v63  }
0xa3: {  	_ =	swait.ge @!p3 [sflag:s9], $0x400  }
0xa4: {  	[sflag:s9] =	ssyncset.done @!p3 $0x0  }
0xa5: {  	[sflag:s9] =	ssyncadd.s32 @!p3 $0xFFFFFC00  }
0xa6: {  	p5 =	seq.s32 s6, $0x25800;
	_ =	swait.ge [sflag:s16], $0x1000  }
0xa7: {  	s24 =	simm.s32 @!p5 $0x80;
	s14 =	sshra.s32 @!p5 s6, $0x2;
	[sflag:s16] =	ssyncset.done $0x0  }
0xa8: {  	s25 =	simm.s32 @!p5 $0x9D00;
	s15 =	sadd.s32 @!p5 $0x600, s14;
	[sflag:s16] =	ssyncadd.s32 $0xFFFFF000  }
0xa9: {  	[tilespmem:s25], [sflag:$0x1] =	stream.indirect.gather @!p5 [hbm4b:s10+s24], $0x20, s15, s24, $0xb8;
	[tilespmem:$0x162A8] =	vst v63  }
0xaa: {  	_ =	swait.ge [sflag:s20], $0x1000  }
0xab: {  	[sflag:s20] =	ssyncset.done $0x0  }
0xac: {  	s15 =	sadd.s32 $0x480, s7;
	[sflag:s20] =	ssyncadd.s32 $0xFFFFF000  }
0xad: {  	[spmem:s1] =	stream.indirect.scatter.add.bf16 [tilespmem:s30], [sflag:$0xB], $0x20, s15, s18, $0xb8;
	[tilespmem:$0x162A8] =	vst v63  }
0xae: {  	_ = 	snop  }
0xaf: {  	[spmem:s2] =	stream.indirect.scatter.add.f32 @!p3 [tilespmem:s13], [sflag:$0xD], $0x8, s15, s8, $0xb8;
	[tilespmem:$0x162A8] =	vst v63  }
0xb0: {  	_ =	swait.ge @!p3 [sflag:s9], $0x400  }
0xb1: {  	[sflag:s9] =	ssyncset.done @!p3 $0x0  }
0xb2: {  	[sflag:s9] =	ssyncadd.s32 @!p3 $0xFFFFFC00  }
0xb3: {  	_ =	swait.ge [sflag:s22], $0x1000  }
0xb4: {  	[sflag:s22] =	ssyncset.done $0x0  }
0xb5: {  	s14 =	sadd.s32 @!p5 $0x700, s14;
	s15 =	simm.s32 @!p5 $0xAD00;
	[sflag:s22] =	ssyncadd.s32 $0xFFFFF000  }
0xb6: {  	[tilespmem:s15], [sflag:$0x2] =	stream.indirect.gather @!p5 [hbm4b:s10+s24], $0x20, s14, s24, $0xb8;
	[tilespmem:$0x162A8] =	vst v63  }
0xb7: {  	_ =	swait.ge [sflag:s11], $0x1000  }
0xb8: {  	[sflag:s11] =	ssyncset.done $0x0  }
0xb9: {  	s14 =	sadd.s32 $0x580, s7;
	[sflag:s11] =	ssyncadd.s32 $0xFFFFF000  }
0xba: {  	[spmem:s1] =	stream.indirect.scatter.add.bf16 [tilespmem:s0], [sflag:$0xC], $0x20, s14, s18, $0xb8;
	[tilespmem:$0x162A8] =	vst v63  }
0xbb: {  	_ = 	snop  }
0xbc: {  	[spmem:s2] =	stream.indirect.scatter.add.f32 @!p3 [tilespmem:s13], [sflag:$0xD], $0x8, s14, s8, $0xb8;
	[tilespmem:$0x162A8] =	vst v63  }
0xbd: {  	_ =	swait.ge @!p3 [sflag:s9], $0x400  }
.Ltmp3:
0xbe: {  	[sflag:s9] =	ssyncset.done @!p3 $0x0;
	(pc) =	sbr.rel @p5 .LBB2_6-.Ltmp3, $4  }
0xbf: {  	[sflag:s9] =	ssyncadd.s32 @!p3 $0xFFFFFC00  }
0xc0: {  	_ =	swait.ge [sflag:s12], $0x1000  }
0xc1: {  	[sflag:s12] =	ssyncset.done $0x0  }
0xc2: {  	[sflag:s12] =	ssyncadd.s32 $0xFFFFF000  }
.Ltmp4:
0xc3: {  	(pc) =	sbr.rel .LBB2_4-.Ltmp4, $3  }
0xc4: {  	_ =	sdelay $0x1  }
0xc5: {  	s7 =	sadd.s32 $0x800, s7;
	s6 =	sadd.s32 $0x1800, s6  }
0xc6: {  	[tilespmem:s23], [sflag:$0x3] =	stream.indirect.gather [hbm4b:s10+s18], $0x20, s7, s18, $0xb8;
	[tilespmem:$0x162A8] =	vst v63  }
.LBB2_6:
0xc7: {  	s6 =	simm.s32 $0xA  }
0xc8: {  	_ =	swait.ge [sflag:s6], $0x1000  }
0xc9: {  	[sflag:s6] =	ssyncset.done $0x0  }
0xca: {  	s25 =	simm.s32 $0xB;
	[sflag:s6] =	ssyncadd.s32 $0xFFFFF000  }
0xcb: {  	_ =	swait.ge [sflag:s25], $0x1000  }
.Ltmp5:
0xcc: {  	[sflag:s25] =	ssyncset.done $0x0;
	(pc) =	sbr.rel @!p2 .LBB2_7-.Ltmp5, $4  }
0xcd: {  	[sflag:s25] =	ssyncadd.s32 $0xFFFFF000  }
0xce: {  	_ =	swait.ge [sflag:s3], $0x1000  }
0xcf: {  	[sflag:s3] =	ssyncset.done $0x0  }
0xd0: {  	[sflag:s3] =	ssyncadd.s32 $0xFFFFF000  }
.Ltmp6:
0xd1: {  	(pc) =	sbr.rel @p4 .LBB2_10-.Ltmp6, $4  }
.Ltmp7:
0xd2: {  	(pc) =	sbr.rel @!p4 .LBB2_9-.Ltmp7, $4  }
0xd3: {  	_ = 	snop  }
0xd4: {  	[bflag:$0x0] =	sbarrier.arrive $0xFFFF  }
0xd5: {  	_ = 	snop  }
0xd6: {  	_ = 	snop  }
.LBB2_11:
0xd7: {  	_ =	sfence.sel $0x180000  }
0xd8: {  	[bflag:$0x0] =	sbarrier.arrive $0xFFFF  }
0xd9: {  	_ =	strace $0x90000047  }
0xda: {  	[bflag:$0x2] =	sbarrier.arrive $0xFFFF  }
0xdb: {  	s0 =	rddreg [dreg:$0x5]  }
0xdc: {  	s0 =	sadd.s32 @!p0 $0x100000, s0  }
0xdd: {  	[sflag:s0] =	ssyncadd.tile.s32 @!p0 $0x1;
	_ =	shalt  }
.Lfunc_end2:
_tile_overlayer_lowered:
.L_overlay_start_2:
0xde: {  	(tag) =	ssettag $0x2  }
0xdf: {  	s0 =	rddreg [dreg:$0x0];
	s2 =	stileid.u32  }
0xe0: {  	s1 =	rddreg [dreg:$0x1];
	p0 =	sne.s32 s2, $0x0  }
0xe1: {  	s3 =	rddreg [dreg:$0x2];
	[bflag:$0x3] =	sbarrier.arrive $0xFFFF;
	s2 =	simm.s32 @!p0 $0x1C0E  }
0xe2: {  	[timem:s3], [sflag:s2] =	dma.local @!p0 [hbm:s0], s1  }
0xe3: {  	s0 =	simm.s32 @!p0 $0xE  }
0xe4: {  	_ =	swait.ge @!p0 [sflag:s0], s1  }
0xe5: {  	s1 =	ssub.s32 @!p0 $0x0, s1;
	[sflag:s0] =	ssyncset.done @!p0 $0x0  }
0xe6: {  	[sflag:s0] =	ssyncadd.s32 @!p0 s1  }
0xe7: {  	[bflag:$0x3] =	sbarrier.arrive $0xFFFF  }
0xe8: {  	_ =	shalt  }

// kernel: kernel.9.cloned.1.call-start
scs
__scs_entry_jumppad:
0x0: {  	(pc) =	sbr.rel $0x88, $3  }
0x1: {  	(tag) =	ssettag $0x0;
	lr =	simm.s32 $0x1  }
0x2: {  	[smem:$0x3F9B] =	sst lr;
	_ =	strace $0xD0000000  }
0x3: {  	_ = 	snop  }
0x4: {  	_ = 	snop  }
0x5: {  	_ = 	snop  }
0x6: {  	_ = 	snop  }
0x7: {  	_ = 	snop  }
__scs_overlays_trampoline_lowered:
0x8: {  	[smem:$0x3FAA] =	sst s0  }
0x9: {  	[smem:$0x3FAB] =	sst s1  }
0xa: {  	[smem:$0x3FAC] =	sst s2  }
0xb: {  	[smem:$0x3FAD] =	sst s3  }
0xc: {  	[smem:$0x3FAE] =	sst s4  }
0xd: {  	[smem:$0x3FAF] =	sst s5  }
0xe: {  	[smem:$0x3FB0] =	sst s6  }
0xf: {  	[smem:$0x3FB1] =	sst s7  }
0x10: {  	[smem:$0x3FB2] =	sst s8  }
0x11: {  	[smem:$0x3FB3] =	sst s9;
	s0 =	simm.s32 @!p0 $0x0  }
0x12: {  	s1 =	sld [smem:$0x3F99];
	s0 =	simm.s32 @p0 $0x1  }
0x13: {  	[smem:$0x3FB4] =	sst s0;
	s0 =	simm.s32 @!p1 $0x0  }
0x14: {  	s2 =	sld [smem:$0x3F98];
	s0 =	simm.s32 @p1 $0x1  }
0x15: {  	[smem:$0x3FB5] =	sst s0;
	s0 =	simm.s32 @!p2 $0x0  }
0x16: {  	s3 =	sld [smem:$0x3FDB];
	s0 =	simm.s32 @p2 $0x1  }
0x17: {  	s4 =	simm.s32 $0x1BF5;
	[smem:$0x3FB7] =	sst s0  }
0x18: {  	s0 =	sld [smem:$0x3F9A];
	_ =	swait.ge [sflag:s4], $0x0  }
0x19: {  	s7 =	sld [smem:$0x3F9B]  }
0x1a: {  	s8 =	sadd.s32 $0xFFFFE003, lr  }
0x1b: {  	s9 =	sadd.s32 $0xFFFFFEF7, lr;
	s5 =	simm.s32 $0xFFFFFFFF;
	p2 =	slt.u32 s8, $0xFFFFF086  }
0x1c: {  	p1 =	slt.u32 s9, $0xF7A;
	s5 =	simm.s32 @!p2 $0x0  }
0x1d: {  	s5 =	simm.s32 @p1 $0x1;
	p0 =	seq.s32 s7, s2  }
0x1e: {  	s7 =	smul.u32 @!p0 $0xF7A, s2;
	p2 =	seq.s32 @!p0 s5, $0x0  }
0x1f: {  	s9 =	smul.u32 $0xF7A, s1;
	s8 =	simm.s32 @!p0 $0x1BF5;
	p2 =	por !p2, p0  }
0x20: {  	[sflag:s8] =	ssyncset.s32 @!p0 $0xFFFFF086;
	s6 =	sadd.s32 @!p0 s3, s7;
	s7 =	simm.s32 @!p0 $0x108  }
0x21: {  	s3 =	sadd.s32 s3, s9;
	s6 =	sadd.s32 @!p0 $0x88, s6;
	s7 =	simm.s32 @p2 $0x1082  }
0x22: {  	[simem:s7], [sflag:s8] =	dma.local @!p0 [hbm:s6], $0xF7A  }
0x23: {  	s9 =	sor.u32 $0xD0000000, s2;
	s6 =	simm.s32 $0x108;
	_ =	swait.ge @!p0 [sflag:s8], $0x0  }
0x24: {  	s3 =	sadd.s32 $0x88, s3;
	s6 =	simm.s32 @!p1 $0x1082;
	[sflag:s4] =	ssyncset.s32 $0xFFFFF086  }
0x25: {  	[simem:s6], [sflag:s4] =	dma.local [hbm:s3], $0xF7A  }
0x26: {  	[smem:$0x3F9B] =	sst s1;
	(tag) =	ssettag s2;
	_ =	strace s9  }
0x27: {  	s1 =	sld [smem:$0x3FAB]  }
0x28: {  	s2 =	sld [smem:$0x3FAC]  }
0x29: {  	s4 =	sld [smem:$0x3FAE]  }
0x2a: {  	p0 =	seq.s32 s5, $0x0;
	s5 =	sld [smem:$0x3FAF]  }
0x2b: {  	s6 =	sld [smem:$0x3FB0]  }
0x2c: {  	s7 =	sld [smem:$0x3FB1]  }
0x2d: {  	s3 =	simm.s32 $0x108;
	s8 =	sld [smem:$0x3FB2]  }
0x2e: {  	s3 =	simm.s32 @!p0 $0x1082;
	s9 =	sld [smem:$0x3FB3]  }
0x2f: {  	lr =	sadd.s32 s0, s3;
	s0 =	sld [smem:$0x3FAA]  }
0x30: {  	s3 =	sld [smem:$0x3FAD]  }
0x31: {  	[smem:$0x3FB6] =	sst s10  }
0x32: {  	s10 =	sld [smem:$0x3FB4];
	_ =	sdelay $0x3  }
0x33: {  	p0 =	seq.s32 s10, $0x1;
	s10 =	sld [smem:$0x3FB6];
	_ =	sdelay $0x3  }
0x34: {  	[smem:$0x3FB6] =	sst s10  }
0x35: {  	s10 =	sld [smem:$0x3FB5];
	_ =	sdelay $0x3  }
0x36: {  	p1 =	seq.s32 s10, $0x1;
	s10 =	sld [smem:$0x3FB6];
	_ =	sdelay $0x3  }
0x37: {  	[smem:$0x3FB6] =	sst s10  }
0x38: {  	s10 =	sld [smem:$0x3FB7]  }
0x39: {  	_ = 	snop;
	(pc) =	sbr.ind lr, $3  }
0x3a: {  	_ = 	snop  }
0x3b: {  	_ = 	snop  }
0x3c: {  	p2 =	seq.s32 s10, $0x1;
	s10 =	sld [smem:$0x3FB6]  }
0x3d: {  	_ =	shalt  }
0x3e: {  	_ =	shalt  }
0x3f: {  	_ =	shalt  }
0x40: {  	_ =	shalt  }
0x41: {  	_ =	shalt  }
0x42: {  	_ =	shalt  }
0x43: {  	_ =	shalt  }
0x44: {  	_ =	shalt  }
0x45: {  	_ =	shalt  }
0x46: {  	_ =	shalt  }
0x47: {  	_ =	shalt  }
0x48: {  	_ =	shalt  }
0x49: {  	_ =	shalt  }
0x4a: {  	_ =	shalt  }
0x4b: {  	_ =	shalt  }
0x4c: {  	_ =	shalt  }
0x4d: {  	_ =	shalt  }
0x4e: {  	_ =	shalt  }
0x4f: {  	_ =	shalt  }
0x50: {  	_ =	shalt  }
0x51: {  	_ =	shalt  }
0x52: {  	_ =	shalt  }
0x53: {  	_ =	shalt  }
0x54: {  	_ =	shalt  }
0x55: {  	_ =	shalt  }
0x56: {  	_ =	shalt  }
0x57: {  	_ =	shalt  }
0x58: {  	_ =	shalt  }
0x59: {  	_ =	shalt  }
0x5a: {  	_ =	shalt  }
0x5b: {  	_ =	shalt  }
0x5c: {  	_ =	shalt  }
0x5d: {  	_ =	shalt  }
0x5e: {  	_ =	shalt  }
0x5f: {  	_ =	shalt  }
0x60: {  	_ =	shalt  }
0x61: {  	_ =	shalt  }
0x62: {  	_ =	shalt  }
0x63: {  	_ =	shalt  }
0x64: {  	_ =	shalt  }
0x65: {  	_ =	shalt  }
0x66: {  	_ =	shalt  }
0x67: {  	_ =	shalt  }
0x68: {  	_ =	shalt  }
0x69: {  	_ =	shalt  }
0x6a: {  	_ =	shalt  }
0x6b: {  	_ =	shalt  }
0x6c: {  	_ =	shalt  }
0x6d: {  	_ =	shalt  }
0x6e: {  	_ =	shalt  }
0x6f: {  	_ =	shalt  }
0x70: {  	_ =	shalt  }
0x71: {  	_ =	shalt  }
0x72: {  	_ =	shalt  }
0x73: {  	_ =	shalt  }
0x74: {  	_ =	shalt  }
0x75: {  	_ =	shalt  }
0x76: {  	_ =	shalt  }
0x77: {  	_ =	shalt  }
0x78: {  	_ =	shalt  }
0x79: {  	_ =	shalt  }
0x7a: {  	_ =	shalt  }
0x7b: {  	_ =	shalt  }
0x7c: {  	_ =	shalt  }
0x7d: {  	_ =	shalt  }
0x7e: {  	_ =	shalt  }
0x7f: {  	_ =	shalt  }
0x80: {  	_ =	shalt  }
0x81: {  	_ =	shalt  }
0x82: {  	_ =	shalt  }
0x83: {  	_ =	shalt  }
0x84: {  	_ =	shalt  }
0x85: {  	_ =	shalt  }
0x86: {  	_ =	shalt  }
0x87: {  	_ =	shalt  }
.Lfunc_end0:
.L_simem_size_0:
called_computation.1_lowered:
.L_overlay_start_0:
0x88: {  	s2 =	sld [smem:$0x3FD9]  }
0x89: {  	s3 =	sld [smem:$0x3FFE];
	_ =	sdelay $0x1  }
0x8a: {  	s1 =	srdreg.scid  }
0x8b: {  	s0 =	sand.u32 $0x1, s1  }
0x8c: {  	s17 =	sshll.u32 s0, $0xA;
	s2 =	sadd.s32 s3, s2  }
0x8d: {  	s2 =	sadd.s32 s2, s17  }
0x8e: {  	[smem:$0x3FC2] =	sst s2  }
0x8f: {  	_ = 	snop  }
0x90: {  	s2 =	sld [smem:$0x3FC8]  }
0x91: {  	s18 =	sld [smem:$0x3FD0];
	(tm) =	ssettm $0x1  }
0x92: {  	s4 =	sld [smem:$0x3FFB];
	_ =	sdelay $0x3  }
0x93: {  	_ =	strace s4  }
0x94: {  	s4 =	sld [smem:$0x3FFC];
	_ =	sdelay $0x3  }
0x95: {  	_ =	strace s4  }
0x96: {  	s4 =	sld [smem:$0x3FFD];
	_ =	sdelay $0x3  }
0x97: {  	_ =	strace s4  }
0x98: {  	_ =	strace $0x8FFFFFFF  }
0x99: {  	s19 =	sld [smem:$0x3FDB];
	_ =	sdelay $0x1  }
0x9a: {  	s5 =	simm.s32 $_scs_section_size  }
0x9b: {  	s6 =	simm.s32 $_size__tile_overlayer_lowered;
	s7 =	simm.s32 $_tile_overlayer_lowered  }
0x9c: {  	s22 =	simm.s32 $0x1BFF;
	s21 =	sshll.u32 s7, $0x1;
	s4 =	sadd.s32 s5, s19  }
0x9d: {  	s8 =	simm.s32 $0x0;
	s20 =	sshll.u32 s6, $0x1;
	s6 =	sadd.s32 s21, s4  }
0x9e: {  	[timem:s8], [sflag:s22] =	dma.local [hbm:s6], s20  }
0x9f: {  	_ =	swait.ge [sflag:s22], s20  }
0xa0: {  	s5 =	ssub.s32 $0x0, s20;
	[sflag:s22] =	ssyncset.done $0x0  }
0xa1: {  	[sflag:s22] =	ssyncadd.s32 s5;
	_ =	sdelay $0x1  }
0xa2: {  	s23 =	simm.s32 $0x1B8B  }
0xa3: {  	_ =	swait.ge [sflag:s23], $0x1  }
0xa4: {  	[sflag:s23] =	ssyncset.done $0x0  }
0xa5: {  	s25 =	simm.s32 $0x1B8E;
	s24 =	sld [smem:$0x3FFE];
	[sflag:s23] =	ssyncadd.s32 $0xFFFFFFFF  }
0xa6: {  	s26 =	simm.s32 $execute0_lowered;
	[smem:$0x3FD2] =	sst s25  }
0xa7: {  	s6 =	sshll.u32 s26, $0x1;
	_ =	strace $0x80000049;
	[dreg:$0x1] =	wrdreg $0xFFFFFFFF  }
0xa8: {  	s28 =	simm.s32 $_size_execute0_lowered;
	s4 =	sadd.s32 s4, s6;
	[dreg:$0x0] =	wrdreg $0x0  }
0xa9: {  	s6 =	sshll.u32 s28, $0x1;
	[dreg:$0x2] =	wrdreg s4  }
0xaa: {  	[dreg:$0x3] =	wrdreg s6  }
0xab: {  	[dreg:$0x4] =	wrdreg $0xC0  }
0xac: {  	_ =	task [dreg:s8], $0x5FFFF  }
0xad: {  	[dreg:$0x1] =	wrdreg $0xFFFFFFFF  }
0xae: {  	[dreg:$0x0] =	wrdreg $0x60  }
0xaf: {  	[dreg:$0x2] =	wrdreg s18  }
0xb0: {  	[dreg:$0x3] =	wrdreg s2  }
0xb1: {  	[dreg:$0x4] =	wrdreg s24  }
0xb2: {  	[dreg:$0x5] =	wrdreg $0xFD000  }
0xb3: {  	[dreg:$0x6] =	wrdreg $0x9  }
0xb4: {  	_ =	task.clear_ibuf [dreg:s8], $0x7FFFF;
	_ =	strace $0x90000049  }
0xb5: {  	s29 =	simm.s32 $0x9;
	_ =	strace $0x8000004B  }
0xb6: {  	_ =	swait.ge [sflag:s29], $0x1  }
0xb7: {  	[sflag:s29] =	ssyncadd.s32 $0xFFFFFFFF  }
0xb8: {  	_ =	strace $0x9000004B  }
0xb9: {  	_ =	sfence  }
0xba: {  	s30 =	sld [smem:$0x0];
	_ =	sdelay $0x2  }
0xbb: {  	s31 =	sshll.u32 s1, $0xD;
	s1 =	sshrl.u32 s1, $0x2  }
0xbc: {  	s3 =	sand.u32 $0x4000, s31;
	s1 =	sadd.s32 s1, s30  }
0xbd: {  	s0 =	sor.u32 s3, s0;
	s1 =	sshll.u32 s1, $0x11  }
0xbe: {  	s0 =	sor.u32 s1, s0  }
0xbf: {  	s0 =	sadd.s32 $0x8F2B, s0  }
0xc0: {  	[sflag:s0] =	ssyncadd.remote.s32 $0x1  }
0xc1: {  	_ =	sfence.sel $0xFFFF  }
0xc2: {  	[dreg:$0x0] =	wrdreg $0xFFFFFFFF;
	(pc) =	sbr.abs _section_cstart, $3  }
0xc3: {  	[dreg:$0x1] =	wrdreg $0xFFFFFFFF  }
0xc4: {  	_ =	task.clear_ibuf [dreg:s8], $0x2FFFF;
	_ =	strace $0x9FFFFFFF  }
0xc5: {  	(tm) =	ssettm $0x7FFFFFFF  }
tec
execute0_lowered:
.L_overlay_start_1:
0x0: {  	(tag) =	ssettag $0x1  }
0x1: {  	s0 =	rddreg [dreg:$0x0]  }
0x2: {  	s1 =	rddreg [dreg:$0x1]  }
0x3: {  	s3 =	rddreg [dreg:$0x2]  }
0x4: {  	s4 =	srdreg.scid;
	s14 =	stileid.u32  }
0x5: {  	s2 =	rddreg [dreg:$0x3];
	s6 =	simm.s32 $0x0;
	s12 =	simm.s32 $0x80  }
0x6: {  	s13 =	simm.s32 $0x9D00;
	s15 =	simm.s32 $0xAD00;
	s17 =	simm.s32 $0xBD00  }
0x7: {  	s18 =	simm.s32 $0x1;
	s30 =	simm.s32 $0xED00;
	s31 =	simm.s32 $0x4  }
0x8: {  	s29 =	simm.s32 $0x9;
	s16 =	simm.s32 $0xB;
	s28 =	simm.s32 $0x0  }
0x9: {  	s5 =	sand.u32 $0x1, s4;
	s8 =	smul.u32 $0x1F400, s14;
	[smem:$0x7FF] =	sst s6  }
0xa: {  	s20 =	sadd.s32 $0x1800, s3;
	s9 =	smul.u32 $0x1380, s14;
	s10 =	sshll.u32 s14, $0x5  }
0xb: {  	p0 =	sne.s32 s14, $0x0;
	p1 =	sgt.u32 s14, $0x3;
	p2 =	sgt.u32 s14, $0x9  }
0xc: {  	s14 =	simm.s32 $0x5;
	s4 =	sshll.u32 s5, $0x6;
	_ =	strace $0x8000004A  }
0xd: {  	[dreg:$0x5] =	wrdreg s20;
	s21 =	ssub.s32 $0x2, s5;
	s22 =	sadd.s32 s10, s1  }
0xe: {  	s23 =	sshll.u32 s5, $0x2;
	s10 =	sshrl.u32 @!p0 s2, $0x3;
	s20 =	simm.s32 $0xCD00  }
0xf: {  	s4 =	sor.u32 s4, s8;
	s7 =	sshrl.u32 s21, $0x1;
	s1 =	sadd.s32 s1, s9  }
0x10: {  	s24 =	sadd.s32 $0x13800, s22;
	s26 =	sshrl.u32 s8, $0x2;
	s22 =	simm.s32 $0xC  }
0x11: {  	s19 =	sshrl.u32 s4, $0x4;
	s11 =	ssub.s32 s21, s7;
	[dreg:$0x6] =	wrdreg s1  }
0x12: {  	[dreg:$0x7] =	wrdreg s24;
	s7 =	sadd.s32 s0, s23;
	s0 =	sadd.s32 s26, s2  }
.Ltmp0:
0x13: {  	s21 =	simm.s32 $0x2;
	s24 =	simm.s32 $0xDD00;
	(pc) =	sbr.rel .LBB2_1-.Ltmp0, $4  }
0x14: {  	s26 =	simm.s32 $0x3;
	s1 =	simm.s32 $0x7;
	s23 =	simm.s32 $0x6  }
0x15: {  	s3 =	sadd.s32 s19, s3;
	s9 =	smax.u32 s11, $0x1;
	s0 =	sshrl.u32 s0, $0x3  }
0x16: {  	s11 =	simm.s32 $0xD;
	s25 =	sadd.s32 $0xB600, s3;
	[dreg:$0x9] =	wrdreg s0  }
0x17: {  	s19 =	simm.s32 $0x8;
	s3 =	simm.s32 $0xA;
	[dreg:$0x8] =	wrdreg s25  }
.LBB2_7:
0x18: {  	s0 =	simm.s32 $0x9C00  }
0x19: {  	[tilespmem:s13], [sflag:$0x1] =	stream.indirect.gather [hbm4b:s7+s12], $0x20, s0, s12, $0xb8;
	[tilespmem:$0x14B20] =	vst v63  }
0x1a: {  	_ =	swait.ge [sflag:s18], $0x1000  }
0x1b: {  	[sflag:s18] =	ssyncset.done $0x0  }
0x1c: {  	s25 =	simm.s32 $0x9C80;
	[sflag:s18] =	ssyncadd.s32 $0xFFFFF000  }
0x1d: {  	[spmem:s2] =	stream.indirect.scatter.add.bf16 [tilespmem:s13], [sflag:$0x7], $0x20, s25, s12, $0xb8;
	[tilespmem:$0x14B20] =	vst v63  }
0x1e: {  	_ =	swait.ge [sflag:s1], $0x1000  }
0x1f: {  	[sflag:s1] =	ssyncset.done $0x0  }
0x20: {  	[sflag:s1] =	ssyncadd.s32 $0xFFFFF000  }
0x21: {  	[bflag:$0x0] =	sbarrier.arrive $0xFFFF  }
.LBB2_9:
0x22: {  	s0 =	stileid.u32  }
0x23: {  	s4 =	rddreg [dreg:$0x8];
	s0 =	sshll.u32 s0, $0x6  }
0x24: {  	s5 =	rddreg [dreg:$0x9];
	s0 =	sor.u32 $0x1C0D, s0  }
0x25: {  	[hbm:s4@s19], [sflag:s0] =	dma.strided [spmem:s5@s31], $0xFA0, s18, $0x4   }
0x26: {  	_ =	swait.ge [sflag:s11], $0xFA0  }
0x27: {  	[sflag:s11] =	ssyncset.done $0x0  }
0x28: {  	[sflag:s11] =	ssyncadd.s32 $0xFFFFF060  }
.LBB2_10:
0x29: {  	s28 =	sadd.s32 $0x1, s28  }
0x2a: {  	p3 =	sne.s32 s28, s9  }
.Ltmp1:
0x2b: {  	_ = 	snop;
	(pc) =	sbr.rel @!p3 .LBB2_11-.Ltmp1, $1  }
0x2c: {  	_ =	sdelay $0x3  }
.LBB2_1:
0x2d: {  	s0 =	simm.s32 @!p0 $0x1C0D;
	s4 =	rddreg [dreg:$0x5]  }
0x2e: {  	[spmem:s10], [sflag:s0] =	dma.local @!p0 [hbm:s4], $0x9C40  }
0x2f: {  	s0 =	simm.s32 @!p0 $0xD  }
0x30: {  	_ =	swait.ge @!p0 [sflag:s0], $0x9C40  }
0x31: {  	[sflag:s0] =	ssyncset.done @!p0 $0x0  }
0x32: {  	[sflag:s0] =	ssyncadd.s32 @!p0 $0xFFFF63C0  }
0x33: {  	[bflag:$0x0] =	sbarrier.arrive $0xFFFF  }
0x34: {  	s8 =	simm.s32 $0x0;
	s25 =	rddreg [dreg:$0x6]  }
0x35: {  	[tilespmem:s8], [sflag:$0xD] =	stream.linear.gather [hbm4b:s25+s8], $0x9C00, $0x38;
	[tilespmem:$0x14B20] =	vst v63  }
0x36: {  	_ =	swait.ge [sflag:s11], $0x9C00  }
0x37: {  	s0 =	simm.s32 @!p1 $0x0;
	[sflag:s11] =	ssyncset.done $0x0  }
0x38: {  	s8 =	simm.s32 @!p1 $0x9C00;
	s4 =	rddreg [dreg:$0x7];
	[sflag:s11] =	ssyncadd.s32 $0xFFFF6400  }
0x39: {  	[tilespmem:s8], [sflag:$0xD] =	stream.linear.gather @!p1 [hbm4b:s4+s0], $0x100, $0x38;
	[tilespmem:$0x14B20] =	vst v63  }
0x3a: {  	s0 =	simm.s32 @!p1 $0xD  }
0x3b: {  	_ =	swait.ge @!p1 [sflag:s0], $0x100  }
0x3c: {  	[sflag:s0] =	ssyncset.done @!p1 $0x0  }
0x3d: {  	[sflag:s0] =	ssyncadd.s32 @!p1 $0xFFFFFF00;
	s0 =	simm.s32 $0x0  }
0x3e: {  	v2 =	vld [tilespmem:s0+$0x0]  }
0x3f: {  	v4 =	vld [tilespmem:s0+$0x10]  }
0x40: {  	v3 =	vld [tilespmem:s0+$0x20]  }
0x41: {  	v1 =	vld [tilespmem:s0+$0x30]  }
0x42: {  	v0 =	vld [tilespmem:s0+$0x40]  }
0x43: {  	v5 =	vshll.u32 v2, $0x1;
	v2 =	vld [tilespmem:s0+$0x50]  }
0x44: {  	s8 =	simm.s32 $0x400;
	[tilespmem:s0+$0x0] =	vst v5;
	v5 =	vshll.u32 v4, $0x1;
	v4 =	vld [tilespmem:s0+$0x60]  }
.LBB2_2:
0x45: {  	s25 =	sshra.s32 s8, $0x2;
	p3 =	sne.s32 s8, $0x27000;
	[tilespmem:s0+$0x10] =	vst v5;
	v3 =	vshll.u32 v3, $0x1;
	v5 =	vld [tilespmem:s0+$0x70]  }
0x46: {  	v6 =	vld [tilespmem:s25+$0x0];
	[tilespmem:s0+$0x20] =	vst v3;
	v1 =	vshll.u32 v1, $0x1  }
0x47: {  	v7 =	vld [tilespmem:s25+$0x10];
	[tilespmem:s0+$0x30] =	vst v1;
	v0 =	vshll.u32 v0, $0x1  }
.Ltmp2:
0x48: {  	v3 =	vld [tilespmem:s25+$0x20];
	[tilespmem:s0+$0x40] =	vst v0;
	v0 =	vshll.u32 v2, $0x1;
	(pc) =	sbr.rel @p3 .LBB2_2-.Ltmp2, $4  }
0x49: {  	v1 =	vld [tilespmem:s25+$0x30];
	[tilespmem:s0+$0x50] =	vst v0;
	v2 =	vshll.u32 v4, $0x1  }
0x4a: {  	v0 =	vld [tilespmem:s25+$0x40];
	[tilespmem:s0+$0x60] =	vst v2;
	v4 =	vshll.u32 v5, $0x1  }
0x4b: {  	v5 =	vshll.u32 v6, $0x1;
	v2 =	vld [tilespmem:s25+$0x50];
	[tilespmem:s0+$0x70] =	vst v4;
	s0 =	smov.u32 s25  }
0x4c: {  	s8 =	sadd.s32 $0x400, s8;
	[tilespmem:s0+$0x0] =	vst v5;
	v5 =	vshll.u32 v7, $0x1;
	v4 =	vld [tilespmem:s0+$0x60]  }
0x4d: {  	[tilespmem:s0+$0x10] =	vst v5;
	v3 =	vshll.u32 v3, $0x1;
	v60 =	vld [tilespmem:s0+$0x70]  }
0x4e: {  	[tilespmem:s0+$0x20] =	vst v3;
	v1 =	vshll.u32 v1, $0x1  }
0x4f: {  	[tilespmem:s0+$0x30] =	vst v1;
	v0 =	vshll.u32 v0, $0x1  }
0x50: {  	[tilespmem:s0+$0x40] =	vst v0;
	v61 =	vshll.u32 v2, $0x1  }
0x51: {  	[tilespmem:s0+$0x50] =	vst v61;
	v62 =	vshll.u32 v4, $0x1  }
0x52: {  	[tilespmem:s0+$0x60] =	vst v62;
	v63 =	vshll.u32 v60, $0x1  }
0x53: {  	[tilespmem:s0+$0x70] =	vst v63;
	s0 =	simm.s32 $0x0  }
0x54: {  	[tilespmem:s13], [sflag:$0x1] =	stream.indirect.gather [hbm4b:s7+s12], $0x20, s0, s12, $0xb8;
	[tilespmem:$0x14B20] =	vst v63  }
0x55: {  	s4 =	simm.s32 $0x100  }
0x56: {  	[tilespmem:s15], [sflag:$0x2] =	stream.indirect.gather [hbm4b:s7+s12], $0x20, s4, s12, $0xb8;
	[tilespmem:$0x14B20] =	vst v63  }
0x57: {  	s5 =	simm.s32 $0x200  }
0x58: {  	[tilespmem:s17], [sflag:$0x3] =	stream.indirect.gather [hbm4b:s7+s12], $0x20, s5, s12, $0xb8;
	[tilespmem:$0x14B20] =	vst v63  }
0x59: {  	_ =	swait.ge [sflag:s18], $0x1000  }
0x5a: {  	[sflag:s18] =	ssyncset.done $0x0  }
0x5b: {  	[sflag:s18] =	ssyncadd.s32 $0xFFFFF000  }
0x5c: {  	[spmem:s2] =	stream.indirect.scatter.add.bf16 [tilespmem:s13], [sflag:$0x7], $0x20, s12, s12, $0xb8;
	[tilespmem:$0x14B20] =	vst v63  }
0x5d: {  	s6 =	simm.s32 $0x300  }
0x5e: {  	[tilespmem:s20], [sflag:$0x4] =	stream.indirect.gather [hbm4b:s7+s12], $0x20, s6, s12, $0xb8;
	[tilespmem:$0x14B20] =	vst v63  }
0x5f: {  	_ =	swait.ge [sflag:s21], $0x1000  }
0x60: {  	[sflag:s21] =	ssyncset.done $0x0  }
0x61: {  	s8 =	simm.s32 $0x180;
	[sflag:s21] =	ssyncadd.s32 $0xFFFFF000  }
0x62: {  	[spmem:s2] =	stream.indirect.scatter.add.bf16 [tilespmem:s15], [sflag:$0x8], $0x20, s8, s12, $0xb8;
	[tilespmem:$0x14B20] =	vst v63  }
0x63: {  	s25 =	simm.s32 $0x400  }
0x64: {  	[tilespmem:s24], [sflag:$0x5] =	stream.indirect.gather [hbm4b:s7+s12], $0x20, s25, s12, $0xb8;
	[tilespmem:$0x14B20] =	vst v63  }
0x65: {  	_ =	swait.ge [sflag:s26], $0x1000  }
0x66: {  	[sflag:s26] =	ssyncset.done $0x0  }
0x67: {  	s5 =	simm.s32 $0x280;
	[sflag:s26] =	ssyncadd.s32 $0xFFFFF000  }
0x68: {  	[spmem:s2] =	stream.indirect.scatter.add.bf16 [tilespmem:s17], [sflag:$0x9], $0x20, s5, s12, $0xb8;
	[tilespmem:$0x14B20] =	vst v63  }
0x69: {  	s6 =	simm.s32 $0x500  }
0x6a: {  	[tilespmem:s30], [sflag:$0x6] =	stream.indirect.gather [hbm4b:s7+s12], $0x20, s6, s12, $0xb8;
	[tilespmem:$0x14B20] =	vst v63  }
0x6b: {  	_ =	swait.ge [sflag:s31], $0x1000  }
0x6c: {  	[sflag:s31] =	ssyncset.done $0x0  }
0x6d: {  	s8 =	simm.s32 $0x380;
	[sflag:s31] =	ssyncadd.s32 $0xFFFFF000  }
0x6e: {  	[spmem:s2] =	stream.indirect.scatter.add.bf16 [tilespmem:s20], [sflag:$0xA], $0x20, s8, s12, $0xb8;
	[tilespmem:$0x14B20] =	vst v63  }
0x6f: {  	_ =	swait.ge [sflag:s1], $0x1000  }
0x70: {  	[sflag:s1] =	ssyncset.done $0x0  }
0x71: {  	s25 =	simm.s32 $0x600;
	[sflag:s1] =	ssyncadd.s32 $0xFFFFF000  }
0x72: {  	[tilespmem:s13], [sflag:$0x1] =	stream.indirect.gather [hbm4b:s7+s12], $0x20, s25, s12, $0xb8;
	[tilespmem:$0x14B20] =	vst v63  }
0x73: {  	_ =	swait.ge [sflag:s14], $0x1000  }
0x74: {  	[sflag:s14] =	ssyncset.done $0x0  }
0x75: {  	s5 =	simm.s32 $0x480;
	[sflag:s14] =	ssyncadd.s32 $0xFFFFF000  }
0x76: {  	[spmem:s2] =	stream.indirect.scatter.add.bf16 [tilespmem:s24], [sflag:$0xB], $0x20, s5, s12, $0xb8;
	[tilespmem:$0x14B20] =	vst v63  }
0x77: {  	_ =	swait.ge [sflag:s19], $0x1000  }
0x78: {  	[sflag:s19] =	ssyncset.done $0x0  }
0x79: {  	s6 =	simm.s32 $0x700;
	[sflag:s19] =	ssyncadd.s32 $0xFFFFF000  }
0x7a: {  	[tilespmem:s15], [sflag:$0x2] =	stream.indirect.gather [hbm4b:s7+s12], $0x20, s6, s12, $0xb8;
	[tilespmem:$0x14B20] =	vst v63  }
0x7b: {  	_ =	swait.ge [sflag:s23], $0x1000  }
0x7c: {  	[sflag:s23] =	ssyncset.done $0x0  }
0x7d: {  	s8 =	simm.s32 $0x580;
	[sflag:s23] =	ssyncadd.s32 $0xFFFFF000  }
0x7e: {  	[spmem:s2] =	stream.indirect.scatter.add.bf16 [tilespmem:s30], [sflag:$0xC], $0x20, s8, s12, $0xb8;
	[tilespmem:$0x14B20] =	vst v63  }
0x7f: {  	_ =	swait.ge [sflag:s29], $0x1000  }
0x80: {  	[sflag:s29] =	ssyncset.done $0x0  }
0x81: {  	s25 =	simm.s32 $0x800;
	[sflag:s29] =	ssyncadd.s32 $0xFFFFF000  }
0x82: {  	[tilespmem:s17], [sflag:$0x3] =	stream.indirect.gather [hbm4b:s7+s12], $0x20, s25, s12, $0xb8;
	[tilespmem:$0x14B20] =	vst v63  }
.LBB2_4:
0x83: {  	_ =	swait.ge [sflag:s18], $0x1000  }
0x84: {  	s8 =	sshra.s32 s0, $0x2;
	[sflag:s18] =	ssyncset.done $0x0  }
0x85: {  	s25 =	sadd.s32 $0x680, s8;
	[sflag:s18] =	ssyncadd.s32 $0xFFFFF000  }
0x86: {  	[spmem:s2] =	stream.indirect.scatter.add.bf16 [tilespmem:s13], [sflag:$0x7], $0x20, s25, s12, $0xb8;
	[tilespmem:$0x14B20] =	vst v63  }
0x87: {  	_ =	swait.ge [sflag:s3], $0x1000  }
0x88: {  	[sflag:s3] =	ssyncset.done $0x0  }
0x89: {  	s4 =	sadd.s32 $0x900, s8;
	[sflag:s3] =	ssyncadd.s32 $0xFFFFF000  }
0x8a: {  	[tilespmem:s20], [sflag:$0x4] =	stream.indirect.gather [hbm4b:s7+s12], $0x20, s4, s12, $0xb8;
	[tilespmem:$0x14B20] =	vst v63  }
0x8b: {  	_ =	swait.ge [sflag:s21], $0x1000  }
0x8c: {  	[sflag:s21] =	ssyncset.done $0x0  }
0x8d: {  	s5 =	sadd.s32 $0x780, s8;
	[sflag:s21] =	ssyncadd.s32 $0xFFFFF000  }
0x8e: {  	[spmem:s2] =	stream.indirect.scatter.add.bf16 [tilespmem:s15], [sflag:$0x8], $0x20, s5, s12, $0xb8;
	[tilespmem:$0x14B20] =	vst v63  }
0x8f: {  	_ =	swait.ge [sflag:s16], $0x1000  }
0x90: {  	[sflag:s16] =	ssyncset.done $0x0  }
0x91: {  	s6 =	sadd.s32 $0xA00, s8;
	[sflag:s16] =	ssyncadd.s32 $0xFFFFF000  }
0x92: {  	[tilespmem:s24], [sflag:$0x5] =	stream.indirect.gather [hbm4b:s7+s12], $0x20, s6, s12, $0xb8;
	[tilespmem:$0x14B20] =	vst v63  }
0x93: {  	_ =	swait.ge [sflag:s26], $0x1000  }
0x94: {  	[sflag:s26] =	ssyncset.done $0x0  }
0x95: {  	s4 =	sadd.s32 $0x880, s8;
	[sflag:s26] =	ssyncadd.s32 $0xFFFFF000  }
0x96: {  	[spmem:s2] =	stream.indirect.scatter.add.bf16 [tilespmem:s17], [sflag:$0x9], $0x20, s4, s12, $0xb8;
	[tilespmem:$0x14B20] =	vst v63  }
0x97: {  	_ =	swait.ge [sflag:s22], $0x1000  }
0x98: {  	[sflag:s22] =	ssyncset.done $0x0  }
0x99: {  	s5 =	sadd.s32 $0xB00, s8;
	[sflag:s22] =	ssyncadd.s32 $0xFFFFF000  }
0x9a: {  	[tilespmem:s30], [sflag:$0x6] =	stream.indirect.gather [hbm4b:s7+s12], $0x20, s5, s12, $0xb8;
	[tilespmem:$0x14B20] =	vst v63  }
0x9b: {  	_ =	swait.ge [sflag:s31], $0x1000  }
0x9c: {  	[sflag:s31] =	ssyncset.done $0x0  }
0x9d: {  	s6 =	sadd.s32 $0x980, s8;
	[sflag:s31] =	ssyncadd.s32 $0xFFFFF000  }
0x9e: {  	[spmem:s2] =	stream.indirect.scatter.add.bf16 [tilespmem:s20], [sflag:$0xA], $0x20, s6, s12, $0xb8;
	[tilespmem:$0x14B20] =	vst v63  }
0x9f: {  	_ =	swait.ge [sflag:s1], $0x1000  }
0xa0: {  	p3 =	seq.s32 s0, $0x24000;
	[sflag:s1] =	ssyncset.done $0x0  }
0xa1: {  	s25 =	simm.s32 @p3 $0x5;
	[sflag:s1] =	ssyncadd.s32 $0xFFFFF000  }
0xa2: {  	_ =	swait.ge @p3 [sflag:s25], $0x1000  }
0xa3: {  	[sflag:s25] =	ssyncset.done @p3 $0x0  }
0xa4: {  	[sflag:s25] =	ssyncadd.s32 @p3 $0xFFFFF000;
	s25 =	sshra.s32 @p3 s0, $0x2  }
0xa5: {  	s4 =	simm.s32 @p3 $0x80;
	s5 =	simm.s32 @p3 $0xDD00;
	s25 =	sadd.s32 @p3 $0xA80, s25  }
0xa6: {  	[spmem:s2] =	stream.indirect.scatter.add.bf16 @p3 [tilespmem:s5], [sflag:$0xB], $0x20, s25, s4, $0xb8;
	[tilespmem:$0x14B20] =	vst v63  }
0xa7: {  	s4 =	simm.s32 @p3 $0x8  }
0xa8: {  	_ =	swait.ge @p3 [sflag:s4], $0x1000  }
0xa9: {  	[sflag:s4] =	ssyncset.done @p3 $0x0  }
0xaa: {  	[sflag:s4] =	ssyncadd.s32 @p3 $0xFFFFF000;
	s4 =	sshra.s32 @!p3 s0, $0x2  }
0xab: {  	s6 =	simm.s32 @!p3 $0x9D00;
	s25 =	simm.s32 @!p3 $0x80;
	s5 =	sadd.s32 @!p3 $0xC00, s4  }
0xac: {  	[tilespmem:s6], [sflag:$0x1] =	stream.indirect.gather @!p3 [hbm4b:s7+s25], $0x20, s5, s25, $0xb8;
	[tilespmem:$0x14B20] =	vst v63  }
0xad: {  	s5 =	simm.s32 @!p3 $0x5  }
0xae: {  	_ =	swait.ge @!p3 [sflag:s5], $0x1000  }
0xaf: {  	[sflag:s5] =	ssyncset.done @!p3 $0x0  }
0xb0: {  	s6 =	simm.s32 @!p3 $0xDD00;
	[sflag:s5] =	ssyncadd.s32 @!p3 $0xFFFFF000;
	s5 =	sadd.s32 @!p3 $0xA80, s4  }
0xb1: {  	[spmem:s2] =	stream.indirect.scatter.add.bf16 @!p3 [tilespmem:s6], [sflag:$0xB], $0x20, s5, s25, $0xb8;
	[tilespmem:$0x14B20] =	vst v63  }
0xb2: {  	s5 =	simm.s32 @!p3 $0x8  }
0xb3: {  	_ =	swait.ge @!p3 [sflag:s5], $0x1000  }
0xb4: {  	[sflag:s5] =	ssyncset.done @!p3 $0x0  }
0xb5: {  	s4 =	sadd.s32 @!p3 $0xD00, s4;
	[sflag:s5] =	ssyncadd.s32 @!p3 $0xFFFFF000;
	s5 =	simm.s32 @!p3 $0xAD00  }
0xb6: {  	[tilespmem:s5], [sflag:$0x2] =	stream.indirect.gather @!p3 [hbm4b:s7+s25], $0x20, s4, s25, $0xb8;
	[tilespmem:$0x14B20] =	vst v63  }
0xb7: {  	_ =	swait.ge [sflag:s23], $0x1000  }
0xb8: {  	[sflag:s23] =	ssyncset.done $0x0  }
.Ltmp3:
0xb9: {  	s25 =	sadd.s32 $0xB80, s8;
	[sflag:s23] =	ssyncadd.s32 $0xFFFFF000;
	(pc) =	sbr.rel @p3 .LBB2_6-.Ltmp3, $4  }
0xba: {  	[spmem:s2] =	stream.indirect.scatter.add.bf16 [tilespmem:s30], [sflag:$0xC], $0x20, s25, s12, $0xb8;
	[tilespmem:$0x14B20] =	vst v63  }
0xbb: {  	_ =	swait.ge [sflag:s29], $0x1000  }
0xbc: {  	[sflag:s29] =	ssyncset.done $0x0  }
0xbd: {  	[sflag:s29] =	ssyncadd.s32 $0xFFFFF000  }
.Ltmp4:
0xbe: {  	(pc) =	sbr.rel .LBB2_4-.Ltmp4, $3  }
0xbf: {  	_ =	sdelay $0x1  }
0xc0: {  	s4 =	sadd.s32 $0xE00, s8;
	s0 =	sadd.s32 $0x1800, s0  }
0xc1: {  	[tilespmem:s17], [sflag:$0x3] =	stream.indirect.gather [hbm4b:s7+s12], $0x20, s4, s12, $0xb8;
	[tilespmem:$0x14B20] =	vst v63  }
.LBB2_6:
0xc2: {  	_ =	swait.ge [sflag:s3], $0x1000  }
0xc3: {  	[sflag:s3] =	ssyncset.done $0x0  }
0xc4: {  	[sflag:s3] =	ssyncadd.s32 $0xFFFFF000  }
0xc5: {  	_ =	swait.ge [sflag:s16], $0x1000  }
.Ltmp5:
0xc6: {  	[sflag:s16] =	ssyncset.done $0x0;
	(pc) =	sbr.rel @!p1 .LBB2_7-.Ltmp5, $4  }
0xc7: {  	[sflag:s16] =	ssyncadd.s32 $0xFFFFF000  }
0xc8: {  	_ =	swait.ge [sflag:s22], $0x1000  }
0xc9: {  	[sflag:s22] =	ssyncset.done $0x0  }
0xca: {  	[sflag:s22] =	ssyncadd.s32 $0xFFFFF000  }
.Ltmp6:
0xcb: {  	(pc) =	sbr.rel @p2 .LBB2_10-.Ltmp6, $4  }
.Ltmp7:
0xcc: {  	(pc) =	sbr.rel @!p2 .LBB2_9-.Ltmp7, $4  }
0xcd: {  	_ = 	snop  }
0xce: {  	[bflag:$0x0] =	sbarrier.arrive $0xFFFF  }
0xcf: {  	_ = 	snop  }
0xd0: {  	_ = 	snop  }
.LBB2_11:
0xd1: {  	_ =	sfence.sel $0x180000  }
0xd2: {  	[bflag:$0x0] =	sbarrier.arrive $0xFFFF  }
0xd3: {  	_ =	strace $0x9000004A  }
0xd4: {  	[bflag:$0x2] =	sbarrier.arrive $0xFFFF  }
0xd5: {  	s0 =	rddreg [dreg:$0x4]  }
0xd6: {  	s0 =	sadd.s32 @!p0 $0x100000, s0  }
0xd7: {  	[sflag:s0] =	ssyncadd.tile.s32 @!p0 $0x1;
	_ =	shalt  }
.Lfunc_end2:
_tile_overlayer_lowered:
.L_overlay_start_2:
0xd8: {  	(tag) =	ssettag $0x2  }
0xd9: {  	s0 =	rddreg [dreg:$0x0];
	s2 =	stileid.u32  }
0xda: {  	s1 =	rddreg [dreg:$0x1];
	p0 =	sne.s32 s2, $0x0  }
0xdb: {  	s3 =	rddreg [dreg:$0x2];
	[bflag:$0x3] =	sbarrier.arrive $0xFFFF;
	s2 =	simm.s32 @!p0 $0x1C0D  }
0xdc: {  	[timem:s3], [sflag:s2] =	dma.local @!p0 [hbm:s0], s1  }
0xdd: {  	s0 =	simm.s32 @!p0 $0xD  }
0xde: {  	_ =	swait.ge @!p0 [sflag:s0], s1  }
0xdf: {  	s1 =	ssub.s32 @!p0 $0x0, s1;
	[sflag:s0] =	ssyncset.done @!p0 $0x0  }
0xe0: {  	[sflag:s0] =	ssyncadd.s32 @!p0 s1  }
0xe1: {  	[bflag:$0x3] =	sbarrier.arrive $0xFFFF  }
0xe2: {  	_ =	shalt  }

</sc_bundles>
